<compile_context>
chip_gen: v7x
topology: tpu7x:2x2x1
jax: 0.10.2.dev20260603
libtpu: 0.0.44.dev20260713+nightly
codegen_flags: <defaults>
</compile_context>

<pallas_src>
import functools

import jax
import jax.numpy as jnp
from jax import lax
from jax.experimental import pallas as pl
from jax.experimental.pallas import tpu as pltpu
from jax.experimental.pallas import tpu_sc as plsc

LAT_MIN, LAT_MAX = -90.0, 90.0
LON_MIN, LON_MAX = -180.0, 180.0

NC = 2
NS = 16
NW = NC * NS
GW = 128


@functools.lru_cache(maxsize=None)
def _build(B, L):
    CW = B // NW
    GPC = CW // GW
    n_chunks = L
    pairs = n_chunks // 2

    mesh = plsc.VectorSubcoreMesh(core_axis_name="c", subcore_axis_name="s")

    @functools.partial(
        pl.kernel,
        mesh=mesh,
        out_type=jax.ShapeDtypeStruct((L * 16, B), jnp.float32),
        compiler_params=pltpu.CompilerParams(
            needs_layout_passes=False, use_tc_tiling_on_sc=False),
        scratch_types=[
            pltpu.VMEM((2, GPC, GW), jnp.int32),
            pltpu.VMEM((2, CW), jnp.float32),
            pltpu.VMEM((2, CW), jnp.float32),
            pltpu.VMEM((2, CW, 16), jnp.float32),
            pltpu.VMEM((2, 16, CW), jnp.float32),
            pltpu.VMEM((18, 16), jnp.float32),
            [pltpu.SemaphoreType.DMA] * 6,
        ],
    )
    def k(tab_hbm, idx_hbm, lat_hbm, lon_hbm, const_hbm, out_hbm,
          idx_v, lat_v, lon_v, g_v, x_v, const_v, sems):
        isem, gsem, osem = sems[0:2], sems[2:4], sems[4:6]
        wid = lax.axis_index("s") * NC + lax.axis_index("c")
        col0 = wid * CW
        pltpu.sync_copy(const_hbm, const_v)
        iota = lax.iota(jnp.int32, 16)
        ca = [const_v[3 * c] for c in range(6)]
        cb = [const_v[3 * c + 1] for c in range(6)]
        cc = [const_v[3 * c + 2] for c in range(6)]
        mask6 = iota >= 6

        def in_start(c, b):
            for j in range(GPC):
                pltpu.async_copy(idx_hbm.at[c, pl.ds(col0 + j * GW, GW)],
                                 idx_v.at[b, j], isem[b])
            pltpu.async_copy(lat_hbm.at[c, pl.ds(col0, CW)],
                             lat_v.at[b], isem[b])
            pltpu.async_copy(lon_hbm.at[c, pl.ds(col0, CW)],
                             lon_v.at[b], isem[b])

        def in_wait(b):
            for j in range(GPC):
                pltpu.make_async_copy(idx_hbm.at[0, pl.ds(col0, GW)],
                                      idx_v.at[b, j], isem[b]).wait()
            pltpu.make_async_copy(lat_hbm.at[0, pl.ds(col0, CW)],
                                  lat_v.at[b], isem[b]).wait()
            pltpu.make_async_copy(lon_hbm.at[0, pl.ds(col0, CW)],
                                  lon_v.at[b], isem[b]).wait()

        def gather_start(b):
            for j in range(GPC):
                pltpu.async_copy(tab_hbm.at[idx_v.at[b, j]],
                                 g_v.at[b, pl.ds(j * GW, GW)], gsem[b])

        def gather_wait(b):
            for j in range(GPC):
                pltpu.make_async_copy(tab_hbm.at[idx_v.at[b, j]],
                                      g_v.at[b, pl.ds(j * GW, GW)],
                                      gsem[b]).wait()

        def out_start(c, b):
            pltpu.async_copy(x_v.at[b],
                             out_hbm.at[pl.ds(c * 16, 16), pl.ds(col0, CW)],
                             osem[b])

        def out_wait(b):
            pltpu.make_async_copy(x_v.at[b],
                                  out_hbm.at[pl.ds(0, 16), pl.ds(col0, CW)],
                                  osem[b]).wait()

        def coords(b):
            def group_body(g, carry):
                lat = lat_v[b, pl.ds(g * 16, 16)]
                lon = lon_v[b, pl.ds(g * 16, 16)]
                for c in range(6):
                    x_v[b, c, pl.ds(g * 16, 16)] = (
                        lat * ca[c] + lon * cb[c] + cc[c])
                return carry
            lax.fori_loop(0, CW // 16, group_body, 0)

        def embed(b):
            jcols = [jnp.full((16,), j, jnp.int32) for j in range(6, 16)]

            def group_body(g, carry):
                tvec = g * 16 + iota
                for j in range(6, 16):
                    vals = plsc.load_gather(g_v.at[b], [tvec, jcols[j - 6]])
                    x_v[b, j, pl.ds(g * 16, 16)] = vals
                return carry
            lax.fori_loop(0, CW // 16, group_body, 0)

        def half(c, b):
            gather_wait(b)

            @pl.when(c + 1 < n_chunks)
            def _():
                in_wait(1 - b)
                gather_start(1 - b)

            embed(b)
            out_start(c, b)

            @pl.when(c + 1 < n_chunks)
            def _():
                @pl.when(c > 0)
                def _():
                    out_wait(1 - b)
                coords(1 - b)

            @pl.when(c + 2 < n_chunks)
            def _():
                in_start(c + 2, b)

        in_start(0, 0)
        in_start(1, 1)
        in_wait(0)
        gather_start(0)
        coords(0)

        def pair_body(j, carry):
            half(2 * j, 0)
            half(2 * j + 1, 1)
            return carry
        lax.fori_loop(0, pairs, pair_body, 0)

        out_wait(0)
        out_wait(1)

    return k


def kernel(location, region_id, coord_W, coord_b, region_table):
    B, L, _ = location.shape
    V = region_table.shape[0]

    ridT = region_id.T
    latT = location[:, :, 0].T
    lonT = location[:, :, 1].T

    one = 1.0 + 0.0 * coord_b[0]
    tab_pad = jnp.pad(region_table, ((0, 0), (6, 0))) * one

    a = coord_W[:, 0] * (1.0 / (LAT_MAX - LAT_MIN))
    b_ = coord_W[:, 1] * (1.0 / (LON_MAX - LON_MIN))
    c_ = (coord_b
          + coord_W[:, 0] * (-LAT_MIN / (LAT_MAX - LAT_MIN))
          + coord_W[:, 1] * (-LON_MIN / (LON_MAX - LON_MIN)))
    consts = jnp.stack([a, b_, c_], axis=1).reshape(18)
    consts16 = jnp.broadcast_to(consts[:, None], (18, 16))

    out = _build(B, L)(tab_pad, ridT, latT, lonT, consts16)
    return out.reshape(L, 16, B).transpose(2, 0, 1)

# --- scband reference (transcript-rebuilt; emitter-appended) ---
"""Pipeline reference for scband-geo-key-encoder-31499290149143 (READ-ONLY COPY).

The authoritative reference and input builder live on the scoring server;
editing this copy changes nothing except your own understanding.
"""

import jax, jax.numpy as jnp
import numpy as np

LAT_MIN, LAT_MAX = -90.0, 90.0
LON_MIN, LON_MAX = -180.0, 180.0
REGION_NUM = 100000
B, L = 16384, 200

def setup_inputs(seed: int = 0) -> dict:
    key = jax.random.key(seed)
    k1, k2, k3, k4, k5 = jax.random.split(key, 5)
    location = jax.random.normal(k1, (B, L, 2), dtype=jnp.float32)
    region_id = jax.random.randint(k2, (B, L), 0, REGION_NUM, dtype=jnp.int32)
    # Linear(2, 6): weight [6,2] torch convention, bias [6]
    coord_W = jax.random.normal(k3, (6, 2), dtype=jnp.float32) * (1.0 / np.sqrt(2.0))
    coord_b = jax.random.normal(k4, (6,), dtype=jnp.float32) * 0.01
    # Embedding(REGION_NUM, 10)
    region_table = jax.random.normal(k5, (REGION_NUM, 10), dtype=jnp.float32)
    return {"location": location, "region_id": region_id, "coord_W": coord_W, "coord_b": coord_b, "region_table": region_table}

def reference(location, region_id, coord_W, coord_b, region_table):
    lat = (location[:, :, 0] - LAT_MIN) / (LAT_MAX - LAT_MIN)
    lon = (location[:, :, 1] - LON_MIN) / (LON_MAX - LON_MIN)
    loc_norm = jnp.stack([lat, lon], axis=-1)
    # coord_emb = loc_norm @ W.T + b  (torch Linear semantics)
    coord_emb = jnp.einsum('blc,oc->blo', loc_norm, coord_W) + coord_b
    # region embedding: gather rows
    region_emb = jnp.take(region_table, region_id, axis=0)
    return jnp.concatenate([coord_emb, region_emb], axis=-1)

if __name__ == "__main__":
    import jax
    _d = setup_inputs()
    print(jax.jit(kernel)(*tuple(_d.values())))

</pallas_src>

<mosaic_0001>
#map = affine_map<(d0, d1) -> (0, 0)>
module attributes {stable_mosaic.version = 14 : i64} {
  func.func @k(%arg0: i32, %arg1: i32, %arg2: memref<100000x16xf32, #tpu.memory_space<hbm>>, %arg3: memref<200x16384xi32, #tpu.memory_space<hbm>>, %arg4: memref<200x16384xf32, #tpu.memory_space<hbm>>, %arg5: memref<200x16384xf32, #tpu.memory_space<hbm>>, %arg6: memref<18x16xf32, #tpu.memory_space<hbm>>, %arg7: memref<3200x16384xf32, #tpu.memory_space<hbm>>, %arg8: memref<2x4x128xi32, #tpu.memory_space<vmem>>, %arg9: memref<2x512xf32, #tpu.memory_space<vmem>>, %arg10: memref<2x512xf32, #tpu.memory_space<vmem>>, %arg11: memref<2x512x16xf32, #tpu.memory_space<vmem>>, %arg12: memref<2x16x512xf32, #tpu.memory_space<vmem>>, %arg13: memref<18x16xf32, #tpu.memory_space<vmem>>, %arg14: memref<!tpu.dma_semaphore, #tpu.memory_space<semaphore_mem>>, %arg15: memref<!tpu.dma_semaphore, #tpu.memory_space<semaphore_mem>>, %arg16: memref<!tpu.dma_semaphore, #tpu.memory_space<semaphore_mem>>, %arg17: memref<!tpu.dma_semaphore, #tpu.memory_space<semaphore_mem>>, %arg18: memref<!tpu.dma_semaphore, #tpu.memory_space<semaphore_mem>>, %arg19: memref<!tpu.dma_semaphore, #tpu.memory_space<semaphore_mem>>) attributes {dimension_semantics = [#tpu.dimension_semantics<core_parallel>, #tpu.dimension_semantics<subcore_parallel>], iteration_bounds = array<i64: 2, 16>, scalar_prefetch = 0 : i64, scratch_operands = 12 : i64, tpu.core_type = #tpu.core_type<sc_vector_subcore>, window_params = [{transform_indices = #map}, {transform_indices = #map}, {transform_indices = #map}, {transform_indices = #map}, {transform_indices = #map}, {transform_indices = #map}]} {
    %mul3A = arith.constant 2 : i32
    %mul3A_0 = arith.muli %arg1, %mul3A : i32
    %add3A = arith.addi %mul3A_0, %arg0 : i32
    %mul3A_1 = arith.constant 512 : i32
    %mul3A_2 = arith.muli %add3A, %mul3A_1 : i32
    "tpu.region"() ({
      %run_scoped3A = tpu.sem_alloc : memref<!tpu.dma_semaphore, #tpu.memory_space<semaphore_mem>>
      tpu.enqueue_dma source(%arg6 : memref<18x16xf32, #tpu.memory_space<hbm>>) target(%arg13 : memref<18x16xf32, #tpu.memory_space<vmem>>) target_semaphore(%run_scoped3A : memref<!tpu.dma_semaphore, #tpu.memory_space<semaphore_mem>>)
      tpu.wait_dma2 semaphore(%run_scoped3A : memref<!tpu.dma_semaphore, #tpu.memory_space<semaphore_mem>>) src(%arg6 : memref<18x16xf32, #tpu.memory_space<hbm>>) dst(%arg13 : memref<18x16xf32, #tpu.memory_space<vmem>>)
      tpu.yield
    }) : () -> ()
    %iota3A = tpu.iota {dimensions = array<i32: 0>} : vector<16xi32>
    %get3A = arith.constant 0 : i32
    %get3A_3 = arith.index_cast %get3A : i32 to index
    %get3A_4 = arith.constant 0 : index
    %get3A_5 = tpu.vector_load %arg13[%get3A_3, %get3A_4] {strides = array<i32>} : memref<18x16xf32, #tpu.memory_space<vmem>>, vector<16xf32>,
    %get3A_6 = arith.constant 3 : i32
    %get3A_7 = arith.index_cast %get3A_6 : i32 to index
    %get3A_8 = arith.constant 0 : index
    %get3A_9 = tpu.vector_load %arg13[%get3A_7, %get3A_8] {strides = array<i32>} : memref<18x16xf32, #tpu.memory_space<vmem>>, vector<16xf32>,
    %get3A_10 = arith.constant 6 : i32
    %get3A_11 = arith.index_cast %get3A_10 : i32 to index
    %get3A_12 = arith.constant 0 : index
    %get3A_13 = tpu.vector_load %arg13[%get3A_11, %get3A_12] {strides = array<i32>} : memref<18x16xf32, #tpu.memory_space<vmem>>, vector<16xf32>,
    %get3A_14 = arith.constant 9 : i32
    %get3A_15 = arith.index_cast %get3A_14 : i32 to index
    %get3A_16 = arith.constant 0 : index
    %get3A_17 = tpu.vector_load %arg13[%get3A_15, %get3A_16] {strides = array<i32>} : memref<18x16xf32, #tpu.memory_space<vmem>>, vector<16xf32>,
    %get3A_18 = arith.constant 12 : i32
    %get3A_19 = arith.index_cast %get3A_18 : i32 to index
    %get3A_20 = arith.constant 0 : index
    %get3A_21 = tpu.vector_load %arg13[%get3A_19, %get3A_20] {strides = array<i32>} : memref<18x16xf32, #tpu.memory_space<vmem>>, vector<16xf32>,
    %get3A_22 = arith.constant 15 : i32
    %get3A_23 = arith.index_cast %get3A_22 : i32 to index
    %get3A_24 = arith.constant 0 : index
    %get3A_25 = tpu.vector_load %arg13[%get3A_23, %get3A_24] {strides = array<i32>} : memref<18x16xf32, #tpu.memory_space<vmem>>, vector<16xf32>,
    %get3A_26 = arith.constant 1 : i32
    %get3A_27 = arith.index_cast %get3A_26 : i32 to index
    %get3A_28 = arith.constant 0 : index
    %get3A_29 = tpu.vector_load %arg13[%get3A_27, %get3A_28] {strides = array<i32>} : memref<18x16xf32, #tpu.memory_space<vmem>>, vector<16xf32>,
    %get3A_30 = arith.constant 4 : i32
    %get3A_31 = arith.index_cast %get3A_30 : i32 to index
    %get3A_32 = arith.constant 0 : index
    %get3A_33 = tpu.vector_load %arg13[%get3A_31, %get3A_32] {strides = array<i32>} : memref<18x16xf32, #tpu.memory_space<vmem>>, vector<16xf32>,
    %get3A_34 = arith.constant 7 : i32
    %get3A_35 = arith.index_cast %get3A_34 : i32 to index
    %get3A_36 = arith.constant 0 : index
    %get3A_37 = tpu.vector_load %arg13[%get3A_35, %get3A_36] {strides = array<i32>} : memref<18x16xf32, #tpu.memory_space<vmem>>, vector<16xf32>,
    %get3A_38 = arith.constant 10 : i32
    %get3A_39 = arith.index_cast %get3A_38 : i32 to index
    %get3A_40 = arith.constant 0 : index
    %get3A_41 = tpu.vector_load %arg13[%get3A_39, %get3A_40] {strides = array<i32>} : memref<18x16xf32, #tpu.memory_space<vmem>>, vector<16xf32>,
    %get3A_42 = arith.constant 13 : i32
    %get3A_43 = arith.index_cast %get3A_42 : i32 to index
    %get3A_44 = arith.constant 0 : index
    %get3A_45 = tpu.vector_load %arg13[%get3A_43, %get3A_44] {strides = array<i32>} : memref<18x16xf32, #tpu.memory_space<vmem>>, vector<16xf32>,
    %get3A_46 = arith.constant 16 : i32
    %get3A_47 = arith.index_cast %get3A_46 : i32 to index
    %get3A_48 = arith.constant 0 : index
    %get3A_49 = tpu.vector_load %arg13[%get3A_47, %get3A_48] {strides = array<i32>} : memref<18x16xf32, #tpu.memory_space<vmem>>, vector<16xf32>,
    %get3A_50 = arith.constant 2 : i32
    %get3A_51 = arith.index_cast %get3A_50 : i32 to index
    %get3A_52 = arith.constant 0 : index
    %get3A_53 = tpu.vector_load %arg13[%get3A_51, %get3A_52] {strides = array<i32>} : memref<18x16xf32, #tpu.memory_space<vmem>>, vector<16xf32>,
    %get3A_54 = arith.constant 5 : i32
    %get3A_55 = arith.index_cast %get3A_54 : i32 to index
    %get3A_56 = arith.constant 0 : index
    %get3A_57 = tpu.vector_load %arg13[%get3A_55, %get3A_56] {strides = array<i32>} : memref<18x16xf32, #tpu.memory_space<vmem>>, vector<16xf32>,
    %get3A_58 = arith.constant 8 : i32
    %get3A_59 = arith.index_cast %get3A_58 : i32 to index
    %get3A_60 = arith.constant 0 : index
    %get3A_61 = tpu.vector_load %arg13[%get3A_59, %get3A_60] {strides = array<i32>} : memref<18x16xf32, #tpu.memory_space<vmem>>, vector<16xf32>,
    %get3A_62 = arith.constant 11 : i32
    %get3A_63 = arith.index_cast %get3A_62 : i32 to index
    %get3A_64 = arith.constant 0 : index
    %get3A_65 = tpu.vector_load %arg13[%get3A_63, %get3A_64] {strides = array<i32>} : memref<18x16xf32, #tpu.memory_space<vmem>>, vector<16xf32>,
    %get3A_66 = arith.constant 14 : i32
    %get3A_67 = arith.index_cast %get3A_66 : i32 to index
    %get3A_68 = arith.constant 0 : index
    %get3A_69 = tpu.vector_load %arg13[%get3A_67, %get3A_68] {strides = array<i32>} : memref<18x16xf32, #tpu.memory_space<vmem>>, vector<16xf32>,
    %get3A_70 = arith.constant 17 : i32
    %get3A_71 = arith.index_cast %get3A_70 : i32 to index
    %get3A_72 = arith.constant 0 : index
    %get3A_73 = tpu.vector_load %arg13[%get3A_71, %get3A_72] {strides = array<i32>} : memref<18x16xf32, #tpu.memory_space<vmem>>, vector<16xf32>,
    %ge3A = arith.constant 6 : i32
    %ge3A_74 = vector.broadcast %ge3A : i32 to vector<16xi32>
    %ge3A_75 = arith.cmpi sge, %iota3A, %ge3A_74 : vector<16xi32>
    %add3A_76 = arith.constant 0 : i32
    %add3A_77 = arith.addi %mul3A_2, %add3A_76 : i32
    %dma_start3A = arith.constant 0 : i32
    %dma_start3A_78 = arith.constant 0 : i32
    %dma_start3A_79 = arith.constant 0 : i32
    %dma_start3A_80 = arith.constant 0 : i32
    %dma_start3A_81 = tpu.memref_slice %arg8[%dma_start3A_78, %dma_start3A_79, %dma_start3A_80] : memref<2x4x128xi32, #tpu.memory_space<vmem>> -> memref<1x1x128xi32, #tpu.memory_space<vmem>>
    %dma_start3A_82 = tpu.memref_squeeze %dma_start3A_81 : memref<1x1x128xi32, #tpu.memory_space<vmem>> -> memref<128xi32, #tpu.memory_space<vmem>>
    %dma_start3A_83 = tpu.memref_slice %arg3[%dma_start3A, %add3A_77] : memref<200x16384xi32, #tpu.memory_space<hbm>> -> memref<1x128xi32, #tpu.memory_space<hbm>>
    %dma_start3A_84 = tpu.memref_squeeze %dma_start3A_83 : memref<1x128xi32, #tpu.memory_space<hbm>> -> memref<128xi32, #tpu.memory_space<hbm>>
    %dma_start3A_85 = arith.constant 0 : i32
    %dma_start3A_86 = tpu.memref_slice %arg8[%dma_start3A_78, %dma_start3A_79, %dma_start3A_85] : memref<2x4x128xi32, #tpu.memory_space<vmem>> -> memref<1x1x128xi32, #tpu.memory_space<vmem>>
    %dma_start3A_87 = tpu.memref_squeeze %dma_start3A_86 : memref<1x1x128xi32, #tpu.memory_space<vmem>> -> memref<128xi32, #tpu.memory_space<vmem>>
    %dma_start3A_88 = tpu.memref_slice %arg3[%dma_start3A, %add3A_77] : memref<200x16384xi32, #tpu.memory_space<hbm>> -> memref<1x128xi32, #tpu.memory_space<hbm>>
    %dma_start3A_89 = tpu.memref_squeeze %dma_start3A_88 : memref<1x128xi32, #tpu.memory_space<hbm>> -> memref<128xi32, #tpu.memory_space<hbm>>
    tpu.enqueue_dma source(%dma_start3A_89 : memref<128xi32, #tpu.memory_space<hbm>>) target(%dma_start3A_87 : memref<128xi32, #tpu.memory_space<vmem>>) target_semaphore(%arg14 : memref<!tpu.dma_semaphore, #tpu.memory_space<semaphore_mem>>)
    %add3A_90 = arith.constant 128 : i32
    %add3A_91 = arith.addi %mul3A_2, %add3A_90 : i32
    %dma_start3A_92 = arith.constant 0 : i32
    %dma_start3A_93 = arith.constant 0 : i32
    %dma_start3A_94 = arith.constant 1 : i32
    %dma_start3A_95 = arith.constant 0 : i32
    %dma_start3A_96 = tpu.memref_slice %arg8[%dma_start3A_93, %dma_start3A_94, %dma_start3A_95] : memref<2x4x128xi32, #tpu.memory_space<vmem>> -> memref<1x1x128xi32, #tpu.memory_space<vmem>>
    %dma_start3A_97 = tpu.memref_squeeze %dma_start3A_96 : memref<1x1x128xi32, #tpu.memory_space<vmem>> -> memref<128xi32, #tpu.memory_space<vmem>>
    %dma_start3A_98 = tpu.memref_slice %arg3[%dma_start3A_92, %add3A_91] : memref<200x16384xi32, #tpu.memory_space<hbm>> -> memref<1x128xi32, #tpu.memory_space<hbm>>
    %dma_start3A_99 = tpu.memref_squeeze %dma_start3A_98 : memref<1x128xi32, #tpu.memory_space<hbm>> -> memref<128xi32, #tpu.memory_space<hbm>>
    %dma_start3A_100 = arith.constant 0 : i32
    %dma_start3A_101 = tpu.memref_slice %arg8[%dma_start3A_93, %dma_start3A_94, %dma_start3A_100] : memref<2x4x128xi32, #tpu.memory_space<vmem>> -> memref<1x1x128xi32, #tpu.memory_space<vmem>>
    %dma_start3A_102 = tpu.memref_squeeze %dma_start3A_101 : memref<1x1x128xi32, #tpu.memory_space<vmem>> -> memref<128xi32, #tpu.memory_space<vmem>>
    %dma_start3A_103 = tpu.memref_slice %arg3[%dma_start3A_92, %add3A_91] : memref<200x16384xi32, #tpu.memory_space<hbm>> -> memref<1x128xi32, #tpu.memory_space<hbm>>
    %dma_start3A_104 = tpu.memref_squeeze %dma_start3A_103 : memref<1x128xi32, #tpu.memory_space<hbm>> -> memref<128xi32, #tpu.memory_space<hbm>>
    tpu.enqueue_dma source(%dma_start3A_104 : memref<128xi32, #tpu.memory_space<hbm>>) target(%dma_start3A_102 : memref<128xi32, #tpu.memory_space<vmem>>) target_semaphore(%arg14 : memref<!tpu.dma_semaphore, #tpu.memory_space<semaphore_mem>>)
    %add3A_105 = arith.constant 256 : i32
    %add3A_106 = arith.addi %mul3A_2, %add3A_105 : i32
    %dma_start3A_107 = arith.constant 0 : i32
    %dma_start3A_108 = arith.constant 0 : i32
    %dma_start3A_109 = arith.constant 2 : i32
    %dma_start3A_110 = arith.constant 0 : i32
    %dma_start3A_111 = tpu.memref_slice %arg8[%dma_start3A_108, %dma_start3A_109, %dma_start3A_110] : memref<2x4x128xi32, #tpu.memory_space<vmem>> -> memref<1x1x128xi32, #tpu.memory_space<vmem>>
    %dma_start3A_112 = tpu.memref_squeeze %dma_start3A_111 : memref<1x1x128xi32, #tpu.memory_space<vmem>> -> memref<128xi32, #tpu.memory_space<vmem>>
    %dma_start3A_113 = tpu.memref_slice %arg3[%dma_start3A_107, %add3A_106] : memref<200x16384xi32, #tpu.memory_space<hbm>> -> memref<1x128xi32, #tpu.memory_space<hbm>>
    %dma_start3A_114 = tpu.memref_squeeze %dma_start3A_113 : memref<1x128xi32, #tpu.memory_space<hbm>> -> memref<128xi32, #tpu.memory_space<hbm>>
    %dma_start3A_115 = arith.constant 0 : i32
    %dma_start3A_116 = tpu.memref_slice %arg8[%dma_start3A_108, %dma_start3A_109, %dma_start3A_115] : memref<2x4x128xi32, #tpu.memory_space<vmem>> -> memref<1x1x128xi32, #tpu.memory_space<vmem>>
    %dma_start3A_117 = tpu.memref_squeeze %dma_start3A_116 : memref<1x1x128xi32, #tpu.memory_space<vmem>> -> memref<128xi32, #tpu.memory_space<vmem>>
    %dma_start3A_118 = tpu.memref_slice %arg3[%dma_start3A_107, %add3A_106] : memref<200x16384xi32, #tpu.memory_space<hbm>> -> memref<1x128xi32, #tpu.memory_space<hbm>>
    %dma_start3A_119 = tpu.memref_squeeze %dma_start3A_118 : memref<1x128xi32, #tpu.memory_space<hbm>> -> memref<128xi32, #tpu.memory_space<hbm>>
    tpu.enqueue_dma source(%dma_start3A_119 : memref<128xi32, #tpu.memory_space<hbm>>) target(%dma_start3A_117 : memref<128xi32, #tpu.memory_space<vmem>>) target_semaphore(%arg14 : memref<!tpu.dma_semaphore, #tpu.memory_space<semaphore_mem>>)
    %add3A_120 = arith.constant 384 : i32
    %add3A_121 = arith.addi %mul3A_2, %add3A_120 : i32
    %dma_start3A_122 = arith.constant 0 : i32
    %dma_start3A_123 = arith.constant 0 : i32
    %dma_start3A_124 = arith.constant 3 : i32
    %dma_start3A_125 = arith.constant 0 : i32
    %dma_start3A_126 = tpu.memref_slice %arg8[%dma_start3A_123, %dma_start3A_124, %dma_start3A_125] : memref<2x4x128xi32, #tpu.memory_space<vmem>> -> memref<1x1x128xi32, #tpu.memory_space<vmem>>
    %dma_start3A_127 = tpu.memref_squeeze %dma_start3A_126 : memref<1x1x128xi32, #tpu.memory_space<vmem>> -> memref<128xi32, #tpu.memory_space<vmem>>
    %dma_start3A_128 = tpu.memref_slice %arg3[%dma_start3A_122, %add3A_121] : memref<200x16384xi32, #tpu.memory_space<hbm>> -> memref<1x128xi32, #tpu.memory_space<hbm>>
    %dma_start3A_129 = tpu.memref_squeeze %dma_start3A_128 : memref<1x128xi32, #tpu.memory_space<hbm>> -> memref<128xi32, #tpu.memory_space<hbm>>
    %dma_start3A_130 = arith.constant 0 : i32
    %dma_start3A_131 = tpu.memref_slice %arg8[%dma_start3A_123, %dma_start3A_124, %dma_start3A_130] : memref<2x4x128xi32, #tpu.memory_space<vmem>> -> memref<1x1x128xi32, #tpu.memory_space<vmem>>
    %dma_start3A_132 = tpu.memref_squeeze %dma_start3A_131 : memref<1x1x128xi32, #tpu.memory_space<vmem>> -> memref<128xi32, #tpu.memory_space<vmem>>
    %dma_start3A_133 = tpu.memref_slice %arg3[%dma_start3A_122, %add3A_121] : memref<200x16384xi32, #tpu.memory_space<hbm>> -> memref<1x128xi32, #tpu.memory_space<hbm>>
    %dma_start3A_134 = tpu.memref_squeeze %dma_start3A_133 : memref<1x128xi32, #tpu.memory_space<hbm>> -> memref<128xi32, #tpu.memory_space<hbm>>
    tpu.enqueue_dma source(%dma_start3A_134 : memref<128xi32, #tpu.memory_space<hbm>>) target(%dma_start3A_132 : memref<128xi32, #tpu.memory_space<vmem>>) target_semaphore(%arg14 : memref<!tpu.dma_semaphore, #tpu.memory_space<semaphore_mem>>)
    %dma_start3A_135 = arith.constant 0 : i32
    %dma_start3A_136 = arith.constant 0 : i32
    %dma_start3A_137 = arith.constant 0 : i32
    %dma_start3A_138 = tpu.memref_slice %arg9[%dma_start3A_136, %dma_start3A_137] : memref<2x512xf32, #tpu.memory_space<vmem>> -> memref<1x512xf32, #tpu.memory_space<vmem>>
    %dma_start3A_139 = tpu.memref_squeeze %dma_start3A_138 : memref<1x512xf32, #tpu.memory_space<vmem>> -> memref<512xf32, #tpu.memory_space<vmem>>
    %dma_start3A_140 = tpu.memref_slice %arg4[%dma_start3A_135, %mul3A_2] : memref<200x16384xf32, #tpu.memory_space<hbm>> -> memref<1x512xf32, #tpu.memory_space<hbm>>
    %dma_start3A_141 = tpu.memref_squeeze %dma_start3A_140 : memref<1x512xf32, #tpu.memory_space<hbm>> -> memref<512xf32, #tpu.memory_space<hbm>>
    %dma_start3A_142 = arith.constant 0 : i32
    %dma_start3A_143 = tpu.memref_slice %arg9[%dma_start3A_136, %dma_start3A_142] : memref<2x512xf32, #tpu.memory_space<vmem>> -> memref<1x512xf32, #tpu.memory_space<vmem>>
    %dma_start3A_144 = tpu.memref_squeeze %dma_start3A_143 : memref<1x512xf32, #tpu.memory_space<vmem>> -> memref<512xf32, #tpu.memory_space<vmem>>
    %dma_start3A_145 = tpu.memref_slice %arg4[%dma_start3A_135, %mul3A_2] : memref<200x16384xf32, #tpu.memory_space<hbm>> -> memref<1x512xf32, #tpu.memory_space<hbm>>
    %dma_start3A_146 = tpu.memref_squeeze %dma_start3A_145 : memref<1x512xf32, #tpu.memory_space<hbm>> -> memref<512xf32, #tpu.memory_space<hbm>>
    tpu.enqueue_dma source(%dma_start3A_146 : memref<512xf32, #tpu.memory_space<hbm>>) target(%dma_start3A_144 : memref<512xf32, #tpu.memory_space<vmem>>) target_semaphore(%arg14 : memref<!tpu.dma_semaphore, #tpu.memory_space<semaphore_mem>>)
    %dma_start3A_147 = arith.constant 0 : i32
    %dma_start3A_148 = arith.constant 0 : i32
    %dma_start3A_149 = arith.constant 0 : i32
    %dma_start3A_150 = tpu.memref_slice %arg10[%dma_start3A_148, %dma_start3A_149] : memref<2x512xf32, #tpu.memory_space<vmem>> -> memref<1x512xf32, #tpu.memory_space<vmem>>
    %dma_start3A_151 = tpu.memref_squeeze %dma_start3A_150 : memref<1x512xf32, #tpu.memory_space<vmem>> -> memref<512xf32, #tpu.memory_space<vmem>>
    %dma_start3A_152 = tpu.memref_slice %arg5[%dma_start3A_147, %mul3A_2] : memref<200x16384xf32, #tpu.memory_space<hbm>> -> memref<1x512xf32, #tpu.memory_space<hbm>>
    %dma_start3A_153 = tpu.memref_squeeze %dma_start3A_152 : memref<1x512xf32, #tpu.memory_space<hbm>> -> memref<512xf32, #tpu.memory_space<hbm>>
    %dma_start3A_154 = arith.constant 0 : i32
    %dma_start3A_155 = tpu.memref_slice %arg10[%dma_start3A_148, %dma_start3A_154] : memref<2x512xf32, #tpu.memory_space<vmem>> -> memref<1x512xf32, #tpu.memory_space<vmem>>
    %dma_start3A_156 = tpu.memref_squeeze %dma_start3A_155 : memref<1x512xf32, #tpu.memory_space<vmem>> -> memref<512xf32, #tpu.memory_space<vmem>>
    %dma_start3A_157 = tpu.memref_slice %arg5[%dma_start3A_147, %mul3A_2] : memref<200x16384xf32, #tpu.memory_space<hbm>> -> memref<1x512xf32, #tpu.memory_space<hbm>>
    %dma_start3A_158 = tpu.memref_squeeze %dma_start3A_157 : memref<1x512xf32, #tpu.memory_space<hbm>> -> memref<512xf32, #tpu.memory_space<hbm>>
    tpu.enqueue_dma source(%dma_start3A_158 : memref<512xf32, #tpu.memory_space<hbm>>) target(%dma_start3A_156 : memref<512xf32, #tpu.memory_space<vmem>>) target_semaphore(%arg14 : memref<!tpu.dma_semaphore, #tpu.memory_space<semaphore_mem>>)
    %add3A_159 = arith.constant 0 : i32
    %add3A_160 = arith.addi %mul3A_2, %add3A_159 : i32
    %dma_start3A_161 = arith.constant 1 : i32
    %dma_start3A_162 = arith.constant 1 : i32
    %dma_start3A_163 = arith.constant 0 : i32
    %dma_start3A_164 = arith.constant 0 : i32
    %dma_start3A_165 = tpu.memref_slice %arg8[%dma_start3A_162, %dma_start3A_163, %dma_start3A_164] : memref<2x4x128xi32, #tpu.memory_space<vmem>> -> memref<1x1x128xi32, #tpu.memory_space<vmem>>
    %dma_start3A_166 = tpu.memref_squeeze %dma_start3A_165 : memref<1x1x128xi32, #tpu.memory_space<vmem>> -> memref<128xi32, #tpu.memory_space<vmem>>
    %dma_start3A_167 = tpu.memref_slice %arg3[%dma_start3A_161, %add3A_160] : memref<200x16384xi32, #tpu.memory_space<hbm>> -> memref<1x128xi32, #tpu.memory_space<hbm>>
    %dma_start3A_168 = tpu.memref_squeeze %dma_start3A_167 : memref<1x128xi32, #tpu.memory_space<hbm>> -> memref<128xi32, #tpu.memory_space<hbm>>
    %dma_start3A_169 = arith.constant 0 : i32
    %dma_start3A_170 = tpu.memref_slice %arg8[%dma_start3A_162, %dma_start3A_163, %dma_start3A_169] : memref<2x4x128xi32, #tpu.memory_space<vmem>> -> memref<1x1x128xi32, #tpu.memory_space<vmem>>
    %dma_start3A_171 = tpu.memref_squeeze %dma_start3A_170 : memref<1x1x128xi32, #tpu.memory_space<vmem>> -> memref<128xi32, #tpu.memory_space<vmem>>
    %dma_start3A_172 = tpu.memref_slice %arg3[%dma_start3A_161, %add3A_160] : memref<200x16384xi32, #tpu.memory_space<hbm>> -> memref<1x128xi32, #tpu.memory_space<hbm>>
    %dma_start3A_173 = tpu.memref_squeeze %dma_start3A_172 : memref<1x128xi32, #tpu.memory_space<hbm>> -> memref<128xi32, #tpu.memory_space<hbm>>
    tpu.enqueue_dma source(%dma_start3A_173 : memref<128xi32, #tpu.memory_space<hbm>>) target(%dma_start3A_171 : memref<128xi32, #tpu.memory_space<vmem>>) target_semaphore(%arg15 : memref<!tpu.dma_semaphore, #tpu.memory_space<semaphore_mem>>)
    %add3A_174 = arith.constant 128 : i32
    %add3A_175 = arith.addi %mul3A_2, %add3A_174 : i32
    %dma_start3A_176 = arith.constant 1 : i32
    %dma_start3A_177 = arith.constant 1 : i32
    %dma_start3A_178 = arith.constant 1 : i32
    %dma_start3A_179 = arith.constant 0 : i32
    %dma_start3A_180 = tpu.memref_slice %arg8[%dma_start3A_177, %dma_start3A_178, %dma_start3A_179] : memref<2x4x128xi32, #tpu.memory_space<vmem>> -> memref<1x1x128xi32, #tpu.memory_space<vmem>>
    %dma_start3A_181 = tpu.memref_squeeze %dma_start3A_180 : memref<1x1x128xi32, #tpu.memory_space<vmem>> -> memref<128xi32, #tpu.memory_space<vmem>>
    %dma_start3A_182 = tpu.memref_slice %arg3[%dma_start3A_176, %add3A_175] : memref<200x16384xi32, #tpu.memory_space<hbm>> -> memref<1x128xi32, #tpu.memory_space<hbm>>
    %dma_start3A_183 = tpu.memref_squeeze %dma_start3A_182 : memref<1x128xi32, #tpu.memory_space<hbm>> -> memref<128xi32, #tpu.memory_space<hbm>>
    %dma_start3A_184 = arith.constant 0 : i32
    %dma_start3A_185 = tpu.memref_slice %arg8[%dma_start3A_177, %dma_start3A_178, %dma_start3A_184] : memref<2x4x128xi32, #tpu.memory_space<vmem>> -> memref<1x1x128xi32, #tpu.memory_space<vmem>>
    %dma_start3A_186 = tpu.memref_squeeze %dma_start3A_185 : memref<1x1x128xi32, #tpu.memory_space<vmem>> -> memref<128xi32, #tpu.memory_space<vmem>>
    %dma_start3A_187 = tpu.memref_slice %arg3[%dma_start3A_176, %add3A_175] : memref<200x16384xi32, #tpu.memory_space<hbm>> -> memref<1x128xi32, #tpu.memory_space<hbm>>
    %dma_start3A_188 = tpu.memref_squeeze %dma_start3A_187 : memref<1x128xi32, #tpu.memory_space<hbm>> -> memref<128xi32, #tpu.memory_space<hbm>>
    tpu.enqueue_dma source(%dma_start3A_188 : memref<128xi32, #tpu.memory_space<hbm>>) target(%dma_start3A_186 : memref<128xi32, #tpu.memory_space<vmem>>) target_semaphore(%arg15 : memref<!tpu.dma_semaphore, #tpu.memory_space<semaphore_mem>>)
    %add3A_189 = arith.constant 256 : i32
    %add3A_190 = arith.addi %mul3A_2, %add3A_189 : i32
    %dma_start3A_191 = arith.constant 1 : i32
    %dma_start3A_192 = arith.constant 1 : i32
    %dma_start3A_193 = arith.constant 2 : i32
    %dma_start3A_194 = arith.constant 0 : i32
    %dma_start3A_195 = tpu.memref_slice %arg8[%dma_start3A_192, %dma_start3A_193, %dma_start3A_194] : memref<2x4x128xi32, #tpu.memory_space<vmem>> -> memref<1x1x128xi32, #tpu.memory_space<vmem>>
    %dma_start3A_196 = tpu.memref_squeeze %dma_start3A_195 : memref<1x1x128xi32, #tpu.memory_space<vmem>> -> memref<128xi32, #tpu.memory_space<vmem>>
    %dma_start3A_197 = tpu.memref_slice %arg3[%dma_start3A_191, %add3A_190] : memref<200x16384xi32, #tpu.memory_space<hbm>> -> memref<1x128xi32, #tpu.memory_space<hbm>>
    %dma_start3A_198 = tpu.memref_squeeze %dma_start3A_197 : memref<1x128xi32, #tpu.memory_space<hbm>> -> memref<128xi32, #tpu.memory_space<hbm>>
    %dma_start3A_199 = arith.constant 0 : i32
    %dma_start3A_200 = tpu.memref_slice %arg8[%dma_start3A_192, %dma_start3A_193, %dma_start3A_199] : memref<2x4x128xi32, #tpu.memory_space<vmem>> -> memref<1x1x128xi32, #tpu.memory_space<vmem>>
    %dma_start3A_201 = tpu.memref_squeeze %dma_start3A_200 : memref<1x1x128xi32, #tpu.memory_space<vmem>> -> memref<128xi32, #tpu.memory_space<vmem>>
    %dma_start3A_202 = tpu.memref_slice %arg3[%dma_start3A_191, %add3A_190] : memref<200x16384xi32, #tpu.memory_space<hbm>> -> memref<1x128xi32, #tpu.memory_space<hbm>>
    %dma_start3A_203 = tpu.memref_squeeze %dma_start3A_202 : memref<1x128xi32, #tpu.memory_space<hbm>> -> memref<128xi32, #tpu.memory_space<hbm>>
    tpu.enqueue_dma source(%dma_start3A_203 : memref<128xi32, #tpu.memory_space<hbm>>) target(%dma_start3A_201 : memref<128xi32, #tpu.memory_space<vmem>>) target_semaphore(%arg15 : memref<!tpu.dma_semaphore, #tpu.memory_space<semaphore_mem>>)
    %add3A_204 = arith.constant 384 : i32
    %add3A_205 = arith.addi %mul3A_2, %add3A_204 : i32
    %dma_start3A_206 = arith.constant 1 : i32
    %dma_start3A_207 = arith.constant 1 : i32
    %dma_start3A_208 = arith.constant 3 : i32
    %dma_start3A_209 = arith.constant 0 : i32
    %dma_start3A_210 = tpu.memref_slice %arg8[%dma_start3A_207, %dma_start3A_208, %dma_start3A_209] : memref<2x4x128xi32, #tpu.memory_space<vmem>> -> memref<1x1x128xi32, #tpu.memory_space<vmem>>
    %dma_start3A_211 = tpu.memref_squeeze %dma_start3A_210 : memref<1x1x128xi32, #tpu.memory_space<vmem>> -> memref<128xi32, #tpu.memory_space<vmem>>
    %dma_start3A_212 = tpu.memref_slice %arg3[%dma_start3A_206, %add3A_205] : memref<200x16384xi32, #tpu.memory_space<hbm>> -> memref<1x128xi32, #tpu.memory_space<hbm>>
    %dma_start3A_213 = tpu.memref_squeeze %dma_start3A_212 : memref<1x128xi32, #tpu.memory_space<hbm>> -> memref<128xi32, #tpu.memory_space<hbm>>
    %dma_start3A_214 = arith.constant 0 : i32
    %dma_start3A_215 = tpu.memref_slice %arg8[%dma_start3A_207, %dma_start3A_208, %dma_start3A_214] : memref<2x4x128xi32, #tpu.memory_space<vmem>> -> memref<1x1x128xi32, #tpu.memory_space<vmem>>
    %dma_start3A_216 = tpu.memref_squeeze %dma_start3A_215 : memref<1x1x128xi32, #tpu.memory_space<vmem>> -> memref<128xi32, #tpu.memory_space<vmem>>
    %dma_start3A_217 = tpu.memref_slice %arg3[%dma_start3A_206, %add3A_205] : memref<200x16384xi32, #tpu.memory_space<hbm>> -> memref<1x128xi32, #tpu.memory_space<hbm>>
    %dma_start3A_218 = tpu.memref_squeeze %dma_start3A_217 : memref<1x128xi32, #tpu.memory_space<hbm>> -> memref<128xi32, #tpu.memory_space<hbm>>
    tpu.enqueue_dma source(%dma_start3A_218 : memref<128xi32, #tpu.memory_space<hbm>>) target(%dma_start3A_216 : memref<128xi32, #tpu.memory_space<vmem>>) target_semaphore(%arg15 : memref<!tpu.dma_semaphore, #tpu.memory_space<semaphore_mem>>)
    %dma_start3A_219 = arith.constant 1 : i32
    %dma_start3A_220 = arith.constant 1 : i32
    %dma_start3A_221 = arith.constant 0 : i32
    %dma_start3A_222 = tpu.memref_slice %arg9[%dma_start3A_220, %dma_start3A_221] : memref<2x512xf32, #tpu.memory_space<vmem>> -> memref<1x512xf32, #tpu.memory_space<vmem>>
    %dma_start3A_223 = tpu.memref_squeeze %dma_start3A_222 : memref<1x512xf32, #tpu.memory_space<vmem>> -> memref<512xf32, #tpu.memory_space<vmem>>
    %dma_start3A_224 = tpu.memref_slice %arg4[%dma_start3A_219, %mul3A_2] : memref<200x16384xf32, #tpu.memory_space<hbm>> -> memref<1x512xf32, #tpu.memory_space<hbm>>
    %dma_start3A_225 = tpu.memref_squeeze %dma_start3A_224 : memref<1x512xf32, #tpu.memory_space<hbm>> -> memref<512xf32, #tpu.memory_space<hbm>>
    %dma_start3A_226 = arith.constant 0 : i32
    %dma_start3A_227 = tpu.memref_slice %arg9[%dma_start3A_220, %dma_start3A_226] : memref<2x512xf32, #tpu.memory_space<vmem>> -> memref<1x512xf32, #tpu.memory_space<vmem>>
    %dma_start3A_228 = tpu.memref_squeeze %dma_start3A_227 : memref<1x512xf32, #tpu.memory_space<vmem>> -> memref<512xf32, #tpu.memory_space<vmem>>
    %dma_start3A_229 = tpu.memref_slice %arg4[%dma_start3A_219, %mul3A_2] : memref<200x16384xf32, #tpu.memory_space<hbm>> -> memref<1x512xf32, #tpu.memory_space<hbm>>
    %dma_start3A_230 = tpu.memref_squeeze %dma_start3A_229 : memref<1x512xf32, #tpu.memory_space<hbm>> -> memref<512xf32, #tpu.memory_space<hbm>>
    tpu.enqueue_dma source(%dma_start3A_230 : memref<512xf32, #tpu.memory_space<hbm>>) target(%dma_start3A_228 : memref<512xf32, #tpu.memory_space<vmem>>) target_semaphore(%arg15 : memref<!tpu.dma_semaphore, #tpu.memory_space<semaphore_mem>>)
    %dma_start3A_231 = arith.constant 1 : i32
    %dma_start3A_232 = arith.constant 1 : i32
    %dma_start3A_233 = arith.constant 0 : i32
    %dma_start3A_234 = tpu.memref_slice %arg10[%dma_start3A_232, %dma_start3A_233] : memref<2x512xf32, #tpu.memory_space<vmem>> -> memref<1x512xf32, #tpu.memory_space<vmem>>
    %dma_start3A_235 = tpu.memref_squeeze %dma_start3A_234 : memref<1x512xf32, #tpu.memory_space<vmem>> -> memref<512xf32, #tpu.memory_space<vmem>>
    %dma_start3A_236 = tpu.memref_slice %arg5[%dma_start3A_231, %mul3A_2] : memref<200x16384xf32, #tpu.memory_space<hbm>> -> memref<1x512xf32, #tpu.memory_space<hbm>>
    %dma_start3A_237 = tpu.memref_squeeze %dma_start3A_236 : memref<1x512xf32, #tpu.memory_space<hbm>> -> memref<512xf32, #tpu.memory_space<hbm>>
    %dma_start3A_238 = arith.constant 0 : i32
    %dma_start3A_239 = tpu.memref_slice %arg10[%dma_start3A_232, %dma_start3A_238] : memref<2x512xf32, #tpu.memory_space<vmem>> -> memref<1x512xf32, #tpu.memory_space<vmem>>
    %dma_start3A_240 = tpu.memref_squeeze %dma_start3A_239 : memref<1x512xf32, #tpu.memory_space<vmem>> -> memref<512xf32, #tpu.memory_space<vmem>>
    %dma_start3A_241 = tpu.memref_slice %arg5[%dma_start3A_231, %mul3A_2] : memref<200x16384xf32, #tpu.memory_space<hbm>> -> memref<1x512xf32, #tpu.memory_space<hbm>>
    %dma_start3A_242 = tpu.memref_squeeze %dma_start3A_241 : memref<1x512xf32, #tpu.memory_space<hbm>> -> memref<512xf32, #tpu.memory_space<hbm>>
    tpu.enqueue_dma source(%dma_start3A_242 : memref<512xf32, #tpu.memory_space<hbm>>) target(%dma_start3A_240 : memref<512xf32, #tpu.memory_space<vmem>>) target_semaphore(%arg15 : memref<!tpu.dma_semaphore, #tpu.memory_space<semaphore_mem>>)
    %dma_wait3A = arith.constant 0 : i32
    %dma_wait3A_243 = arith.constant 0 : i32
    %dma_wait3A_244 = arith.constant 0 : i32
    %dma_wait3A_245 = arith.constant 0 : i32
    %dma_wait3A_246 = tpu.memref_slice %arg8[%dma_wait3A_243, %dma_wait3A_244, %dma_wait3A_245] : memref<2x4x128xi32, #tpu.memory_space<vmem>> -> memref<1x1x128xi32, #tpu.memory_space<vmem>>
    %dma_wait3A_247 = tpu.memref_squeeze %dma_wait3A_246 : memref<1x1x128xi32, #tpu.memory_space<vmem>> -> memref<128xi32, #tpu.memory_space<vmem>>
    %dma_wait3A_248 = tpu.memref_slice %arg3[%dma_wait3A, %mul3A_2] : memref<200x16384xi32, #tpu.memory_space<hbm>> -> memref<1x128xi32, #tpu.memory_space<hbm>>
    %dma_wait3A_249 = tpu.memref_squeeze %dma_wait3A_248 : memref<1x128xi32, #tpu.memory_space<hbm>> -> memref<128xi32, #tpu.memory_space<hbm>>
    %dma_wait3A_250 = arith.constant 0 : i32
    %dma_wait3A_251 = tpu.memref_slice %arg8[%dma_wait3A_243, %dma_wait3A_244, %dma_wait3A_250] : memref<2x4x128xi32, #tpu.memory_space<vmem>> -> memref<1x1x128xi32, #tpu.memory_space<vmem>>
    %dma_wait3A_252 = tpu.memref_squeeze %dma_wait3A_251 : memref<1x1x128xi32, #tpu.memory_space<vmem>> -> memref<128xi32, #tpu.memory_space<vmem>>
    %dma_wait3A_253 = tpu.memref_slice %arg3[%dma_wait3A, %mul3A_2] : memref<200x16384xi32, #tpu.memory_space<hbm>> -> memref<1x128xi32, #tpu.memory_space<hbm>>
    %dma_wait3A_254 = tpu.memref_squeeze %dma_wait3A_253 : memref<1x128xi32, #tpu.memory_space<hbm>> -> memref<128xi32, #tpu.memory_space<hbm>>
    tpu.wait_dma2 semaphore(%arg14 : memref<!tpu.dma_semaphore, #tpu.memory_space<semaphore_mem>>) src(%dma_wait3A_254 : memref<128xi32, #tpu.memory_space<hbm>>) dst(%dma_wait3A_252 : memref<128xi32, #tpu.memory_space<vmem>>)
    %dma_wait3A_255 = arith.constant 0 : i32
    %dma_wait3A_256 = arith.constant 0 : i32
    %dma_wait3A_257 = arith.constant 1 : i32
    %dma_wait3A_258 = arith.constant 0 : i32
    %dma_wait3A_259 = tpu.memref_slice %arg8[%dma_wait3A_256, %dma_wait3A_257, %dma_wait3A_258] : memref<2x4x128xi32, #tpu.memory_space<vmem>> -> memref<1x1x128xi32, #tpu.memory_space<vmem>>
    %dma_wait3A_260 = tpu.memref_squeeze %dma_wait3A_259 : memref<1x1x128xi32, #tpu.memory_space<vmem>> -> memref<128xi32, #tpu.memory_space<vmem>>
    %dma_wait3A_261 = tpu.memref_slice %arg3[%dma_wait3A_255, %mul3A_2] : memref<200x16384xi32, #tpu.memory_space<hbm>> -> memref<1x128xi32, #tpu.memory_space<hbm>>
    %dma_wait3A_262 = tpu.memref_squeeze %dma_wait3A_261 : memref<1x128xi32, #tpu.memory_space<hbm>> -> memref<128xi32, #tpu.memory_space<hbm>>
    %dma_wait3A_263 = arith.constant 0 : i32
    %dma_wait3A_264 = tpu.memref_slice %arg8[%dma_wait3A_256, %dma_wait3A_257, %dma_wait3A_263] : memref<2x4x128xi32, #tpu.memory_space<vmem>> -> memref<1x1x128xi32, #tpu.memory_space<vmem>>
    %dma_wait3A_265 = tpu.memref_squeeze %dma_wait3A_264 : memref<1x1x128xi32, #tpu.memory_space<vmem>> -> memref<128xi32, #tpu.memory_space<vmem>>
    %dma_wait3A_266 = tpu.memref_slice %arg3[%dma_wait3A_255, %mul3A_2] : memref<200x16384xi32, #tpu.memory_space<hbm>> -> memref<1x128xi32, #tpu.memory_space<hbm>>
    %dma_wait3A_267 = tpu.memref_squeeze %dma_wait3A_266 : memref<1x128xi32, #tpu.memory_space<hbm>> -> memref<128xi32, #tpu.memory_space<hbm>>
    tpu.wait_dma2 semaphore(%arg14 : memref<!tpu.dma_semaphore, #tpu.memory_space<semaphore_mem>>) src(%dma_wait3A_267 : memref<128xi32, #tpu.memory_space<hbm>>) dst(%dma_wait3A_265 : memref<128xi32, #tpu.memory_space<vmem>>)
    %dma_wait3A_268 = arith.constant 0 : i32
    %dma_wait3A_269 = arith.constant 0 : i32
    %dma_wait3A_270 = arith.constant 2 : i32
    %dma_wait3A_271 = arith.constant 0 : i32
    %dma_wait3A_272 = tpu.memref_slice %arg8[%dma_wait3A_269, %dma_wait3A_270, %dma_wait3A_271] : memref<2x4x128xi32, #tpu.memory_space<vmem>> -> memref<1x1x128xi32, #tpu.memory_space<vmem>>
    %dma_wait3A_273 = tpu.memref_squeeze %dma_wait3A_272 : memref<1x1x128xi32, #tpu.memory_space<vmem>> -> memref<128xi32, #tpu.memory_space<vmem>>
    %dma_wait3A_274 = tpu.memref_slice %arg3[%dma_wait3A_268, %mul3A_2] : memref<200x16384xi32, #tpu.memory_space<hbm>> -> memref<1x128xi32, #tpu.memory_space<hbm>>
    %dma_wait3A_275 = tpu.memref_squeeze %dma_wait3A_274 : memref<1x128xi32, #tpu.memory_space<hbm>> -> memref<128xi32, #tpu.memory_space<hbm>>
    %dma_wait3A_276 = arith.constant 0 : i32
    %dma_wait3A_277 = tpu.memref_slice %arg8[%dma_wait3A_269, %dma_wait3A_270, %dma_wait3A_276] : memref<2x4x128xi32, #tpu.memory_space<vmem>> -> memref<1x1x128xi32, #tpu.memory_space<vmem>>
    %dma_wait3A_278 = tpu.memref_squeeze %dma_wait3A_277 : memref<1x1x128xi32, #tpu.memory_space<vmem>> -> memref<128xi32, #tpu.memory_space<vmem>>
    %dma_wait3A_279 = tpu.memref_slice %arg3[%dma_wait3A_268, %mul3A_2] : memref<200x16384xi32, #tpu.memory_space<hbm>> -> memref<1x128xi32, #tpu.memory_space<hbm>>
    %dma_wait3A_280 = tpu.memref_squeeze %dma_wait3A_279 : memref<1x128xi32, #tpu.memory_space<hbm>> -> memref<128xi32, #tpu.memory_space<hbm>>
    tpu.wait_dma2 semaphore(%arg14 : memref<!tpu.dma_semaphore, #tpu.memory_space<semaphore_mem>>) src(%dma_wait3A_280 : memref<128xi32, #tpu.memory_space<hbm>>) dst(%dma_wait3A_278 : memref<128xi32, #tpu.memory_space<vmem>>)
    %dma_wait3A_281 = arith.constant 0 : i32
    %dma_wait3A_282 = arith.constant 0 : i32
    %dma_wait3A_283 = arith.constant 3 : i32
    %dma_wait3A_284 = arith.constant 0 : i32
    %dma_wait3A_285 = tpu.memref_slice %arg8[%dma_wait3A_282, %dma_wait3A_283, %dma_wait3A_284] : memref<2x4x128xi32, #tpu.memory_space<vmem>> -> memref<1x1x128xi32, #tpu.memory_space<vmem>>
    %dma_wait3A_286 = tpu.memref_squeeze %dma_wait3A_285 : memref<1x1x128xi32, #tpu.memory_space<vmem>> -> memref<128xi32, #tpu.memory_space<vmem>>
    %dma_wait3A_287 = tpu.memref_slice %arg3[%dma_wait3A_281, %mul3A_2] : memref<200x16384xi32, #tpu.memory_space<hbm>> -> memref<1x128xi32, #tpu.memory_space<hbm>>
    %dma_wait3A_288 = tpu.memref_squeeze %dma_wait3A_287 : memref<1x128xi32, #tpu.memory_space<hbm>> -> memref<128xi32, #tpu.memory_space<hbm>>
    %dma_wait3A_289 = arith.constant 0 : i32
    %dma_wait3A_290 = tpu.memref_slice %arg8[%dma_wait3A_282, %dma_wait3A_283, %dma_wait3A_289] : memref<2x4x128xi32, #tpu.memory_space<vmem>> -> memref<1x1x128xi32, #tpu.memory_space<vmem>>
    %dma_wait3A_291 = tpu.memref_squeeze %dma_wait3A_290 : memref<1x1x128xi32, #tpu.memory_space<vmem>> -> memref<128xi32, #tpu.memory_space<vmem>>
    %dma_wait3A_292 = tpu.memref_slice %arg3[%dma_wait3A_281, %mul3A_2] : memref<200x16384xi32, #tpu.memory_space<hbm>> -> memref<1x128xi32, #tpu.memory_space<hbm>>
    %dma_wait3A_293 = tpu.memref_squeeze %dma_wait3A_292 : memref<1x128xi32, #tpu.memory_space<hbm>> -> memref<128xi32, #tpu.memory_space<hbm>>
    tpu.wait_dma2 semaphore(%arg14 : memref<!tpu.dma_semaphore, #tpu.memory_space<semaphore_mem>>) src(%dma_wait3A_293 : memref<128xi32, #tpu.memory_space<hbm>>) dst(%dma_wait3A_291 : memref<128xi32, #tpu.memory_space<vmem>>)
    %dma_wait3A_294 = arith.constant 0 : i32
    %dma_wait3A_295 = arith.constant 0 : i32
    %dma_wait3A_296 = arith.constant 0 : i32
    %dma_wait3A_297 = tpu.memref_slice %arg9[%dma_wait3A_295, %dma_wait3A_296] : memref<2x512xf32, #tpu.memory_space<vmem>> -> memref<1x512xf32, #tpu.memory_space<vmem>>
    %dma_wait3A_298 = tpu.memref_squeeze %dma_wait3A_297 : memref<1x512xf32, #tpu.memory_space<vmem>> -> memref<512xf32, #tpu.memory_space<vmem>>
    %dma_wait3A_299 = tpu.memref_slice %arg4[%dma_wait3A_294, %mul3A_2] : memref<200x16384xf32, #tpu.memory_space<hbm>> -> memref<1x512xf32, #tpu.memory_space<hbm>>
    %dma_wait3A_300 = tpu.memref_squeeze %dma_wait3A_299 : memref<1x512xf32, #tpu.memory_space<hbm>> -> memref<512xf32, #tpu.memory_space<hbm>>
    %dma_wait3A_301 = arith.constant 0 : i32
    %dma_wait3A_302 = tpu.memref_slice %arg9[%dma_wait3A_295, %dma_wait3A_301] : memref<2x512xf32, #tpu.memory_space<vmem>> -> memref<1x512xf32, #tpu.memory_space<vmem>>
    %dma_wait3A_303 = tpu.memref_squeeze %dma_wait3A_302 : memref<1x512xf32, #tpu.memory_space<vmem>> -> memref<512xf32, #tpu.memory_space<vmem>>
    %dma_wait3A_304 = tpu.memref_slice %arg4[%dma_wait3A_294, %mul3A_2] : memref<200x16384xf32, #tpu.memory_space<hbm>> -> memref<1x512xf32, #tpu.memory_space<hbm>>
    %dma_wait3A_305 = tpu.memref_squeeze %dma_wait3A_304 : memref<1x512xf32, #tpu.memory_space<hbm>> -> memref<512xf32, #tpu.memory_space<hbm>>
    tpu.wait_dma2 semaphore(%arg14 : memref<!tpu.dma_semaphore, #tpu.memory_space<semaphore_mem>>) src(%dma_wait3A_305 : memref<512xf32, #tpu.memory_space<hbm>>) dst(%dma_wait3A_303 : memref<512xf32, #tpu.memory_space<vmem>>)
    %dma_wait3A_306 = arith.constant 0 : i32
    %dma_wait3A_307 = arith.constant 0 : i32
    %dma_wait3A_308 = arith.constant 0 : i32
    %dma_wait3A_309 = tpu.memref_slice %arg10[%dma_wait3A_307, %dma_wait3A_308] : memref<2x512xf32, #tpu.memory_space<vmem>> -> memref<1x512xf32, #tpu.memory_space<vmem>>
    %dma_wait3A_310 = tpu.memref_squeeze %dma_wait3A_309 : memref<1x512xf32, #tpu.memory_space<vmem>> -> memref<512xf32, #tpu.memory_space<vmem>>
    %dma_wait3A_311 = tpu.memref_slice %arg5[%dma_wait3A_306, %mul3A_2] : memref<200x16384xf32, #tpu.memory_space<hbm>> -> memref<1x512xf32, #tpu.memory_space<hbm>>
    %dma_wait3A_312 = tpu.memref_squeeze %dma_wait3A_311 : memref<1x512xf32, #tpu.memory_space<hbm>> -> memref<512xf32, #tpu.memory_space<hbm>>
    %dma_wait3A_313 = arith.constant 0 : i32
    %dma_wait3A_314 = tpu.memref_slice %arg10[%dma_wait3A_307, %dma_wait3A_313] : memref<2x512xf32, #tpu.memory_space<vmem>> -> memref<1x512xf32, #tpu.memory_space<vmem>>
    %dma_wait3A_315 = tpu.memref_squeeze %dma_wait3A_314 : memref<1x512xf32, #tpu.memory_space<vmem>> -> memref<512xf32, #tpu.memory_space<vmem>>
    %dma_wait3A_316 = tpu.memref_slice %arg5[%dma_wait3A_306, %mul3A_2] : memref<200x16384xf32, #tpu.memory_space<hbm>> -> memref<1x512xf32, #tpu.memory_space<hbm>>
    %dma_wait3A_317 = tpu.memref_squeeze %dma_wait3A_316 : memref<1x512xf32, #tpu.memory_space<hbm>> -> memref<512xf32, #tpu.memory_space<hbm>>
    tpu.wait_dma2 semaphore(%arg14 : memref<!tpu.dma_semaphore, #tpu.memory_space<semaphore_mem>>) src(%dma_wait3A_317 : memref<512xf32, #tpu.memory_space<hbm>>) dst(%dma_wait3A_315 : memref<512xf32, #tpu.memory_space<vmem>>)
    %dma_start3A_318 = arith.constant 0 : i32
    %dma_start3A_319 = arith.constant 0 : i32
    %dma_start3A_320 = arith.constant 0 : i32
    %dma_start3A_321 = arith.constant 0 : i32
    %dma_start3A_322 = arith.constant 0 : i32
    %dma_start3A_323 = tpu.memref_slice %arg11[%dma_start3A_320, %dma_start3A_321, %dma_start3A_322] : memref<2x512x16xf32, #tpu.memory_space<vmem>> -> memref<1x128x16xf32, #tpu.memory_space<vmem>>
    %dma_start3A_324 = tpu.memref_squeeze %dma_start3A_323 : memref<1x128x16xf32, #tpu.memory_space<vmem>> -> memref<128x16xf32, #tpu.memory_space<vmem>>
    %dma_start3A_325 = arith.constant 0 : i32
    %dma_start3A_326 = tpu.memref_slice %arg8[%dma_start3A_318, %dma_start3A_319, %dma_start3A_325] : memref<2x4x128xi32, #tpu.memory_space<vmem>> -> memref<1x1x128xi32, #tpu.memory_space<vmem>>
    %dma_start3A_327 = tpu.memref_squeeze %dma_start3A_326 : memref<1x1x128xi32, #tpu.memory_space<vmem>> -> memref<128xi32, #tpu.memory_space<vmem>>
    %dma_start3A_328 = arith.constant 0 : i32
    %dma_start3A_329 = arith.constant 0 : i32
    %dma_start3A_330 = tpu.memref_slice %arg2[%dma_start3A_328, %dma_start3A_329] : memref<100000x16xf32, #tpu.memory_space<hbm>> -> memref<100000x16xf32, #tpu.memory_space<hbm>>
    tpu.enqueue_indirect_dma source(%dma_start3A_330 : memref<100000x16xf32, #tpu.memory_space<hbm>>) target(%dma_start3A_324 : memref<128x16xf32, #tpu.memory_space<vmem>>) offsets(%dma_start3A_327 : memref<128xi32, #tpu.memory_space<vmem>>) semaphore(%arg16 : memref<!tpu.dma_semaphore, #tpu.memory_space<semaphore_mem>>)
    %dma_start3A_331 = arith.constant 0 : i32
    %dma_start3A_332 = arith.constant 1 : i32
    %dma_start3A_333 = arith.constant 0 : i32
    %dma_start3A_334 = arith.constant 128 : i32
    %dma_start3A_335 = arith.constant 0 : i32
    %dma_start3A_336 = tpu.memref_slice %arg11[%dma_start3A_333, %dma_start3A_334, %dma_start3A_335] : memref<2x512x16xf32, #tpu.memory_space<vmem>> -> memref<1x128x16xf32, #tpu.memory_space<vmem>>
    %dma_start3A_337 = tpu.memref_squeeze %dma_start3A_336 : memref<1x128x16xf32, #tpu.memory_space<vmem>> -> memref<128x16xf32, #tpu.memory_space<vmem>>
    %dma_start3A_338 = arith.constant 0 : i32
    %dma_start3A_339 = tpu.memref_slice %arg8[%dma_start3A_331, %dma_start3A_332, %dma_start3A_338] : memref<2x4x128xi32, #tpu.memory_space<vmem>> -> memref<1x1x128xi32, #tpu.memory_space<vmem>>
    %dma_start3A_340 = tpu.memref_squeeze %dma_start3A_339 : memref<1x1x128xi32, #tpu.memory_space<vmem>> -> memref<128xi32, #tpu.memory_space<vmem>>
    %dma_start3A_341 = arith.constant 0 : i32
    %dma_start3A_342 = arith.constant 0 : i32
    %dma_start3A_343 = tpu.memref_slice %arg2[%dma_start3A_341, %dma_start3A_342] : memref<100000x16xf32, #tpu.memory_space<hbm>> -> memref<100000x16xf32, #tpu.memory_space<hbm>>
    tpu.enqueue_indirect_dma source(%dma_start3A_343 : memref<100000x16xf32, #tpu.memory_space<hbm>>) target(%dma_start3A_337 : memref<128x16xf32, #tpu.memory_space<vmem>>) offsets(%dma_start3A_340 : memref<128xi32, #tpu.memory_space<vmem>>) semaphore(%arg16 : memref<!tpu.dma_semaphore, #tpu.memory_space<semaphore_mem>>)
    %dma_start3A_344 = arith.constant 0 : i32
    %dma_start3A_345 = arith.constant 2 : i32
    %dma_start3A_346 = arith.constant 0 : i32
    %dma_start3A_347 = arith.constant 256 : i32
    %dma_start3A_348 = arith.constant 0 : i32
    %dma_start3A_349 = tpu.memref_slice %arg11[%dma_start3A_346, %dma_start3A_347, %dma_start3A_348] : memref<2x512x16xf32, #tpu.memory_space<vmem>> -> memref<1x128x16xf32, #tpu.memory_space<vmem>>
    %dma_start3A_350 = tpu.memref_squeeze %dma_start3A_349 : memref<1x128x16xf32, #tpu.memory_space<vmem>> -> memref<128x16xf32, #tpu.memory_space<vmem>>
    %dma_start3A_351 = arith.constant 0 : i32
    %dma_start3A_352 = tpu.memref_slice %arg8[%dma_start3A_344, %dma_start3A_345, %dma_start3A_351] : memref<2x4x128xi32, #tpu.memory_space<vmem>> -> memref<1x1x128xi32, #tpu.memory_space<vmem>>
    %dma_start3A_353 = tpu.memref_squeeze %dma_start3A_352 : memref<1x1x128xi32, #tpu.memory_space<vmem>> -> memref<128xi32, #tpu.memory_space<vmem>>
    %dma_start3A_354 = arith.constant 0 : i32
    %dma_start3A_355 = arith.constant 0 : i32
    %dma_start3A_356 = tpu.memref_slice %arg2[%dma_start3A_354, %dma_start3A_355] : memref<100000x16xf32, #tpu.memory_space<hbm>> -> memref<100000x16xf32, #tpu.memory_space<hbm>>
    tpu.enqueue_indirect_dma source(%dma_start3A_356 : memref<100000x16xf32, #tpu.memory_space<hbm>>) target(%dma_start3A_350 : memref<128x16xf32, #tpu.memory_space<vmem>>) offsets(%dma_start3A_353 : memref<128xi32, #tpu.memory_space<vmem>>) semaphore(%arg16 : memref<!tpu.dma_semaphore, #tpu.memory_space<semaphore_mem>>)
    %dma_start3A_357 = arith.constant 0 : i32
    %dma_start3A_358 = arith.constant 3 : i32
    %dma_start3A_359 = arith.constant 0 : i32
    %dma_start3A_360 = arith.constant 384 : i32
    %dma_start3A_361 = arith.constant 0 : i32
    %dma_start3A_362 = tpu.memref_slice %arg11[%dma_start3A_359, %dma_start3A_360, %dma_start3A_361] : memref<2x512x16xf32, #tpu.memory_space<vmem>> -> memref<1x128x16xf32, #tpu.memory_space<vmem>>
    %dma_start3A_363 = tpu.memref_squeeze %dma_start3A_362 : memref<1x128x16xf32, #tpu.memory_space<vmem>> -> memref<128x16xf32, #tpu.memory_space<vmem>>
    %dma_start3A_364 = arith.constant 0 : i32
    %dma_start3A_365 = tpu.memref_slice %arg8[%dma_start3A_357, %dma_start3A_358, %dma_start3A_364] : memref<2x4x128xi32, #tpu.memory_space<vmem>> -> memref<1x1x128xi32, #tpu.memory_space<vmem>>
    %dma_start3A_366 = tpu.memref_squeeze %dma_start3A_365 : memref<1x1x128xi32, #tpu.memory_space<vmem>> -> memref<128xi32, #tpu.memory_space<vmem>>
    %dma_start3A_367 = arith.constant 0 : i32
    %dma_start3A_368 = arith.constant 0 : i32
    %dma_start3A_369 = tpu.memref_slice %arg2[%dma_start3A_367, %dma_start3A_368] : memref<100000x16xf32, #tpu.memory_space<hbm>> -> memref<100000x16xf32, #tpu.memory_space<hbm>>
    tpu.enqueue_indirect_dma source(%dma_start3A_369 : memref<100000x16xf32, #tpu.memory_space<hbm>>) target(%dma_start3A_363 : memref<128x16xf32, #tpu.memory_space<vmem>>) offsets(%dma_start3A_366 : memref<128xi32, #tpu.memory_space<vmem>>) semaphore(%arg16 : memref<!tpu.dma_semaphore, #tpu.memory_space<semaphore_mem>>)
    %scan3A = arith.constant 0 : i32
    %scan3A_370 = arith.constant 0 : i32
    %scan3A_371 = arith.constant 32 : i32
    %scan3A_372 = arith.addi %scan3A_370, %scan3A_371 : i32
    %scan3A_373 = arith.constant 1 : i32
    scf.for %scan3A_407 = %scan3A_370 to %scan3A_372 step %scan3A_373  : i32 {
      %mul3A_408 = arith.constant 16 : i32
      %mul3A_409 = arith.muli %scan3A_407, %mul3A_408 : i32
      %get3A_410 = arith.constant 0 : i32
      %get3A_411 = arith.index_cast %get3A_410 : i32 to index
      %get3A_412 = arith.index_cast %mul3A_409 : i32 to index
      %get3A_413 = tpu.vector_load %arg9[%get3A_411, %get3A_412] {strides = array<i32>} : memref<2x512xf32, #tpu.memory_space<vmem>>, vector<16xf32>,
      %mul3A_414 = arith.constant 16 : i32
      %mul3A_415 = arith.muli %scan3A_407, %mul3A_414 : i32
      %get3A_416 = arith.constant 0 : i32
      %get3A_417 = arith.index_cast %get3A_416 : i32 to index
      %get3A_418 = arith.index_cast %mul3A_415 : i32 to index
      %get3A_419 = tpu.vector_load %arg10[%get3A_417, %get3A_418] {strides = array<i32>} : memref<2x512xf32, #tpu.memory_space<vmem>>, vector<16xf32>,
      %mul3A_420 = arith.mulf %get3A_413, %get3A_5 : vector<16xf32>
      %mul3A_421 = arith.mulf %get3A_419, %get3A_29 : vector<16xf32>
      %add3A_422 = arith.addf %mul3A_420, %mul3A_421 : vector<16xf32>
      %add3A_423 = arith.addf %add3A_422, %get3A_53 : vector<16xf32>
      %mul3A_424 = arith.constant 16 : i32
      %mul3A_425 = arith.muli %scan3A_407, %mul3A_424 : i32
      %swap3A = arith.constant 0 : i32
      %swap3A_426 = arith.constant 0 : i32
      %swap3A_427 = arith.index_cast %swap3A : i32 to index
      %swap3A_428 = arith.index_cast %swap3A_426 : i32 to index
      %swap3A_429 = arith.index_cast %mul3A_425 : i32 to index
      %swap3A_430 = tpu.vector_load %arg12[%swap3A_427, %swap3A_428, %swap3A_429] {strides = array<i32>} : memref<2x16x512xf32, #tpu.memory_space<vmem>>, vector<16xf32>,
      tpu.vector_store %arg12[%swap3A_427, %swap3A_428, %swap3A_429], %add3A_423 {strides = array<i32>} : memref<2x16x512xf32, #tpu.memory_space<vmem>>, vector<16xf32>,
      %mul3A_431 = arith.mulf %get3A_413, %get3A_9 : vector<16xf32>
      %mul3A_432 = arith.mulf %get3A_419, %get3A_33 : vector<16xf32>
      %add3A_433 = arith.addf %mul3A_431, %mul3A_432 : vector<16xf32>
      %add3A_434 = arith.addf %add3A_433, %get3A_57 : vector<16xf32>
      %mul3A_435 = arith.constant 16 : i32
      %mul3A_436 = arith.muli %scan3A_407, %mul3A_435 : i32
      %swap3A_437 = arith.constant 0 : i32
      %swap3A_438 = arith.constant 1 : i32
      %swap3A_439 = arith.index_cast %swap3A_437 : i32 to index
      %swap3A_440 = arith.index_cast %swap3A_438 : i32 to index
      %swap3A_441 = arith.index_cast %mul3A_436 : i32 to index
      %swap3A_442 = tpu.vector_load %arg12[%swap3A_439, %swap3A_440, %swap3A_441] {strides = array<i32>} : memref<2x16x512xf32, #tpu.memory_space<vmem>>, vector<16xf32>,
      tpu.vector_store %arg12[%swap3A_439, %swap3A_440, %swap3A_441], %add3A_434 {strides = array<i32>} : memref<2x16x512xf32, #tpu.memory_space<vmem>>, vector<16xf32>,
      %mul3A_443 = arith.mulf %get3A_413, %get3A_13 : vector<16xf32>
      %mul3A_444 = arith.mulf %get3A_419, %get3A_37 : vector<16xf32>
      %add3A_445 = arith.addf %mul3A_443, %mul3A_444 : vector<16xf32>
      %add3A_446 = arith.addf %add3A_445, %get3A_61 : vector<16xf32>
      %mul3A_447 = arith.constant 16 : i32
      %mul3A_448 = arith.muli %scan3A_407, %mul3A_447 : i32
      %swap3A_449 = arith.constant 0 : i32
      %swap3A_450 = arith.constant 2 : i32
      %swap3A_451 = arith.index_cast %swap3A_449 : i32 to index
      %swap3A_452 = arith.index_cast %swap3A_450 : i32 to index
      %swap3A_453 = arith.index_cast %mul3A_448 : i32 to index
      %swap3A_454 = tpu.vector_load %arg12[%swap3A_451, %swap3A_452, %swap3A_453] {strides = array<i32>} : memref<2x16x512xf32, #tpu.memory_space<vmem>>, vector<16xf32>,
      tpu.vector_store %arg12[%swap3A_451, %swap3A_452, %swap3A_453], %add3A_446 {strides = array<i32>} : memref<2x16x512xf32, #tpu.memory_space<vmem>>, vector<16xf32>,
      %mul3A_455 = arith.mulf %get3A_413, %get3A_17 : vector<16xf32>
      %mul3A_456 = arith.mulf %get3A_419, %get3A_41 : vector<16xf32>
      %add3A_457 = arith.addf %mul3A_455, %mul3A_456 : vector<16xf32>
      %add3A_458 = arith.addf %add3A_457, %get3A_65 : vector<16xf32>
      %mul3A_459 = arith.constant 16 : i32
      %mul3A_460 = arith.muli %scan3A_407, %mul3A_459 : i32
      %swap3A_461 = arith.constant 0 : i32
      %swap3A_462 = arith.constant 3 : i32
      %swap3A_463 = arith.index_cast %swap3A_461 : i32 to index
      %swap3A_464 = arith.index_cast %swap3A_462 : i32 to index
      %swap3A_465 = arith.index_cast %mul3A_460 : i32 to index
      %swap3A_466 = tpu.vector_load %arg12[%swap3A_463, %swap3A_464, %swap3A_465] {strides = array<i32>} : memref<2x16x512xf32, #tpu.memory_space<vmem>>, vector<16xf32>,
      tpu.vector_store %arg12[%swap3A_463, %swap3A_464, %swap3A_465], %add3A_458 {strides = array<i32>} : memref<2x16x512xf32, #tpu.memory_space<vmem>>, vector<16xf32>,
      %mul3A_467 = arith.mulf %get3A_413, %get3A_21 : vector<16xf32>
      %mul3A_468 = arith.mulf %get3A_419, %get3A_45 : vector<16xf32>
      %add3A_469 = arith.addf %mul3A_467, %mul3A_468 : vector<16xf32>
      %add3A_470 = arith.addf %add3A_469, %get3A_69 : vector<16xf32>
      %mul3A_471 = arith.constant 16 : i32
      %mul3A_472 = arith.muli %scan3A_407, %mul3A_471 : i32
      %swap3A_473 = arith.constant 0 : i32
      %swap3A_474 = arith.constant 4 : i32
      %swap3A_475 = arith.index_cast %swap3A_473 : i32 to index
      %swap3A_476 = arith.index_cast %swap3A_474 : i32 to index
      %swap3A_477 = arith.index_cast %mul3A_472 : i32 to index
      %swap3A_478 = tpu.vector_load %arg12[%swap3A_475, %swap3A_476, %swap3A_477] {strides = array<i32>} : memref<2x16x512xf32, #tpu.memory_space<vmem>>, vector<16xf32>,
      tpu.vector_store %arg12[%swap3A_475, %swap3A_476, %swap3A_477], %add3A_470 {strides = array<i32>} : memref<2x16x512xf32, #tpu.memory_space<vmem>>, vector<16xf32>,
      %mul3A_479 = arith.mulf %get3A_413, %get3A_25 : vector<16xf32>
      %mul3A_480 = arith.mulf %get3A_419, %get3A_49 : vector<16xf32>
      %add3A_481 = arith.addf %mul3A_479, %mul3A_480 : vector<16xf32>
      %add3A_482 = arith.addf %add3A_481, %get3A_73 : vector<16xf32>
      %mul3A_483 = arith.constant 16 : i32
      %mul3A_484 = arith.muli %scan3A_407, %mul3A_483 : i32
      %swap3A_485 = arith.constant 0 : i32
      %swap3A_486 = arith.constant 5 : i32
      %swap3A_487 = arith.index_cast %swap3A_485 : i32 to index
      %swap3A_488 = arith.index_cast %swap3A_486 : i32 to index
      %swap3A_489 = arith.index_cast %mul3A_484 : i32 to index
      %swap3A_490 = tpu.vector_load %arg12[%swap3A_487, %swap3A_488, %swap3A_489] {strides = array<i32>} : memref<2x16x512xf32, #tpu.memory_space<vmem>>, vector<16xf32>,
      tpu.vector_store %arg12[%swap3A_487, %swap3A_488, %swap3A_489], %add3A_482 {strides = array<i32>} : memref<2x16x512xf32, #tpu.memory_space<vmem>>, vector<16xf32>,
    }
    %scan3A_374 = arith.constant 32 : i32
    %scan3A_375 = arith.constant 0 : i32
    %scan3A_376 = arith.constant 0 : i32
    %scan3A_377 = arith.constant 100 : i32
    %scan3A_378 = arith.addi %scan3A_376, %scan3A_377 : i32
    %scan3A_379 = arith.constant 1 : i32
    scf.for %scan3A_407 = %scan3A_376 to %scan3A_378 step %scan3A_379  : i32 {
      %mul3A_408 = arith.constant 2 : i32
      %mul3A_409 = arith.muli %mul3A_408, %scan3A_407 : i32
      %dma_wait3A_410 = arith.constant 0 : i32
      %dma_wait3A_411 = arith.constant 0 : i32
      %dma_wait3A_412 = arith.constant 0 : i32
      %dma_wait3A_413 = arith.constant 0 : i32
      %dma_wait3A_414 = arith.constant 0 : i32
      %dma_wait3A_415 = tpu.memref_slice %arg11[%dma_wait3A_412, %dma_wait3A_413, %dma_wait3A_414] : memref<2x512x16xf32, #tpu.memory_space<vmem>> -> memref<1x128x16xf32, #tpu.memory_space<vmem>>
      %dma_wait3A_416 = tpu.memref_squeeze %dma_wait3A_415 : memref<1x128x16xf32, #tpu.memory_space<vmem>> -> memref<128x16xf32, #tpu.memory_space<vmem>>
      %dma_wait3A_417 = arith.constant 0 : i32
      %dma_wait3A_418 = tpu.memref_slice %arg8[%dma_wait3A_410, %dma_wait3A_411, %dma_wait3A_417] : memref<2x4x128xi32, #tpu.memory_space<vmem>> -> memref<1x1x128xi32, #tpu.memory_space<vmem>>
      %dma_wait3A_419 = tpu.memref_squeeze %dma_wait3A_418 : memref<1x1x128xi32, #tpu.memory_space<vmem>> -> memref<128xi32, #tpu.memory_space<vmem>>
      %dma_wait3A_420 = arith.constant 0 : i32
      %dma_wait3A_421 = arith.constant 0 : i32
      %dma_wait3A_422 = tpu.memref_slice %arg2[%dma_wait3A_420, %dma_wait3A_421] : memref<100000x16xf32, #tpu.memory_space<hbm>> -> memref<100000x16xf32, #tpu.memory_space<hbm>>
      tpu.wait_indirect_dma semaphore(%arg16 : memref<!tpu.dma_semaphore, #tpu.memory_space<semaphore_mem>>) src(%dma_wait3A_422 : memref<100000x16xf32, #tpu.memory_space<hbm>>) dst(%dma_wait3A_416 : memref<128x16xf32, #tpu.memory_space<vmem>>)
      %dma_wait3A_423 = arith.constant 0 : i32
      %dma_wait3A_424 = arith.constant 1 : i32
      %dma_wait3A_425 = arith.constant 0 : i32
      %dma_wait3A_426 = arith.constant 128 : i32
      %dma_wait3A_427 = arith.constant 0 : i32
      %dma_wait3A_428 = tpu.memref_slice %arg11[%dma_wait3A_425, %dma_wait3A_426, %dma_wait3A_427] : memref<2x512x16xf32, #tpu.memory_space<vmem>> -> memref<1x128x16xf32, #tpu.memory_space<vmem>>
      %dma_wait3A_429 = tpu.memref_squeeze %dma_wait3A_428 : memref<1x128x16xf32, #tpu.memory_space<vmem>> -> memref<128x16xf32, #tpu.memory_space<vmem>>
      %dma_wait3A_430 = arith.constant 0 : i32
      %dma_wait3A_431 = tpu.memref_slice %arg8[%dma_wait3A_423, %dma_wait3A_424, %dma_wait3A_430] : memref<2x4x128xi32, #tpu.memory_space<vmem>> -> memref<1x1x128xi32, #tpu.memory_space<vmem>>
      %dma_wait3A_432 = tpu.memref_squeeze %dma_wait3A_431 : memref<1x1x128xi32, #tpu.memory_space<vmem>> -> memref<128xi32, #tpu.memory_space<vmem>>
      %dma_wait3A_433 = arith.constant 0 : i32
      %dma_wait3A_434 = arith.constant 0 : i32
      %dma_wait3A_435 = tpu.memref_slice %arg2[%dma_wait3A_433, %dma_wait3A_434] : memref<100000x16xf32, #tpu.memory_space<hbm>> -> memref<100000x16xf32, #tpu.memory_space<hbm>>
      tpu.wait_indirect_dma semaphore(%arg16 : memref<!tpu.dma_semaphore, #tpu.memory_space<semaphore_mem>>) src(%dma_wait3A_435 : memref<100000x16xf32, #tpu.memory_space<hbm>>) dst(%dma_wait3A_429 : memref<128x16xf32, #tpu.memory_space<vmem>>)
      %dma_wait3A_436 = arith.constant 0 : i32
      %dma_wait3A_437 = arith.constant 2 : i32
      %dma_wait3A_438 = arith.constant 0 : i32
      %dma_wait3A_439 = arith.constant 256 : i32
      %dma_wait3A_440 = arith.constant 0 : i32
      %dma_wait3A_441 = tpu.memref_slice %arg11[%dma_wait3A_438, %dma_wait3A_439, %dma_wait3A_440] : memref<2x512x16xf32, #tpu.memory_space<vmem>> -> memref<1x128x16xf32, #tpu.memory_space<vmem>>
      %dma_wait3A_442 = tpu.memref_squeeze %dma_wait3A_441 : memref<1x128x16xf32, #tpu.memory_space<vmem>> -> memref<128x16xf32, #tpu.memory_space<vmem>>
      %dma_wait3A_443 = arith.constant 0 : i32
      %dma_wait3A_444 = tpu.memref_slice %arg8[%dma_wait3A_436, %dma_wait3A_437, %dma_wait3A_443] : memref<2x4x128xi32, #tpu.memory_space<vmem>> -> memref<1x1x128xi32, #tpu.memory_space<vmem>>
      %dma_wait3A_445 = tpu.memref_squeeze %dma_wait3A_444 : memref<1x1x128xi32, #tpu.memory_space<vmem>> -> memref<128xi32, #tpu.memory_space<vmem>>
      %dma_wait3A_446 = arith.constant 0 : i32
      %dma_wait3A_447 = arith.constant 0 : i32
      %dma_wait3A_448 = tpu.memref_slice %arg2[%dma_wait3A_446, %dma_wait3A_447] : memref<100000x16xf32, #tpu.memory_space<hbm>> -> memref<100000x16xf32, #tpu.memory_space<hbm>>
      tpu.wait_indirect_dma semaphore(%arg16 : memref<!tpu.dma_semaphore, #tpu.memory_space<semaphore_mem>>) src(%dma_wait3A_448 : memref<100000x16xf32, #tpu.memory_space<hbm>>) dst(%dma_wait3A_442 : memref<128x16xf32, #tpu.memory_space<vmem>>)
      %dma_wait3A_449 = arith.constant 0 : i32
      %dma_wait3A_450 = arith.constant 3 : i32
      %dma_wait3A_451 = arith.constant 0 : i32
      %dma_wait3A_452 = arith.constant 384 : i32
      %dma_wait3A_453 = arith.constant 0 : i32
      %dma_wait3A_454 = tpu.memref_slice %arg11[%dma_wait3A_451, %dma_wait3A_452, %dma_wait3A_453] : memref<2x512x16xf32, #tpu.memory_space<vmem>> -> memref<1x128x16xf32, #tpu.memory_space<vmem>>
      %dma_wait3A_455 = tpu.memref_squeeze %dma_wait3A_454 : memref<1x128x16xf32, #tpu.memory_space<vmem>> -> memref<128x16xf32, #tpu.memory_space<vmem>>
      %dma_wait3A_456 = arith.constant 0 : i32
      %dma_wait3A_457 = tpu.memref_slice %arg8[%dma_wait3A_449, %dma_wait3A_450, %dma_wait3A_456] : memref<2x4x128xi32, #tpu.memory_space<vmem>> -> memref<1x1x128xi32, #tpu.memory_space<vmem>>
      %dma_wait3A_458 = tpu.memref_squeeze %dma_wait3A_457 : memref<1x1x128xi32, #tpu.memory_space<vmem>> -> memref<128xi32, #tpu.memory_space<vmem>>
      %dma_wait3A_459 = arith.constant 0 : i32
      %dma_wait3A_460 = arith.constant 0 : i32
      %dma_wait3A_461 = tpu.memref_slice %arg2[%dma_wait3A_459, %dma_wait3A_460] : memref<100000x16xf32, #tpu.memory_space<hbm>> -> memref<100000x16xf32, #tpu.memory_space<hbm>>
      tpu.wait_indirect_dma semaphore(%arg16 : memref<!tpu.dma_semaphore, #tpu.memory_space<semaphore_mem>>) src(%dma_wait3A_461 : memref<100000x16xf32, #tpu.memory_space<hbm>>) dst(%dma_wait3A_455 : memref<128x16xf32, #tpu.memory_space<vmem>>)
      %add3A_462 = arith.constant 1 : i32
      %add3A_463 = arith.addi %mul3A_409, %add3A_462 : i32
      %lt3A = arith.constant 200 : i32
      %lt3A_464 = arith.cmpi slt, %add3A_463, %lt3A : i32
      %convert_element_type3A = arith.extui %lt3A_464 : i1 to i32
      %cond3A = arith.constant 0 : i32
      %cond3A_465 = arith.cmpi ne, %convert_element_type3A, %cond3A : i32
      scf.if %cond3A_465 {
        %dma_wait3A_634 = arith.constant 0 : i32
        %dma_wait3A_635 = arith.constant 1 : i32
        %dma_wait3A_636 = arith.constant 0 : i32
        %dma_wait3A_637 = arith.constant 0 : i32
        %dma_wait3A_638 = tpu.memref_slice %arg8[%dma_wait3A_635, %dma_wait3A_636, %dma_wait3A_637] : memref<2x4x128xi32, #tpu.memory_space<vmem>> -> memref<1x1x128xi32, #tpu.memory_space<vmem>>
        %dma_wait3A_639 = tpu.memref_squeeze %dma_wait3A_638 : memref<1x1x128xi32, #tpu.memory_space<vmem>> -> memref<128xi32, #tpu.memory_space<vmem>>
        %dma_wait3A_640 = tpu.memref_slice %arg3[%dma_wait3A_634, %mul3A_2] : memref<200x16384xi32, #tpu.memory_space<hbm>> -> memref<1x128xi32, #tpu.memory_space<hbm>>
        %dma_wait3A_641 = tpu.memref_squeeze %dma_wait3A_640 : memref<1x128xi32, #tpu.memory_space<hbm>> -> memref<128xi32, #tpu.memory_space<hbm>>
        %dma_wait3A_642 = arith.constant 0 : i32
        %dma_wait3A_643 = tpu.memref_slice %arg8[%dma_wait3A_635, %dma_wait3A_636, %dma_wait3A_642] : memref<2x4x128xi32, #tpu.memory_space<vmem>> -> memref<1x1x128xi32, #tpu.memory_space<vmem>>
        %dma_wait3A_644 = tpu.memref_squeeze %dma_wait3A_643 : memref<1x1x128xi32, #tpu.memory_space<vmem>> -> memref<128xi32, #tpu.memory_space<vmem>>
        %dma_wait3A_645 = tpu.memref_slice %arg3[%dma_wait3A_634, %mul3A_2] : memref<200x16384xi32, #tpu.memory_space<hbm>> -> memref<1x128xi32, #tpu.memory_space<hbm>>
        %dma_wait3A_646 = tpu.memref_squeeze %dma_wait3A_645 : memref<1x128xi32, #tpu.memory_space<hbm>> -> memref<128xi32, #tpu.memory_space<hbm>>
        tpu.wait_dma2 semaphore(%arg15 : memref<!tpu.dma_semaphore, #tpu.memory_space<semaphore_mem>>) src(%dma_wait3A_646 : memref<128xi32, #tpu.memory_space<hbm>>) dst(%dma_wait3A_644 : memref<128xi32, #tpu.memory_space<vmem>>)
        %dma_wait3A_647 = arith.constant 0 : i32
        %dma_wait3A_648 = arith.constant 1 : i32
        %dma_wait3A_649 = arith.constant 1 : i32
        %dma_wait3A_650 = arith.constant 0 : i32
        %dma_wait3A_651 = tpu.memref_slice %arg8[%dma_wait3A_648, %dma_wait3A_649, %dma_wait3A_650] : memref<2x4x128xi32, #tpu.memory_space<vmem>> -> memref<1x1x128xi32, #tpu.memory_space<vmem>>
        %dma_wait3A_652 = tpu.memref_squeeze %dma_wait3A_651 : memref<1x1x128xi32, #tpu.memory_space<vmem>> -> memref<128xi32, #tpu.memory_space<vmem>>
        %dma_wait3A_653 = tpu.memref_slice %arg3[%dma_wait3A_647, %mul3A_2] : memref<200x16384xi32, #tpu.memory_space<hbm>> -> memref<1x128xi32, #tpu.memory_space<hbm>>
        %dma_wait3A_654 = tpu.memref_squeeze %dma_wait3A_653 : memref<1x128xi32, #tpu.memory_space<hbm>> -> memref<128xi32, #tpu.memory_space<hbm>>
        %dma_wait3A_655 = arith.constant 0 : i32
        %dma_wait3A_656 = tpu.memref_slice %arg8[%dma_wait3A_648, %dma_wait3A_649, %dma_wait3A_655] : memref<2x4x128xi32, #tpu.memory_space<vmem>> -> memref<1x1x128xi32, #tpu.memory_space<vmem>>
        %dma_wait3A_657 = tpu.memref_squeeze %dma_wait3A_656 : memref<1x1x128xi32, #tpu.memory_space<vmem>> -> memref<128xi32, #tpu.memory_space<vmem>>
        %dma_wait3A_658 = tpu.memref_slice %arg3[%dma_wait3A_647, %mul3A_2] : memref<200x16384xi32, #tpu.memory_space<hbm>> -> memref<1x128xi32, #tpu.memory_space<hbm>>
        %dma_wait3A_659 = tpu.memref_squeeze %dma_wait3A_658 : memref<1x128xi32, #tpu.memory_space<hbm>> -> memref<128xi32, #tpu.memory_space<hbm>>
        tpu.wait_dma2 semaphore(%arg15 : memref<!tpu.dma_semaphore, #tpu.memory_space<semaphore_mem>>) src(%dma_wait3A_659 : memref<128xi32, #tpu.memory_space<hbm>>) dst(%dma_wait3A_657 : memref<128xi32, #tpu.memory_space<vmem>>)
        %dma_wait3A_660 = arith.constant 0 : i32
        %dma_wait3A_661 = arith.constant 1 : i32
        %dma_wait3A_662 = arith.constant 2 : i32
        %dma_wait3A_663 = arith.constant 0 : i32
        %dma_wait3A_664 = tpu.memref_slice %arg8[%dma_wait3A_661, %dma_wait3A_662, %dma_wait3A_663] : memref<2x4x128xi32, #tpu.memory_space<vmem>> -> memref<1x1x128xi32, #tpu.memory_space<vmem>>
        %dma_wait3A_665 = tpu.memref_squeeze %dma_wait3A_664 : memref<1x1x128xi32, #tpu.memory_space<vmem>> -> memref<128xi32, #tpu.memory_space<vmem>>
        %dma_wait3A_666 = tpu.memref_slice %arg3[%dma_wait3A_660, %mul3A_2] : memref<200x16384xi32, #tpu.memory_space<hbm>> -> memref<1x128xi32, #tpu.memory_space<hbm>>
        %dma_wait3A_667 = tpu.memref_squeeze %dma_wait3A_666 : memref<1x128xi32, #tpu.memory_space<hbm>> -> memref<128xi32, #tpu.memory_space<hbm>>
        %dma_wait3A_668 = arith.constant 0 : i32
        %dma_wait3A_669 = tpu.memref_slice %arg8[%dma_wait3A_661, %dma_wait3A_662, %dma_wait3A_668] : memref<2x4x128xi32, #tpu.memory_space<vmem>> -> memref<1x1x128xi32, #tpu.memory_space<vmem>>
        %dma_wait3A_670 = tpu.memref_squeeze %dma_wait3A_669 : memref<1x1x128xi32, #tpu.memory_space<vmem>> -> memref<128xi32, #tpu.memory_space<vmem>>
        %dma_wait3A_671 = tpu.memref_slice %arg3[%dma_wait3A_660, %mul3A_2] : memref<200x16384xi32, #tpu.memory_space<hbm>> -> memref<1x128xi32, #tpu.memory_space<hbm>>
        %dma_wait3A_672 = tpu.memref_squeeze %dma_wait3A_671 : memref<1x128xi32, #tpu.memory_space<hbm>> -> memref<128xi32, #tpu.memory_space<hbm>>
        tpu.wait_dma2 semaphore(%arg15 : memref<!tpu.dma_semaphore, #tpu.memory_space<semaphore_mem>>) src(%dma_wait3A_672 : memref<128xi32, #tpu.memory_space<hbm>>) dst(%dma_wait3A_670 : memref<128xi32, #tpu.memory_space<vmem>>)
        %dma_wait3A_673 = arith.constant 0 : i32
        %dma_wait3A_674 = arith.constant 1 : i32
        %dma_wait3A_675 = arith.constant 3 : i32
        %dma_wait3A_676 = arith.constant 0 : i32
        %dma_wait3A_677 = tpu.memref_slice %arg8[%dma_wait3A_674, %dma_wait3A_675, %dma_wait3A_676] : memref<2x4x128xi32, #tpu.memory_space<vmem>> -> memref<1x1x128xi32, #tpu.memory_space<vmem>>
        %dma_wait3A_678 = tpu.memref_squeeze %dma_wait3A_677 : memref<1x1x128xi32, #tpu.memory_space<vmem>> -> memref<128xi32, #tpu.memory_space<vmem>>
        %dma_wait3A_679 = tpu.memref_slice %arg3[%dma_wait3A_673, %mul3A_2] : memref<200x16384xi32, #tpu.memory_space<hbm>> -> memref<1x128xi32, #tpu.memory_space<hbm>>
        %dma_wait3A_680 = tpu.memref_squeeze %dma_wait3A_679 : memref<1x128xi32, #tpu.memory_space<hbm>> -> memref<128xi32, #tpu.memory_space<hbm>>
        %dma_wait3A_681 = arith.constant 0 : i32
        %dma_wait3A_682 = tpu.memref_slice %arg8[%dma_wait3A_674, %dma_wait3A_675, %dma_wait3A_681] : memref<2x4x128xi32, #tpu.memory_space<vmem>> -> memref<1x1x128xi32, #tpu.memory_space<vmem>>
        %dma_wait3A_683 = tpu.memref_squeeze %dma_wait3A_682 : memref<1x1x128xi32, #tpu.memory_space<vmem>> -> memref<128xi32, #tpu.memory_space<vmem>>
        %dma_wait3A_684 = tpu.memref_slice %arg3[%dma_wait3A_673, %mul3A_2] : memref<200x16384xi32, #tpu.memory_space<hbm>> -> memref<1x128xi32, #tpu.memory_space<hbm>>
        %dma_wait3A_685 = tpu.memref_squeeze %dma_wait3A_684 : memref<1x128xi32, #tpu.memory_space<hbm>> -> memref<128xi32, #tpu.memory_space<hbm>>
        tpu.wait_dma2 semaphore(%arg15 : memref<!tpu.dma_semaphore, #tpu.memory_space<semaphore_mem>>) src(%dma_wait3A_685 : memref<128xi32, #tpu.memory_space<hbm>>) dst(%dma_wait3A_683 : memref<128xi32, #tpu.memory_space<vmem>>)
        %dma_wait3A_686 = arith.constant 0 : i32
        %dma_wait3A_687 = arith.constant 1 : i32
        %dma_wait3A_688 = arith.constant 0 : i32
        %dma_wait3A_689 = tpu.memref_slice %arg9[%dma_wait3A_687, %dma_wait3A_688] : memref<2x512xf32, #tpu.memory_space<vmem>> -> memref<1x512xf32, #tpu.memory_space<vmem>>
        %dma_wait3A_690 = tpu.memref_squeeze %dma_wait3A_689 : memref<1x512xf32, #tpu.memory_space<vmem>> -> memref<512xf32, #tpu.memory_space<vmem>>
        %dma_wait3A_691 = tpu.memref_slice %arg4[%dma_wait3A_686, %mul3A_2] : memref<200x16384xf32, #tpu.memory_space<hbm>> -> memref<1x512xf32, #tpu.memory_space<hbm>>
        %dma_wait3A_692 = tpu.memref_squeeze %dma_wait3A_691 : memref<1x512xf32, #tpu.memory_space<hbm>> -> memref<512xf32, #tpu.memory_space<hbm>>
        %dma_wait3A_693 = arith.constant 0 : i32
        %dma_wait3A_694 = tpu.memref_slice %arg9[%dma_wait3A_687, %dma_wait3A_693] : memref<2x512xf32, #tpu.memory_space<vmem>> -> memref<1x512xf32, #tpu.memory_space<vmem>>
        %dma_wait3A_695 = tpu.memref_squeeze %dma_wait3A_694 : memref<1x512xf32, #tpu.memory_space<vmem>> -> memref<512xf32, #tpu.memory_space<vmem>>
        %dma_wait3A_696 = tpu.memref_slice %arg4[%dma_wait3A_686, %mul3A_2] : memref<200x16384xf32, #tpu.memory_space<hbm>> -> memref<1x512xf32, #tpu.memory_space<hbm>>
        %dma_wait3A_697 = tpu.memref_squeeze %dma_wait3A_696 : memref<1x512xf32, #tpu.memory_space<hbm>> -> memref<512xf32, #tpu.memory_space<hbm>>
        tpu.wait_dma2 semaphore(%arg15 : memref<!tpu.dma_semaphore, #tpu.memory_space<semaphore_mem>>) src(%dma_wait3A_697 : memref<512xf32, #tpu.memory_space<hbm>>) dst(%dma_wait3A_695 : memref<512xf32, #tpu.memory_space<vmem>>)
        %dma_wait3A_698 = arith.constant 0 : i32
        %dma_wait3A_699 = arith.constant 1 : i32
        %dma_wait3A_700 = arith.constant 0 : i32
        %dma_wait3A_701 = tpu.memref_slice %arg10[%dma_wait3A_699, %dma_wait3A_700] : memref<2x512xf32, #tpu.memory_space<vmem>> -> memref<1x512xf32, #tpu.memory_space<vmem>>
        %dma_wait3A_702 = tpu.memref_squeeze %dma_wait3A_701 : memref<1x512xf32, #tpu.memory_space<vmem>> -> memref<512xf32, #tpu.memory_space<vmem>>
        %dma_wait3A_703 = tpu.memref_slice %arg5[%dma_wait3A_698, %mul3A_2] : memref<200x16384xf32, #tpu.memory_space<hbm>> -> memref<1x512xf32, #tpu.memory_space<hbm>>
        %dma_wait3A_704 = tpu.memref_squeeze %dma_wait3A_703 : memref<1x512xf32, #tpu.memory_space<hbm>> -> memref<512xf32, #tpu.memory_space<hbm>>
        %dma_wait3A_705 = arith.constant 0 : i32
        %dma_wait3A_706 = tpu.memref_slice %arg10[%dma_wait3A_699, %dma_wait3A_705] : memref<2x512xf32, #tpu.memory_space<vmem>> -> memref<1x512xf32, #tpu.memory_space<vmem>>
        %dma_wait3A_707 = tpu.memref_squeeze %dma_wait3A_706 : memref<1x512xf32, #tpu.memory_space<vmem>> -> memref<512xf32, #tpu.memory_space<vmem>>
        %dma_wait3A_708 = tpu.memref_slice %arg5[%dma_wait3A_698, %mul3A_2] : memref<200x16384xf32, #tpu.memory_space<hbm>> -> memref<1x512xf32, #tpu.memory_space<hbm>>
        %dma_wait3A_709 = tpu.memref_squeeze %dma_wait3A_708 : memref<1x512xf32, #tpu.memory_space<hbm>> -> memref<512xf32, #tpu.memory_space<hbm>>
        tpu.wait_dma2 semaphore(%arg15 : memref<!tpu.dma_semaphore, #tpu.memory_space<semaphore_mem>>) src(%dma_wait3A_709 : memref<512xf32, #tpu.memory_space<hbm>>) dst(%dma_wait3A_707 : memref<512xf32, #tpu.memory_space<vmem>>)
        %dma_start3A_710 = arith.constant 1 : i32
        %dma_start3A_711 = arith.constant 0 : i32
        %dma_start3A_712 = arith.constant 1 : i32
        %dma_start3A_713 = arith.constant 0 : i32
        %dma_start3A_714 = arith.constant 0 : i32
        %dma_start3A_715 = tpu.memref_slice %arg11[%dma_start3A_712, %dma_start3A_713, %dma_start3A_714] : memref<2x512x16xf32, #tpu.memory_space<vmem>> -> memref<1x128x16xf32, #tpu.memory_space<vmem>>
        %dma_start3A_716 = tpu.memref_squeeze %dma_start3A_715 : memref<1x128x16xf32, #tpu.memory_space<vmem>> -> memref<128x16xf32, #tpu.memory_space<vmem>>
        %dma_start3A_717 = arith.constant 0 : i32
        %dma_start3A_718 = tpu.memref_slice %arg8[%dma_start3A_710, %dma_start3A_711, %dma_start3A_717] : memref<2x4x128xi32, #tpu.memory_space<vmem>> -> memref<1x1x128xi32, #tpu.memory_space<vmem>>
        %dma_start3A_719 = tpu.memref_squeeze %dma_start3A_718 : memref<1x1x128xi32, #tpu.memory_space<vmem>> -> memref<128xi32, #tpu.memory_space<vmem>>
        %dma_start3A_720 = arith.constant 0 : i32
        %dma_start3A_721 = arith.constant 0 : i32
        %dma_start3A_722 = tpu.memref_slice %arg2[%dma_start3A_720, %dma_start3A_721] : memref<100000x16xf32, #tpu.memory_space<hbm>> -> memref<100000x16xf32, #tpu.memory_space<hbm>>
        tpu.enqueue_indirect_dma source(%dma_start3A_722 : memref<100000x16xf32, #tpu.memory_space<hbm>>) target(%dma_start3A_716 : memref<128x16xf32, #tpu.memory_space<vmem>>) offsets(%dma_start3A_719 : memref<128xi32, #tpu.memory_space<vmem>>) semaphore(%arg17 : memref<!tpu.dma_semaphore, #tpu.memory_space<semaphore_mem>>)
        %dma_start3A_723 = arith.constant 1 : i32
        %dma_start3A_724 = arith.constant 1 : i32
        %dma_start3A_725 = arith.constant 1 : i32
        %dma_start3A_726 = arith.constant 128 : i32
        %dma_start3A_727 = arith.constant 0 : i32
        %dma_start3A_728 = tpu.memref_slice %arg11[%dma_start3A_725, %dma_start3A_726, %dma_start3A_727] : memref<2x512x16xf32, #tpu.memory_space<vmem>> -> memref<1x128x16xf32, #tpu.memory_space<vmem>>
        %dma_start3A_729 = tpu.memref_squeeze %dma_start3A_728 : memref<1x128x16xf32, #tpu.memory_space<vmem>> -> memref<128x16xf32, #tpu.memory_space<vmem>>
        %dma_start3A_730 = arith.constant 0 : i32
        %dma_start3A_731 = tpu.memref_slice %arg8[%dma_start3A_723, %dma_start3A_724, %dma_start3A_730] : memref<2x4x128xi32, #tpu.memory_space<vmem>> -> memref<1x1x128xi32, #tpu.memory_space<vmem>>
        %dma_start3A_732 = tpu.memref_squeeze %dma_start3A_731 : memref<1x1x128xi32, #tpu.memory_space<vmem>> -> memref<128xi32, #tpu.memory_space<vmem>>
        %dma_start3A_733 = arith.constant 0 : i32
        %dma_start3A_734 = arith.constant 0 : i32
        %dma_start3A_735 = tpu.memref_slice %arg2[%dma_start3A_733, %dma_start3A_734] : memref<100000x16xf32, #tpu.memory_space<hbm>> -> memref<100000x16xf32, #tpu.memory_space<hbm>>
        tpu.enqueue_indirect_dma source(%dma_start3A_735 : memref<100000x16xf32, #tpu.memory_space<hbm>>) target(%dma_start3A_729 : memref<128x16xf32, #tpu.memory_space<vmem>>) offsets(%dma_start3A_732 : memref<128xi32, #tpu.memory_space<vmem>>) semaphore(%arg17 : memref<!tpu.dma_semaphore, #tpu.memory_space<semaphore_mem>>)
        %dma_start3A_736 = arith.constant 1 : i32
        %dma_start3A_737 = arith.constant 2 : i32
        %dma_start3A_738 = arith.constant 1 : i32
        %dma_start3A_739 = arith.constant 256 : i32
        %dma_start3A_740 = arith.constant 0 : i32
        %dma_start3A_741 = tpu.memref_slice %arg11[%dma_start3A_738, %dma_start3A_739, %dma_start3A_740] : memref<2x512x16xf32, #tpu.memory_space<vmem>> -> memref<1x128x16xf32, #tpu.memory_space<vmem>>
        %dma_start3A_742 = tpu.memref_squeeze %dma_start3A_741 : memref<1x128x16xf32, #tpu.memory_space<vmem>> -> memref<128x16xf32, #tpu.memory_space<vmem>>
        %dma_start3A_743 = arith.constant 0 : i32
        %dma_start3A_744 = tpu.memref_slice %arg8[%dma_start3A_736, %dma_start3A_737, %dma_start3A_743] : memref<2x4x128xi32, #tpu.memory_space<vmem>> -> memref<1x1x128xi32, #tpu.memory_space<vmem>>
        %dma_start3A_745 = tpu.memref_squeeze %dma_start3A_744 : memref<1x1x128xi32, #tpu.memory_space<vmem>> -> memref<128xi32, #tpu.memory_space<vmem>>
        %dma_start3A_746 = arith.constant 0 : i32
        %dma_start3A_747 = arith.constant 0 : i32
        %dma_start3A_748 = tpu.memref_slice %arg2[%dma_start3A_746, %dma_start3A_747] : memref<100000x16xf32, #tpu.memory_space<hbm>> -> memref<100000x16xf32, #tpu.memory_space<hbm>>
        tpu.enqueue_indirect_dma source(%dma_start3A_748 : memref<100000x16xf32, #tpu.memory_space<hbm>>) target(%dma_start3A_742 : memref<128x16xf32, #tpu.memory_space<vmem>>) offsets(%dma_start3A_745 : memref<128xi32, #tpu.memory_space<vmem>>) semaphore(%arg17 : memref<!tpu.dma_semaphore, #tpu.memory_space<semaphore_mem>>)
        %dma_start3A_749 = arith.constant 1 : i32
        %dma_start3A_750 = arith.constant 3 : i32
        %dma_start3A_751 = arith.constant 1 : i32
        %dma_start3A_752 = arith.constant 384 : i32
        %dma_start3A_753 = arith.constant 0 : i32
        %dma_start3A_754 = tpu.memref_slice %arg11[%dma_start3A_751, %dma_start3A_752, %dma_start3A_753] : memref<2x512x16xf32, #tpu.memory_space<vmem>> -> memref<1x128x16xf32, #tpu.memory_space<vmem>>
        %dma_start3A_755 = tpu.memref_squeeze %dma_start3A_754 : memref<1x128x16xf32, #tpu.memory_space<vmem>> -> memref<128x16xf32, #tpu.memory_space<vmem>>
        %dma_start3A_756 = arith.constant 0 : i32
        %dma_start3A_757 = tpu.memref_slice %arg8[%dma_start3A_749, %dma_start3A_750, %dma_start3A_756] : memref<2x4x128xi32, #tpu.memory_space<vmem>> -> memref<1x1x128xi32, #tpu.memory_space<vmem>>
        %dma_start3A_758 = tpu.memref_squeeze %dma_start3A_757 : memref<1x1x128xi32, #tpu.memory_space<vmem>> -> memref<128xi32, #tpu.memory_space<vmem>>
        %dma_start3A_759 = arith.constant 0 : i32
        %dma_start3A_760 = arith.constant 0 : i32
        %dma_start3A_761 = tpu.memref_slice %arg2[%dma_start3A_759, %dma_start3A_760] : memref<100000x16xf32, #tpu.memory_space<hbm>> -> memref<100000x16xf32, #tpu.memory_space<hbm>>
        tpu.enqueue_indirect_dma source(%dma_start3A_761 : memref<100000x16xf32, #tpu.memory_space<hbm>>) target(%dma_start3A_755 : memref<128x16xf32, #tpu.memory_space<vmem>>) offsets(%dma_start3A_758 : memref<128xi32, #tpu.memory_space<vmem>>) semaphore(%arg17 : memref<!tpu.dma_semaphore, #tpu.memory_space<semaphore_mem>>)
      } else {
      }
      %broadcast_in_dim3A = arith.constant 6 : i32
      %broadcast_in_dim3A_466 = vector.broadcast %broadcast_in_dim3A : i32 to vector<16xi32>
      %broadcast_in_dim3A_467 = arith.constant 7 : i32
      %broadcast_in_dim3A_468 = vector.broadcast %broadcast_in_dim3A_467 : i32 to vector<16xi32>
      %broadcast_in_dim3A_469 = arith.constant 8 : i32
      %broadcast_in_dim3A_470 = vector.broadcast %broadcast_in_dim3A_469 : i32 to vector<16xi32>
      %broadcast_in_dim3A_471 = arith.constant 9 : i32
      %broadcast_in_dim3A_472 = vector.broadcast %broadcast_in_dim3A_471 : i32 to vector<16xi32>
      %broadcast_in_dim3A_473 = arith.constant 10 : i32
      %broadcast_in_dim3A_474 = vector.broadcast %broadcast_in_dim3A_473 : i32 to vector<16xi32>
      %broadcast_in_dim3A_475 = arith.constant 11 : i32
      %broadcast_in_dim3A_476 = vector.broadcast %broadcast_in_dim3A_475 : i32 to vector<16xi32>
      %broadcast_in_dim3A_477 = arith.constant 12 : i32
      %broadcast_in_dim3A_478 = vector.broadcast %broadcast_in_dim3A_477 : i32 to vector<16xi32>
      %broadcast_in_dim3A_479 = arith.constant 13 : i32
      %broadcast_in_dim3A_480 = vector.broadcast %broadcast_in_dim3A_479 : i32 to vector<16xi32>
      %broadcast_in_dim3A_481 = arith.constant 14 : i32
      %broadcast_in_dim3A_482 = vector.broadcast %broadcast_in_dim3A_481 : i32 to vector<16xi32>
      %broadcast_in_dim3A_483 = arith.constant 15 : i32
      %broadcast_in_dim3A_484 = vector.broadcast %broadcast_in_dim3A_483 : i32 to vector<16xi32>
      %scan3A_485 = arith.constant 0 : i32
      %scan3A_486 = arith.constant 0 : i32
      %scan3A_487 = arith.constant 32 : i32
      %scan3A_488 = arith.addi %scan3A_486, %scan3A_487 : i32
      %scan3A_489 = arith.constant 1 : i32
      scf.for %scan3A_634 = %scan3A_486 to %scan3A_488 step %scan3A_489  : i32 {
        %mul3A_635 = arith.constant 16 : i32
        %mul3A_636 = arith.muli %scan3A_634, %mul3A_635 : i32
        %add3A_637 = vector.broadcast %mul3A_636 : i32 to vector<16xi32>
        %add3A_638 = arith.addi %add3A_637, %iota3A : vector<16xi32>
        %gather3A = arith.constant 0 : i32
        %gather3A_639 = arith.constant 0 : i32
        %gather3A_640 = arith.constant 0 : i32
        %gather3A_641 = tpu.memref_slice %arg11[%gather3A, %gather3A_639, %gather3A_640] : memref<2x512x16xf32, #tpu.memory_space<vmem>> -> memref<1x512x16xf32, #tpu.memory_space<vmem>>
        %gather3A_642 = tpu.memref_squeeze %gather3A_641 : memref<1x512x16xf32, #tpu.memory_space<vmem>> -> memref<512x16xf32, #tpu.memory_space<vmem>>
        %gather3A_643 = tpu.vector_load_idx %gather3A_642[%add3A_638, %broadcast_in_dim3A_466] : memref<512x16xf32, #tpu.memory_space<vmem>>[vector<16xi32>, vector<16xi32>], vector<16xf32>,
        %mul3A_644 = arith.constant 16 : i32
        %mul3A_645 = arith.muli %scan3A_634, %mul3A_644 : i32
        %swap3A = arith.constant 0 : i32
        %swap3A_646 = arith.constant 6 : i32
        %swap3A_647 = arith.index_cast %swap3A : i32 to index
        %swap3A_648 = arith.index_cast %swap3A_646 : i32 to index
        %swap3A_649 = arith.index_cast %mul3A_645 : i32 to index
        %swap3A_650 = tpu.vector_load %arg12[%swap3A_647, %swap3A_648, %swap3A_649] {strides = array<i32>} : memref<2x16x512xf32, #tpu.memory_space<vmem>>, vector<16xf32>,
        tpu.vector_store %arg12[%swap3A_647, %swap3A_648, %swap3A_649], %gather3A_643 {strides = array<i32>} : memref<2x16x512xf32, #tpu.memory_space<vmem>>, vector<16xf32>,
        %gather3A_651 = arith.constant 0 : i32
        %gather3A_652 = arith.constant 0 : i32
        %gather3A_653 = arith.constant 0 : i32
        %gather3A_654 = tpu.memref_slice %arg11[%gather3A_651, %gather3A_652, %gather3A_653] : memref<2x512x16xf32, #tpu.memory_space<vmem>> -> memref<1x512x16xf32, #tpu.memory_space<vmem>>
        %gather3A_655 = tpu.memref_squeeze %gather3A_654 : memref<1x512x16xf32, #tpu.memory_space<vmem>> -> memref<512x16xf32, #tpu.memory_space<vmem>>
        %gather3A_656 = tpu.vector_load_idx %gather3A_655[%add3A_638, %broadcast_in_dim3A_468] : memref<512x16xf32, #tpu.memory_space<vmem>>[vector<16xi32>, vector<16xi32>], vector<16xf32>,
        %mul3A_657 = arith.constant 16 : i32
        %mul3A_658 = arith.muli %scan3A_634, %mul3A_657 : i32
        %swap3A_659 = arith.constant 0 : i32
        %swap3A_660 = arith.constant 7 : i32
        %swap3A_661 = arith.index_cast %swap3A_659 : i32 to index
        %swap3A_662 = arith.index_cast %swap3A_660 : i32 to index
        %swap3A_663 = arith.index_cast %mul3A_658 : i32 to index
        %swap3A_664 = tpu.vector_load %arg12[%swap3A_661, %swap3A_662, %swap3A_663] {strides = array<i32>} : memref<2x16x512xf32, #tpu.memory_space<vmem>>, vector<16xf32>,
        tpu.vector_store %arg12[%swap3A_661, %swap3A_662, %swap3A_663], %gather3A_656 {strides = array<i32>} : memref<2x16x512xf32, #tpu.memory_space<vmem>>, vector<16xf32>,
        %gather3A_665 = arith.constant 0 : i32
        %gather3A_666 = arith.constant 0 : i32
        %gather3A_667 = arith.constant 0 : i32
        %gather3A_668 = tpu.memref_slice %arg11[%gather3A_665, %gather3A_666, %gather3A_667] : memref<2x512x16xf32, #tpu.memory_space<vmem>> -> memref<1x512x16xf32, #tpu.memory_space<vmem>>
        %gather3A_669 = tpu.memref_squeeze %gather3A_668 : memref<1x512x16xf32, #tpu.memory_space<vmem>> -> memref<512x16xf32, #tpu.memory_space<vmem>>
        %gather3A_670 = tpu.vector_load_idx %gather3A_669[%add3A_638, %broadcast_in_dim3A_470] : memref<512x16xf32, #tpu.memory_space<vmem>>[vector<16xi32>, vector<16xi32>], vector<16xf32>,
        %mul3A_671 = arith.constant 16 : i32
        %mul3A_672 = arith.muli %scan3A_634, %mul3A_671 : i32
        %swap3A_673 = arith.constant 0 : i32
        %swap3A_674 = arith.constant 8 : i32
        %swap3A_675 = arith.index_cast %swap3A_673 : i32 to index
        %swap3A_676 = arith.index_cast %swap3A_674 : i32 to index
        %swap3A_677 = arith.index_cast %mul3A_672 : i32 to index
        %swap3A_678 = tpu.vector_load %arg12[%swap3A_675, %swap3A_676, %swap3A_677] {strides = array<i32>} : memref<2x16x512xf32, #tpu.memory_space<vmem>>, vector<16xf32>,
        tpu.vector_store %arg12[%swap3A_675, %swap3A_676, %swap3A_677], %gather3A_670 {strides = array<i32>} : memref<2x16x512xf32, #tpu.memory_space<vmem>>, vector<16xf32>,
        %gather3A_679 = arith.constant 0 : i32
        %gather3A_680 = arith.constant 0 : i32
        %gather3A_681 = arith.constant 0 : i32
        %gather3A_682 = tpu.memref_slice %arg11[%gather3A_679, %gather3A_680, %gather3A_681] : memref<2x512x16xf32, #tpu.memory_space<vmem>> -> memref<1x512x16xf32, #tpu.memory_space<vmem>>
        %gather3A_683 = tpu.memref_squeeze %gather3A_682 : memref<1x512x16xf32, #tpu.memory_space<vmem>> -> memref<512x16xf32, #tpu.memory_space<vmem>>
        %gather3A_684 = tpu.vector_load_idx %gather3A_683[%add3A_638, %broadcast_in_dim3A_472] : memref<512x16xf32, #tpu.memory_space<vmem>>[vector<16xi32>, vector<16xi32>], vector<16xf32>,
        %mul3A_685 = arith.constant 16 : i32
        %mul3A_686 = arith.muli %scan3A_634, %mul3A_685 : i32
        %swap3A_687 = arith.constant 0 : i32
        %swap3A_688 = arith.constant 9 : i32
        %swap3A_689 = arith.index_cast %swap3A_687 : i32 to index
        %swap3A_690 = arith.index_cast %swap3A_688 : i32 to index
        %swap3A_691 = arith.index_cast %mul3A_686 : i32 to index
        %swap3A_692 = tpu.vector_load %arg12[%swap3A_689, %swap3A_690, %swap3A_691] {strides = array<i32>} : memref<2x16x512xf32, #tpu.memory_space<vmem>>, vector<16xf32>,
        tpu.vector_store %arg12[%swap3A_689, %swap3A_690, %swap3A_691], %gather3A_684 {strides = array<i32>} : memref<2x16x512xf32, #tpu.memory_space<vmem>>, vector<16xf32>,
        %gather3A_693 = arith.constant 0 : i32
        %gather3A_694 = arith.constant 0 : i32
        %gather3A_695 = arith.constant 0 : i32
        %gather3A_696 = tpu.memref_slice %arg11[%gather3A_693, %gather3A_694, %gather3A_695] : memref<2x512x16xf32, #tpu.memory_space<vmem>> -> memref<1x512x16xf32, #tpu.memory_space<vmem>>
        %gather3A_697 = tpu.memref_squeeze %gather3A_696 : memref<1x512x16xf32, #tpu.memory_space<vmem>> -> memref<512x16xf32, #tpu.memory_space<vmem>>
        %gather3A_698 = tpu.vector_load_idx %gather3A_697[%add3A_638, %broadcast_in_dim3A_474] : memref<512x16xf32, #tpu.memory_space<vmem>>[vector<16xi32>, vector<16xi32>], vector<16xf32>,
        %mul3A_699 = arith.constant 16 : i32
        %mul3A_700 = arith.muli %scan3A_634, %mul3A_699 : i32
        %swap3A_701 = arith.constant 0 : i32
        %swap3A_702 = arith.constant 10 : i32
        %swap3A_703 = arith.index_cast %swap3A_701 : i32 to index
        %swap3A_704 = arith.index_cast %swap3A_702 : i32 to index
        %swap3A_705 = arith.index_cast %mul3A_700 : i32 to index
        %swap3A_706 = tpu.vector_load %arg12[%swap3A_703, %swap3A_704, %swap3A_705] {strides = array<i32>} : memref<2x16x512xf32, #tpu.memory_space<vmem>>, vector<16xf32>,
        tpu.vector_store %arg12[%swap3A_703, %swap3A_704, %swap3A_705], %gather3A_698 {strides = array<i32>} : memref<2x16x512xf32, #tpu.memory_space<vmem>>, vector<16xf32>,
        %gather3A_707 = arith.constant 0 : i32
        %gather3A_708 = arith.constant 0 : i32
        %gather3A_709 = arith.constant 0 : i32
        %gather3A_710 = tpu.memref_slice %arg11[%gather3A_707, %gather3A_708, %gather3A_709] : memref<2x512x16xf32, #tpu.memory_space<vmem>> -> memref<1x512x16xf32, #tpu.memory_space<vmem>>
        %gather3A_711 = tpu.memref_squeeze %gather3A_710 : memref<1x512x16xf32, #tpu.memory_space<vmem>> -> memref<512x16xf32, #tpu.memory_space<vmem>>
        %gather3A_712 = tpu.vector_load_idx %gather3A_711[%add3A_638, %broadcast_in_dim3A_476] : memref<512x16xf32, #tpu.memory_space<vmem>>[vector<16xi32>, vector<16xi32>], vector<16xf32>,
        %mul3A_713 = arith.constant 16 : i32
        %mul3A_714 = arith.muli %scan3A_634, %mul3A_713 : i32
        %swap3A_715 = arith.constant 0 : i32
        %swap3A_716 = arith.constant 11 : i32
        %swap3A_717 = arith.index_cast %swap3A_715 : i32 to index
        %swap3A_718 = arith.index_cast %swap3A_716 : i32 to index
        %swap3A_719 = arith.index_cast %mul3A_714 : i32 to index
        %swap3A_720 = tpu.vector_load %arg12[%swap3A_717, %swap3A_718, %swap3A_719] {strides = array<i32>} : memref<2x16x512xf32, #tpu.memory_space<vmem>>, vector<16xf32>,
        tpu.vector_store %arg12[%swap3A_717, %swap3A_718, %swap3A_719], %gather3A_712 {strides = array<i32>} : memref<2x16x512xf32, #tpu.memory_space<vmem>>, vector<16xf32>,
        %gather3A_721 = arith.constant 0 : i32
        %gather3A_722 = arith.constant 0 : i32
        %gather3A_723 = arith.constant 0 : i32
        %gather3A_724 = tpu.memref_slice %arg11[%gather3A_721, %gather3A_722, %gather3A_723] : memref<2x512x16xf32, #tpu.memory_space<vmem>> -> memref<1x512x16xf32, #tpu.memory_space<vmem>>
        %gather3A_725 = tpu.memref_squeeze %gather3A_724 : memref<1x512x16xf32, #tpu.memory_space<vmem>> -> memref<512x16xf32, #tpu.memory_space<vmem>>
        %gather3A_726 = tpu.vector_load_idx %gather3A_725[%add3A_638, %broadcast_in_dim3A_478] : memref<512x16xf32, #tpu.memory_space<vmem>>[vector<16xi32>, vector<16xi32>], vector<16xf32>,
        %mul3A_727 = arith.constant 16 : i32
        %mul3A_728 = arith.muli %scan3A_634, %mul3A_727 : i32
        %swap3A_729 = arith.constant 0 : i32
        %swap3A_730 = arith.constant 12 : i32
        %swap3A_731 = arith.index_cast %swap3A_729 : i32 to index
        %swap3A_732 = arith.index_cast %swap3A_730 : i32 to index
        %swap3A_733 = arith.index_cast %mul3A_728 : i32 to index
        %swap3A_734 = tpu.vector_load %arg12[%swap3A_731, %swap3A_732, %swap3A_733] {strides = array<i32>} : memref<2x16x512xf32, #tpu.memory_space<vmem>>, vector<16xf32>,
        tpu.vector_store %arg12[%swap3A_731, %swap3A_732, %swap3A_733], %gather3A_726 {strides = array<i32>} : memref<2x16x512xf32, #tpu.memory_space<vmem>>, vector<16xf32>,
        %gather3A_735 = arith.constant 0 : i32
        %gather3A_736 = arith.constant 0 : i32
        %gather3A_737 = arith.constant 0 : i32
        %gather3A_738 = tpu.memref_slice %arg11[%gather3A_735, %gather3A_736, %gather3A_737] : memref<2x512x16xf32, #tpu.memory_space<vmem>> -> memref<1x512x16xf32, #tpu.memory_space<vmem>>
        %gather3A_739 = tpu.memref_squeeze %gather3A_738 : memref<1x512x16xf32, #tpu.memory_space<vmem>> -> memref<512x16xf32, #tpu.memory_space<vmem>>
        %gather3A_740 = tpu.vector_load_idx %gather3A_739[%add3A_638, %broadcast_in_dim3A_480] : memref<512x16xf32, #tpu.memory_space<vmem>>[vector<16xi32>, vector<16xi32>], vector<16xf32>,
        %mul3A_741 = arith.constant 16 : i32
        %mul3A_742 = arith.muli %scan3A_634, %mul3A_741 : i32
        %swap3A_743 = arith.constant 0 : i32
        %swap3A_744 = arith.constant 13 : i32
        %swap3A_745 = arith.index_cast %swap3A_743 : i32 to index
        %swap3A_746 = arith.index_cast %swap3A_744 : i32 to index
        %swap3A_747 = arith.index_cast %mul3A_742 : i32 to index
        %swap3A_748 = tpu.vector_load %arg12[%swap3A_745, %swap3A_746, %swap3A_747] {strides = array<i32>} : memref<2x16x512xf32, #tpu.memory_space<vmem>>, vector<16xf32>,
        tpu.vector_store %arg12[%swap3A_745, %swap3A_746, %swap3A_747], %gather3A_740 {strides = array<i32>} : memref<2x16x512xf32, #tpu.memory_space<vmem>>, vector<16xf32>,
        %gather3A_749 = arith.constant 0 : i32
        %gather3A_750 = arith.constant 0 : i32
        %gather3A_751 = arith.constant 0 : i32
        %gather3A_752 = tpu.memref_slice %arg11[%gather3A_749, %gather3A_750, %gather3A_751] : memref<2x512x16xf32, #tpu.memory_space<vmem>> -> memref<1x512x16xf32, #tpu.memory_space<vmem>>
        %gather3A_753 = tpu.memref_squeeze %gather3A_752 : memref<1x512x16xf32, #tpu.memory_space<vmem>> -> memref<512x16xf32, #tpu.memory_space<vmem>>
        %gather3A_754 = tpu.vector_load_idx %gather3A_753[%add3A_638, %broadcast_in_dim3A_482] : memref<512x16xf32, #tpu.memory_space<vmem>>[vector<16xi32>, vector<16xi32>], vector<16xf32>,
        %mul3A_755 = arith.constant 16 : i32
        %mul3A_756 = arith.muli %scan3A_634, %mul3A_755 : i32
        %swap3A_757 = arith.constant 0 : i32
        %swap3A_758 = arith.constant 14 : i32
        %swap3A_759 = arith.index_cast %swap3A_757 : i32 to index
        %swap3A_760 = arith.index_cast %swap3A_758 : i32 to index
        %swap3A_761 = arith.index_cast %mul3A_756 : i32 to index
        %swap3A_762 = tpu.vector_load %arg12[%swap3A_759, %swap3A_760, %swap3A_761] {strides = array<i32>} : memref<2x16x512xf32, #tpu.memory_space<vmem>>, vector<16xf32>,
        tpu.vector_store %arg12[%swap3A_759, %swap3A_760, %swap3A_761], %gather3A_754 {strides = array<i32>} : memref<2x16x512xf32, #tpu.memory_space<vmem>>, vector<16xf32>,
        %gather3A_763 = arith.constant 0 : i32
        %gather3A_764 = arith.constant 0 : i32
        %gather3A_765 = arith.constant 0 : i32
        %gather3A_766 = tpu.memref_slice %arg11[%gather3A_763, %gather3A_764, %gather3A_765] : memref<2x512x16xf32, #tpu.memory_space<vmem>> -> memref<1x512x16xf32, #tpu.memory_space<vmem>>
        %gather3A_767 = tpu.memref_squeeze %gather3A_766 : memref<1x512x16xf32, #tpu.memory_space<vmem>> -> memref<512x16xf32, #tpu.memory_space<vmem>>
        %gather3A_768 = tpu.vector_load_idx %gather3A_767[%add3A_638, %broadcast_in_dim3A_484] : memref<512x16xf32, #tpu.memory_space<vmem>>[vector<16xi32>, vector<16xi32>], vector<16xf32>,
        %mul3A_769 = arith.constant 16 : i32
        %mul3A_770 = arith.muli %scan3A_634, %mul3A_769 : i32
        %swap3A_771 = arith.constant 0 : i32
        %swap3A_772 = arith.constant 15 : i32
        %swap3A_773 = arith.index_cast %swap3A_771 : i32 to index
        %swap3A_774 = arith.index_cast %swap3A_772 : i32 to index
        %swap3A_775 = arith.index_cast %mul3A_770 : i32 to index
        %swap3A_776 = tpu.vector_load %arg12[%swap3A_773, %swap3A_774, %swap3A_775] {strides = array<i32>} : memref<2x16x512xf32, #tpu.memory_space<vmem>>, vector<16xf32>,
        tpu.vector_store %arg12[%swap3A_773, %swap3A_774, %swap3A_775], %gather3A_768 {strides = array<i32>} : memref<2x16x512xf32, #tpu.memory_space<vmem>>, vector<16xf32>,
      }
      %scan3A_490 = arith.constant 32 : i32
      %mul3A_491 = arith.constant 16 : i32
      %mul3A_492 = arith.muli %mul3A_409, %mul3A_491 : i32
      %dma_start3A_493 = arith.constant 0 : i32
      %dma_start3A_494 = arith.constant 0 : i32
      %dma_start3A_495 = arith.constant 0 : i32
      %dma_start3A_496 = tpu.memref_slice %arg12[%dma_start3A_493, %dma_start3A_494, %dma_start3A_495] : memref<2x16x512xf32, #tpu.memory_space<vmem>> -> memref<1x16x512xf32, #tpu.memory_space<vmem>>
      %dma_start3A_497 = tpu.memref_squeeze %dma_start3A_496 : memref<1x16x512xf32, #tpu.memory_space<vmem>> -> memref<16x512xf32, #tpu.memory_space<vmem>>
      %dma_start3A_498 = tpu.memref_slice %arg7[%mul3A_492, %mul3A_2] : memref<3200x16384xf32, #tpu.memory_space<hbm>> -> memref<16x512xf32, #tpu.memory_space<hbm>>
      %dma_start3A_499 = tpu.memref_slice %arg7[%mul3A_492, %mul3A_2] : memref<3200x16384xf32, #tpu.memory_space<hbm>> -> memref<16x512xf32, #tpu.memory_space<hbm>>
      %dma_start3A_500 = arith.constant 0 : i32
      %dma_start3A_501 = arith.constant 0 : i32
      %dma_start3A_502 = tpu.memref_slice %arg12[%dma_start3A_493, %dma_start3A_500, %dma_start3A_501] : memref<2x16x512xf32, #tpu.memory_space<vmem>> -> memref<1x16x512xf32, #tpu.memory_space<vmem>>
      %dma_start3A_503 = tpu.memref_squeeze %dma_start3A_502 : memref<1x16x512xf32, #tpu.memory_space<vmem>> -> memref<16x512xf32, #tpu.memory_space<vmem>>
      tpu.enqueue_dma source(%dma_start3A_503 : memref<16x512xf32, #tpu.memory_space<vmem>>) target(%dma_start3A_499 : memref<16x512xf32, #tpu.memory_space<hbm>>) target_semaphore(%arg18 : memref<!tpu.dma_semaphore, #tpu.memory_space<semaphore_mem>>)
      %add3A_504 = arith.constant 1 : i32
      %add3A_505 = arith.addi %mul3A_409, %add3A_504 : i32
      %lt3A_506 = arith.constant 200 : i32
      %lt3A_507 = arith.cmpi slt, %add3A_505, %lt3A_506 : i32
      %convert_element_type3A_508 = arith.extui %lt3A_507 : i1 to i32
      %cond3A_509 = arith.constant 0 : i32
      %cond3A_510 = arith.cmpi ne, %convert_element_type3A_508, %cond3A_509 : i32
      scf.if %cond3A_510 {
        %gt3A = arith.constant 0 : i32
        %gt3A_634 = arith.cmpi sgt, %mul3A_409, %gt3A : i32
        %convert_element_type3A_635 = arith.extui %gt3A_634 : i1 to i32
        %cond3A_636 = arith.constant 0 : i32
        %cond3A_637 = arith.cmpi ne, %convert_element_type3A_635, %cond3A_636 : i32
        scf.if %cond3A_637 {
          %dma_wait3A_644 = arith.constant 1 : i32
          %dma_wait3A_645 = arith.constant 0 : i32
          %dma_wait3A_646 = arith.constant 0 : i32
          %dma_wait3A_647 = tpu.memref_slice %arg12[%dma_wait3A_644, %dma_wait3A_645, %dma_wait3A_646] : memref<2x16x512xf32, #tpu.memory_space<vmem>> -> memref<1x16x512xf32, #tpu.memory_space<vmem>>
          %dma_wait3A_648 = tpu.memref_squeeze %dma_wait3A_647 : memref<1x16x512xf32, #tpu.memory_space<vmem>> -> memref<16x512xf32, #tpu.memory_space<vmem>>
          %dma_wait3A_649 = arith.constant 0 : i32
          %dma_wait3A_650 = tpu.memref_slice %arg7[%dma_wait3A_649, %mul3A_2] : memref<3200x16384xf32, #tpu.memory_space<hbm>> -> memref<16x512xf32, #tpu.memory_space<hbm>>
          %dma_wait3A_651 = arith.constant 0 : i32
          %dma_wait3A_652 = tpu.memref_slice %arg7[%dma_wait3A_651, %mul3A_2] : memref<3200x16384xf32, #tpu.memory_space<hbm>> -> memref<16x512xf32, #tpu.memory_space<hbm>>
          %dma_wait3A_653 = arith.constant 0 : i32
          %dma_wait3A_654 = arith.constant 0 : i32
          %dma_wait3A_655 = tpu.memref_slice %arg12[%dma_wait3A_644, %dma_wait3A_653, %dma_wait3A_654] : memref<2x16x512xf32, #tpu.memory_space<vmem>> -> memref<1x16x512xf32, #tpu.memory_space<vmem>>
          %dma_wait3A_656 = tpu.memref_squeeze %dma_wait3A_655 : memref<1x16x512xf32, #tpu.memory_space<vmem>> -> memref<16x512xf32, #tpu.memory_space<vmem>>
          tpu.wait_dma2 semaphore(%arg19 : memref<!tpu.dma_semaphore, #tpu.memory_space<semaphore_mem>>) src(%dma_wait3A_656 : memref<16x512xf32, #tpu.memory_space<vmem>>) dst(%dma_wait3A_652 : memref<16x512xf32, #tpu.memory_space<hbm>>)
        } else {
        }
        %scan3A_638 = arith.constant 0 : i32
        %scan3A_639 = arith.constant 0 : i32
        %scan3A_640 = arith.constant 32 : i32
        %scan3A_641 = arith.addi %scan3A_639, %scan3A_640 : i32
        %scan3A_642 = arith.constant 1 : i32
        scf.for %scan3A_644 = %scan3A_639 to %scan3A_641 step %scan3A_642  : i32 {
          %mul3A_645 = arith.constant 16 : i32
          %mul3A_646 = arith.muli %scan3A_644, %mul3A_645 : i32
          %get3A_647 = arith.constant 1 : i32
          %get3A_648 = arith.index_cast %get3A_647 : i32 to index
          %get3A_649 = arith.index_cast %mul3A_646 : i32 to index
          %get3A_650 = tpu.vector_load %arg9[%get3A_648, %get3A_649] {strides = array<i32>} : memref<2x512xf32, #tpu.memory_space<vmem>>, vector<16xf32>,
          %mul3A_651 = arith.constant 16 : i32
          %mul3A_652 = arith.muli %scan3A_644, %mul3A_651 : i32
          %get3A_653 = arith.constant 1 : i32
          %get3A_654 = arith.index_cast %get3A_653 : i32 to index
          %get3A_655 = arith.index_cast %mul3A_652 : i32 to index
          %get3A_656 = tpu.vector_load %arg10[%get3A_654, %get3A_655] {strides = array<i32>} : memref<2x512xf32, #tpu.memory_space<vmem>>, vector<16xf32>,
          %mul3A_657 = arith.mulf %get3A_650, %get3A_5 : vector<16xf32>
          %mul3A_658 = arith.mulf %get3A_656, %get3A_29 : vector<16xf32>
          %add3A_659 = arith.addf %mul3A_657, %mul3A_658 : vector<16xf32>
          %add3A_660 = arith.addf %add3A_659, %get3A_53 : vector<16xf32>
          %mul3A_661 = arith.constant 16 : i32
          %mul3A_662 = arith.muli %scan3A_644, %mul3A_661 : i32
          %swap3A = arith.constant 1 : i32
          %swap3A_663 = arith.constant 0 : i32
          %swap3A_664 = arith.index_cast %swap3A : i32 to index
          %swap3A_665 = arith.index_cast %swap3A_663 : i32 to index
          %swap3A_666 = arith.index_cast %mul3A_662 : i32 to index
          %swap3A_667 = tpu.vector_load %arg12[%swap3A_664, %swap3A_665, %swap3A_666] {strides = array<i32>} : memref<2x16x512xf32, #tpu.memory_space<vmem>>, vector<16xf32>,
          tpu.vector_store %arg12[%swap3A_664, %swap3A_665, %swap3A_666], %add3A_660 {strides = array<i32>} : memref<2x16x512xf32, #tpu.memory_space<vmem>>, vector<16xf32>,
          %mul3A_668 = arith.mulf %get3A_650, %get3A_9 : vector<16xf32>
          %mul3A_669 = arith.mulf %get3A_656, %get3A_33 : vector<16xf32>
          %add3A_670 = arith.addf %mul3A_668, %mul3A_669 : vector<16xf32>
          %add3A_671 = arith.addf %add3A_670, %get3A_57 : vector<16xf32>
          %mul3A_672 = arith.constant 16 : i32
          %mul3A_673 = arith.muli %scan3A_644, %mul3A_672 : i32
          %swap3A_674 = arith.constant 1 : i32
          %swap3A_675 = arith.constant 1 : i32
          %swap3A_676 = arith.index_cast %swap3A_674 : i32 to index
          %swap3A_677 = arith.index_cast %swap3A_675 : i32 to index
          %swap3A_678 = arith.index_cast %mul3A_673 : i32 to index
          %swap3A_679 = tpu.vector_load %arg12[%swap3A_676, %swap3A_677, %swap3A_678] {strides = array<i32>} : memref<2x16x512xf32, #tpu.memory_space<vmem>>, vector<16xf32>,
          tpu.vector_store %arg12[%swap3A_676, %swap3A_677, %swap3A_678], %add3A_671 {strides = array<i32>} : memref<2x16x512xf32, #tpu.memory_space<vmem>>, vector<16xf32>,
          %mul3A_680 = arith.mulf %get3A_650, %get3A_13 : vector<16xf32>
          %mul3A_681 = arith.mulf %get3A_656, %get3A_37 : vector<16xf32>
          %add3A_682 = arith.addf %mul3A_680, %mul3A_681 : vector<16xf32>
          %add3A_683 = arith.addf %add3A_682, %get3A_61 : vector<16xf32>
          %mul3A_684 = arith.constant 16 : i32
          %mul3A_685 = arith.muli %scan3A_644, %mul3A_684 : i32
          %swap3A_686 = arith.constant 1 : i32
          %swap3A_687 = arith.constant 2 : i32
          %swap3A_688 = arith.index_cast %swap3A_686 : i32 to index
          %swap3A_689 = arith.index_cast %swap3A_687 : i32 to index
          %swap3A_690 = arith.index_cast %mul3A_685 : i32 to index
          %swap3A_691 = tpu.vector_load %arg12[%swap3A_688, %swap3A_689, %swap3A_690] {strides = array<i32>} : memref<2x16x512xf32, #tpu.memory_space<vmem>>, vector<16xf32>,
          tpu.vector_store %arg12[%swap3A_688, %swap3A_689, %swap3A_690], %add3A_683 {strides = array<i32>} : memref<2x16x512xf32, #tpu.memory_space<vmem>>, vector<16xf32>,
          %mul3A_692 = arith.mulf %get3A_650, %get3A_17 : vector<16xf32>
          %mul3A_693 = arith.mulf %get3A_656, %get3A_41 : vector<16xf32>
          %add3A_694 = arith.addf %mul3A_692, %mul3A_693 : vector<16xf32>
          %add3A_695 = arith.addf %add3A_694, %get3A_65 : vector<16xf32>
          %mul3A_696 = arith.constant 16 : i32
          %mul3A_697 = arith.muli %scan3A_644, %mul3A_696 : i32
          %swap3A_698 = arith.constant 1 : i32
          %swap3A_699 = arith.constant 3 : i32
          %swap3A_700 = arith.index_cast %swap3A_698 : i32 to index
          %swap3A_701 = arith.index_cast %swap3A_699 : i32 to index
          %swap3A_702 = arith.index_cast %mul3A_697 : i32 to index
          %swap3A_703 = tpu.vector_load %arg12[%swap3A_700, %swap3A_701, %swap3A_702] {strides = array<i32>} : memref<2x16x512xf32, #tpu.memory_space<vmem>>, vector<16xf32>,
          tpu.vector_store %arg12[%swap3A_700, %swap3A_701, %swap3A_702], %add3A_695 {strides = array<i32>} : memref<2x16x512xf32, #tpu.memory_space<vmem>>, vector<16xf32>,
          %mul3A_704 = arith.mulf %get3A_650, %get3A_21 : vector<16xf32>
          %mul3A_705 = arith.mulf %get3A_656, %get3A_45 : vector<16xf32>
          %add3A_706 = arith.addf %mul3A_704, %mul3A_705 : vector<16xf32>
          %add3A_707 = arith.addf %add3A_706, %get3A_69 : vector<16xf32>
          %mul3A_708 = arith.constant 16 : i32
          %mul3A_709 = arith.muli %scan3A_644, %mul3A_708 : i32
          %swap3A_710 = arith.constant 1 : i32
          %swap3A_711 = arith.constant 4 : i32
          %swap3A_712 = arith.index_cast %swap3A_710 : i32 to index
          %swap3A_713 = arith.index_cast %swap3A_711 : i32 to index
          %swap3A_714 = arith.index_cast %mul3A_709 : i32 to index
          %swap3A_715 = tpu.vector_load %arg12[%swap3A_712, %swap3A_713, %swap3A_714] {strides = array<i32>} : memref<2x16x512xf32, #tpu.memory_space<vmem>>, vector<16xf32>,
          tpu.vector_store %arg12[%swap3A_712, %swap3A_713, %swap3A_714], %add3A_707 {strides = array<i32>} : memref<2x16x512xf32, #tpu.memory_space<vmem>>, vector<16xf32>,
          %mul3A_716 = arith.mulf %get3A_650, %get3A_25 : vector<16xf32>
          %mul3A_717 = arith.mulf %get3A_656, %get3A_49 : vector<16xf32>
          %add3A_718 = arith.addf %mul3A_716, %mul3A_717 : vector<16xf32>
          %add3A_719 = arith.addf %add3A_718, %get3A_73 : vector<16xf32>
          %mul3A_720 = arith.constant 16 : i32
          %mul3A_721 = arith.muli %scan3A_644, %mul3A_720 : i32
          %swap3A_722 = arith.constant 1 : i32
          %swap3A_723 = arith.constant 5 : i32
          %swap3A_724 = arith.index_cast %swap3A_722 : i32 to index
          %swap3A_725 = arith.index_cast %swap3A_723 : i32 to index
          %swap3A_726 = arith.index_cast %mul3A_721 : i32 to index
          %swap3A_727 = tpu.vector_load %arg12[%swap3A_724, %swap3A_725, %swap3A_726] {strides = array<i32>} : memref<2x16x512xf32, #tpu.memory_space<vmem>>, vector<16xf32>,
          tpu.vector_store %arg12[%swap3A_724, %swap3A_725, %swap3A_726], %add3A_719 {strides = array<i32>} : memref<2x16x512xf32, #tpu.memory_space<vmem>>, vector<16xf32>,
        }
        %scan3A_643 = arith.constant 32 : i32
      } else {
      }
      %add3A_511 = arith.constant 2 : i32
      %add3A_512 = arith.addi %mul3A_409, %add3A_511 : i32
      %lt3A_513 = arith.constant 200 : i32
      %lt3A_514 = arith.cmpi slt, %add3A_512, %lt3A_513 : i32
      %convert_element_type3A_515 = arith.extui %lt3A_514 : i1 to i32
      %cond3A_516 = arith.constant 0 : i32
      %cond3A_517 = arith.cmpi ne, %convert_element_type3A_515, %cond3A_516 : i32
      scf.if %cond3A_517 {
        %add3A_634 = arith.constant 2 : i32
        %add3A_635 = arith.addi %mul3A_409, %add3A_634 : i32
        %add3A_636 = arith.constant 0 : i32
        %add3A_637 = arith.addi %mul3A_2, %add3A_636 : i32
        %dma_start3A_638 = arith.constant 0 : i32
        %dma_start3A_639 = arith.constant 0 : i32
        %dma_start3A_640 = arith.constant 0 : i32
        %dma_start3A_641 = tpu.memref_slice %arg8[%dma_start3A_638, %dma_start3A_639, %dma_start3A_640] : memref<2x4x128xi32, #tpu.memory_space<vmem>> -> memref<1x1x128xi32, #tpu.memory_space<vmem>>
        %dma_start3A_642 = tpu.memref_squeeze %dma_start3A_641 : memref<1x1x128xi32, #tpu.memory_space<vmem>> -> memref<128xi32, #tpu.memory_space<vmem>>
        %dma_start3A_643 = tpu.memref_slice %arg3[%add3A_635, %add3A_637] : memref<200x16384xi32, #tpu.memory_space<hbm>> -> memref<1x128xi32, #tpu.memory_space<hbm>>
        %dma_start3A_644 = tpu.memref_squeeze %dma_start3A_643 : memref<1x128xi32, #tpu.memory_space<hbm>> -> memref<128xi32, #tpu.memory_space<hbm>>
        %dma_start3A_645 = arith.constant 0 : i32
        %dma_start3A_646 = tpu.memref_slice %arg8[%dma_start3A_638, %dma_start3A_639, %dma_start3A_645] : memref<2x4x128xi32, #tpu.memory_space<vmem>> -> memref<1x1x128xi32, #tpu.memory_space<vmem>>
        %dma_start3A_647 = tpu.memref_squeeze %dma_start3A_646 : memref<1x1x128xi32, #tpu.memory_space<vmem>> -> memref<128xi32, #tpu.memory_space<vmem>>
        %dma_start3A_648 = tpu.memref_slice %arg3[%add3A_635, %add3A_637] : memref<200x16384xi32, #tpu.memory_space<hbm>> -> memref<1x128xi32, #tpu.memory_space<hbm>>
        %dma_start3A_649 = tpu.memref_squeeze %dma_start3A_648 : memref<1x128xi32, #tpu.memory_space<hbm>> -> memref<128xi32, #tpu.memory_space<hbm>>
        tpu.enqueue_dma source(%dma_start3A_649 : memref<128xi32, #tpu.memory_space<hbm>>) target(%dma_start3A_647 : memref<128xi32, #tpu.memory_space<vmem>>) target_semaphore(%arg14 : memref<!tpu.dma_semaphore, #tpu.memory_space<semaphore_mem>>)
        %add3A_650 = arith.constant 128 : i32
        %add3A_651 = arith.addi %mul3A_2, %add3A_650 : i32
        %dma_start3A_652 = arith.constant 0 : i32
        %dma_start3A_653 = arith.constant 1 : i32
        %dma_start3A_654 = arith.constant 0 : i32
        %dma_start3A_655 = tpu.memref_slice %arg8[%dma_start3A_652, %dma_start3A_653, %dma_start3A_654] : memref<2x4x128xi32, #tpu.memory_space<vmem>> -> memref<1x1x128xi32, #tpu.memory_space<vmem>>
        %dma_start3A_656 = tpu.memref_squeeze %dma_start3A_655 : memref<1x1x128xi32, #tpu.memory_space<vmem>> -> memref<128xi32, #tpu.memory_space<vmem>>
        %dma_start3A_657 = tpu.memref_slice %arg3[%add3A_635, %add3A_651] : memref<200x16384xi32, #tpu.memory_space<hbm>> -> memref<1x128xi32, #tpu.memory_space<hbm>>
        %dma_start3A_658 = tpu.memref_squeeze %dma_start3A_657 : memref<1x128xi32, #tpu.memory_space<hbm>> -> memref<128xi32, #tpu.memory_space<hbm>>
        %dma_start3A_659 = arith.constant 0 : i32
        %dma_start3A_660 = tpu.memref_slice %arg8[%dma_start3A_652, %dma_start3A_653, %dma_start3A_659] : memref<2x4x128xi32, #tpu.memory_space<vmem>> -> memref<1x1x128xi32, #tpu.memory_space<vmem>>
        %dma_start3A_661 = tpu.memref_squeeze %dma_start3A_660 : memref<1x1x128xi32, #tpu.memory_space<vmem>> -> memref<128xi32, #tpu.memory_space<vmem>>
        %dma_start3A_662 = tpu.memref_slice %arg3[%add3A_635, %add3A_651] : memref<200x16384xi32, #tpu.memory_space<hbm>> -> memref<1x128xi32, #tpu.memory_space<hbm>>
        %dma_start3A_663 = tpu.memref_squeeze %dma_start3A_662 : memref<1x128xi32, #tpu.memory_space<hbm>> -> memref<128xi32, #tpu.memory_space<hbm>>
        tpu.enqueue_dma source(%dma_start3A_663 : memref<128xi32, #tpu.memory_space<hbm>>) target(%dma_start3A_661 : memref<128xi32, #tpu.memory_space<vmem>>) target_semaphore(%arg14 : memref<!tpu.dma_semaphore, #tpu.memory_space<semaphore_mem>>)
        %add3A_664 = arith.constant 256 : i32
        %add3A_665 = arith.addi %mul3A_2, %add3A_664 : i32
        %dma_start3A_666 = arith.constant 0 : i32
        %dma_start3A_667 = arith.constant 2 : i32
        %dma_start3A_668 = arith.constant 0 : i32
        %dma_start3A_669 = tpu.memref_slice %arg8[%dma_start3A_666, %dma_start3A_667, %dma_start3A_668] : memref<2x4x128xi32, #tpu.memory_space<vmem>> -> memref<1x1x128xi32, #tpu.memory_space<vmem>>
        %dma_start3A_670 = tpu.memref_squeeze %dma_start3A_669 : memref<1x1x128xi32, #tpu.memory_space<vmem>> -> memref<128xi32, #tpu.memory_space<vmem>>
        %dma_start3A_671 = tpu.memref_slice %arg3[%add3A_635, %add3A_665] : memref<200x16384xi32, #tpu.memory_space<hbm>> -> memref<1x128xi32, #tpu.memory_space<hbm>>
        %dma_start3A_672 = tpu.memref_squeeze %dma_start3A_671 : memref<1x128xi32, #tpu.memory_space<hbm>> -> memref<128xi32, #tpu.memory_space<hbm>>
        %dma_start3A_673 = arith.constant 0 : i32
        %dma_start3A_674 = tpu.memref_slice %arg8[%dma_start3A_666, %dma_start3A_667, %dma_start3A_673] : memref<2x4x128xi32, #tpu.memory_space<vmem>> -> memref<1x1x128xi32, #tpu.memory_space<vmem>>
        %dma_start3A_675 = tpu.memref_squeeze %dma_start3A_674 : memref<1x1x128xi32, #tpu.memory_space<vmem>> -> memref<128xi32, #tpu.memory_space<vmem>>
        %dma_start3A_676 = tpu.memref_slice %arg3[%add3A_635, %add3A_665] : memref<200x16384xi32, #tpu.memory_space<hbm>> -> memref<1x128xi32, #tpu.memory_space<hbm>>
        %dma_start3A_677 = tpu.memref_squeeze %dma_start3A_676 : memref<1x128xi32, #tpu.memory_space<hbm>> -> memref<128xi32, #tpu.memory_space<hbm>>
        tpu.enqueue_dma source(%dma_start3A_677 : memref<128xi32, #tpu.memory_space<hbm>>) target(%dma_start3A_675 : memref<128xi32, #tpu.memory_space<vmem>>) target_semaphore(%arg14 : memref<!tpu.dma_semaphore, #tpu.memory_space<semaphore_mem>>)
        %add3A_678 = arith.constant 384 : i32
        %add3A_679 = arith.addi %mul3A_2, %add3A_678 : i32
        %dma_start3A_680 = arith.constant 0 : i32
        %dma_start3A_681 = arith.constant 3 : i32
        %dma_start3A_682 = arith.constant 0 : i32
        %dma_start3A_683 = tpu.memref_slice %arg8[%dma_start3A_680, %dma_start3A_681, %dma_start3A_682] : memref<2x4x128xi32, #tpu.memory_space<vmem>> -> memref<1x1x128xi32, #tpu.memory_space<vmem>>
        %dma_start3A_684 = tpu.memref_squeeze %dma_start3A_683 : memref<1x1x128xi32, #tpu.memory_space<vmem>> -> memref<128xi32, #tpu.memory_space<vmem>>
        %dma_start3A_685 = tpu.memref_slice %arg3[%add3A_635, %add3A_679] : memref<200x16384xi32, #tpu.memory_space<hbm>> -> memref<1x128xi32, #tpu.memory_space<hbm>>
        %dma_start3A_686 = tpu.memref_squeeze %dma_start3A_685 : memref<1x128xi32, #tpu.memory_space<hbm>> -> memref<128xi32, #tpu.memory_space<hbm>>
        %dma_start3A_687 = arith.constant 0 : i32
        %dma_start3A_688 = tpu.memref_slice %arg8[%dma_start3A_680, %dma_start3A_681, %dma_start3A_687] : memref<2x4x128xi32, #tpu.memory_space<vmem>> -> memref<1x1x128xi32, #tpu.memory_space<vmem>>
        %dma_start3A_689 = tpu.memref_squeeze %dma_start3A_688 : memref<1x1x128xi32, #tpu.memory_space<vmem>> -> memref<128xi32, #tpu.memory_space<vmem>>
        %dma_start3A_690 = tpu.memref_slice %arg3[%add3A_635, %add3A_679] : memref<200x16384xi32, #tpu.memory_space<hbm>> -> memref<1x128xi32, #tpu.memory_space<hbm>>
        %dma_start3A_691 = tpu.memref_squeeze %dma_start3A_690 : memref<1x128xi32, #tpu.memory_space<hbm>> -> memref<128xi32, #tpu.memory_space<hbm>>
        tpu.enqueue_dma source(%dma_start3A_691 : memref<128xi32, #tpu.memory_space<hbm>>) target(%dma_start3A_689 : memref<128xi32, #tpu.memory_space<vmem>>) target_semaphore(%arg14 : memref<!tpu.dma_semaphore, #tpu.memory_space<semaphore_mem>>)
        %dma_start3A_692 = arith.constant 0 : i32
        %dma_start3A_693 = arith.constant 0 : i32
        %dma_start3A_694 = tpu.memref_slice %arg9[%dma_start3A_692, %dma_start3A_693] : memref<2x512xf32, #tpu.memory_space<vmem>> -> memref<1x512xf32, #tpu.memory_space<vmem>>
        %dma_start3A_695 = tpu.memref_squeeze %dma_start3A_694 : memref<1x512xf32, #tpu.memory_space<vmem>> -> memref<512xf32, #tpu.memory_space<vmem>>
        %dma_start3A_696 = tpu.memref_slice %arg4[%add3A_635, %mul3A_2] : memref<200x16384xf32, #tpu.memory_space<hbm>> -> memref<1x512xf32, #tpu.memory_space<hbm>>
        %dma_start3A_697 = tpu.memref_squeeze %dma_start3A_696 : memref<1x512xf32, #tpu.memory_space<hbm>> -> memref<512xf32, #tpu.memory_space<hbm>>
        %dma_start3A_698 = arith.constant 0 : i32
        %dma_start3A_699 = tpu.memref_slice %arg9[%dma_start3A_692, %dma_start3A_698] : memref<2x512xf32, #tpu.memory_space<vmem>> -> memref<1x512xf32, #tpu.memory_space<vmem>>
        %dma_start3A_700 = tpu.memref_squeeze %dma_start3A_699 : memref<1x512xf32, #tpu.memory_space<vmem>> -> memref<512xf32, #tpu.memory_space<vmem>>
        %dma_start3A_701 = tpu.memref_slice %arg4[%add3A_635, %mul3A_2] : memref<200x16384xf32, #tpu.memory_space<hbm>> -> memref<1x512xf32, #tpu.memory_space<hbm>>
        %dma_start3A_702 = tpu.memref_squeeze %dma_start3A_701 : memref<1x512xf32, #tpu.memory_space<hbm>> -> memref<512xf32, #tpu.memory_space<hbm>>
        tpu.enqueue_dma source(%dma_start3A_702 : memref<512xf32, #tpu.memory_space<hbm>>) target(%dma_start3A_700 : memref<512xf32, #tpu.memory_space<vmem>>) target_semaphore(%arg14 : memref<!tpu.dma_semaphore, #tpu.memory_space<semaphore_mem>>)
        %dma_start3A_703 = arith.constant 0 : i32
        %dma_start3A_704 = arith.constant 0 : i32
        %dma_start3A_705 = tpu.memref_slice %arg10[%dma_start3A_703, %dma_start3A_704] : memref<2x512xf32, #tpu.memory_space<vmem>> -> memref<1x512xf32, #tpu.memory_space<vmem>>
        %dma_start3A_706 = tpu.memref_squeeze %dma_start3A_705 : memref<1x512xf32, #tpu.memory_space<vmem>> -> memref<512xf32, #tpu.memory_space<vmem>>
        %dma_start3A_707 = tpu.memref_slice %arg5[%add3A_635, %mul3A_2] : memref<200x16384xf32, #tpu.memory_space<hbm>> -> memref<1x512xf32, #tpu.memory_space<hbm>>
        %dma_start3A_708 = tpu.memref_squeeze %dma_start3A_707 : memref<1x512xf32, #tpu.memory_space<hbm>> -> memref<512xf32, #tpu.memory_space<hbm>>
        %dma_start3A_709 = arith.constant 0 : i32
        %dma_start3A_710 = tpu.memref_slice %arg10[%dma_start3A_703, %dma_start3A_709] : memref<2x512xf32, #tpu.memory_space<vmem>> -> memref<1x512xf32, #tpu.memory_space<vmem>>
        %dma_start3A_711 = tpu.memref_squeeze %dma_start3A_710 : memref<1x512xf32, #tpu.memory_space<vmem>> -> memref<512xf32, #tpu.memory_space<vmem>>
        %dma_start3A_712 = tpu.memref_slice %arg5[%add3A_635, %mul3A_2] : memref<200x16384xf32, #tpu.memory_space<hbm>> -> memref<1x512xf32, #tpu.memory_space<hbm>>
        %dma_start3A_713 = tpu.memref_squeeze %dma_start3A_712 : memref<1x512xf32, #tpu.memory_space<hbm>> -> memref<512xf32, #tpu.memory_space<hbm>>
        tpu.enqueue_dma source(%dma_start3A_713 : memref<512xf32, #tpu.memory_space<hbm>>) target(%dma_start3A_711 : memref<512xf32, #tpu.memory_space<vmem>>) target_semaphore(%arg14 : memref<!tpu.dma_semaphore, #tpu.memory_space<semaphore_mem>>)
      } else {
      }
      %mul3A_518 = arith.constant 2 : i32
      %mul3A_519 = arith.muli %mul3A_518, %scan3A_407 : i32
      %add3A_520 = arith.constant 1 : i32
      %add3A_521 = arith.addi %mul3A_519, %add3A_520 : i32
      %dma_wait3A_522 = arith.constant 1 : i32
      %dma_wait3A_523 = arith.constant 0 : i32
      %dma_wait3A_524 = arith.constant 1 : i32
      %dma_wait3A_525 = arith.constant 0 : i32
      %dma_wait3A_526 = arith.constant 0 : i32
      %dma_wait3A_527 = tpu.memref_slice %arg11[%dma_wait3A_524, %dma_wait3A_525, %dma_wait3A_526] : memref<2x512x16xf32, #tpu.memory_space<vmem>> -> memref<1x128x16xf32, #tpu.memory_space<vmem>>
      %dma_wait3A_528 = tpu.memref_squeeze %dma_wait3A_527 : memref<1x128x16xf32, #tpu.memory_space<vmem>> -> memref<128x16xf32, #tpu.memory_space<vmem>>
      %dma_wait3A_529 = arith.constant 0 : i32
      %dma_wait3A_530 = tpu.memref_slice %arg8[%dma_wait3A_522, %dma_wait3A_523, %dma_wait3A_529] : memref<2x4x128xi32, #tpu.memory_space<vmem>> -> memref<1x1x128xi32, #tpu.memory_space<vmem>>
      %dma_wait3A_531 = tpu.memref_squeeze %dma_wait3A_530 : memref<1x1x128xi32, #tpu.memory_space<vmem>> -> memref<128xi32, #tpu.memory_space<vmem>>
      %dma_wait3A_532 = arith.constant 0 : i32
      %dma_wait3A_533 = arith.constant 0 : i32
      %dma_wait3A_534 = tpu.memref_slice %arg2[%dma_wait3A_532, %dma_wait3A_533] : memref<100000x16xf32, #tpu.memory_space<hbm>> -> memref<100000x16xf32, #tpu.memory_space<hbm>>
      tpu.wait_indirect_dma semaphore(%arg17 : memref<!tpu.dma_semaphore, #tpu.memory_space<semaphore_mem>>) src(%dma_wait3A_534 : memref<100000x16xf32, #tpu.memory_space<hbm>>) dst(%dma_wait3A_528 : memref<128x16xf32, #tpu.memory_space<vmem>>)
      %dma_wait3A_535 = arith.constant 1 : i32
      %dma_wait3A_536 = arith.constant 1 : i32
      %dma_wait3A_537 = arith.constant 1 : i32
      %dma_wait3A_538 = arith.constant 128 : i32
      %dma_wait3A_539 = arith.constant 0 : i32
      %dma_wait3A_540 = tpu.memref_slice %arg11[%dma_wait3A_537, %dma_wait3A_538, %dma_wait3A_539] : memref<2x512x16xf32, #tpu.memory_space<vmem>> -> memref<1x128x16xf32, #tpu.memory_space<vmem>>
      %dma_wait3A_541 = tpu.memref_squeeze %dma_wait3A_540 : memref<1x128x16xf32, #tpu.memory_space<vmem>> -> memref<128x16xf32, #tpu.memory_space<vmem>>
      %dma_wait3A_542 = arith.constant 0 : i32
      %dma_wait3A_543 = tpu.memref_slice %arg8[%dma_wait3A_535, %dma_wait3A_536, %dma_wait3A_542] : memref<2x4x128xi32, #tpu.memory_space<vmem>> -> memref<1x1x128xi32, #tpu.memory_space<vmem>>
      %dma_wait3A_544 = tpu.memref_squeeze %dma_wait3A_543 : memref<1x1x128xi32, #tpu.memory_space<vmem>> -> memref<128xi32, #tpu.memory_space<vmem>>
      %dma_wait3A_545 = arith.constant 0 : i32
      %dma_wait3A_546 = arith.constant 0 : i32
      %dma_wait3A_547 = tpu.memref_slice %arg2[%dma_wait3A_545, %dma_wait3A_546] : memref<100000x16xf32, #tpu.memory_space<hbm>> -> memref<100000x16xf32, #tpu.memory_space<hbm>>
      tpu.wait_indirect_dma semaphore(%arg17 : memref<!tpu.dma_semaphore, #tpu.memory_space<semaphore_mem>>) src(%dma_wait3A_547 : memref<100000x16xf32, #tpu.memory_space<hbm>>) dst(%dma_wait3A_541 : memref<128x16xf32, #tpu.memory_space<vmem>>)
      %dma_wait3A_548 = arith.constant 1 : i32
      %dma_wait3A_549 = arith.constant 2 : i32
      %dma_wait3A_550 = arith.constant 1 : i32
      %dma_wait3A_551 = arith.constant 256 : i32
      %dma_wait3A_552 = arith.constant 0 : i32
      %dma_wait3A_553 = tpu.memref_slice %arg11[%dma_wait3A_550, %dma_wait3A_551, %dma_wait3A_552] : memref<2x512x16xf32, #tpu.memory_space<vmem>> -> memref<1x128x16xf32, #tpu.memory_space<vmem>>
      %dma_wait3A_554 = tpu.memref_squeeze %dma_wait3A_553 : memref<1x128x16xf32, #tpu.memory_space<vmem>> -> memref<128x16xf32, #tpu.memory_space<vmem>>
      %dma_wait3A_555 = arith.constant 0 : i32
      %dma_wait3A_556 = tpu.memref_slice %arg8[%dma_wait3A_548, %dma_wait3A_549, %dma_wait3A_555] : memref<2x4x128xi32, #tpu.memory_space<vmem>> -> memref<1x1x128xi32, #tpu.memory_space<vmem>>
      %dma_wait3A_557 = tpu.memref_squeeze %dma_wait3A_556 : memref<1x1x128xi32, #tpu.memory_space<vmem>> -> memref<128xi32, #tpu.memory_space<vmem>>
      %dma_wait3A_558 = arith.constant 0 : i32
      %dma_wait3A_559 = arith.constant 0 : i32
      %dma_wait3A_560 = tpu.memref_slice %arg2[%dma_wait3A_558, %dma_wait3A_559] : memref<100000x16xf32, #tpu.memory_space<hbm>> -> memref<100000x16xf32, #tpu.memory_space<hbm>>
      tpu.wait_indirect_dma semaphore(%arg17 : memref<!tpu.dma_semaphore, #tpu.memory_space<semaphore_mem>>) src(%dma_wait3A_560 : memref<100000x16xf32, #tpu.memory_space<hbm>>) dst(%dma_wait3A_554 : memref<128x16xf32, #tpu.memory_space<vmem>>)
      %dma_wait3A_561 = arith.constant 1 : i32
      %dma_wait3A_562 = arith.constant 3 : i32
      %dma_wait3A_563 = arith.constant 1 : i32
      %dma_wait3A_564 = arith.constant 384 : i32
      %dma_wait3A_565 = arith.constant 0 : i32
      %dma_wait3A_566 = tpu.memref_slice %arg11[%dma_wait3A_563, %dma_wait3A_564, %dma_wait3A_565] : memref<2x512x16xf32, #tpu.memory_space<vmem>> -> memref<1x128x16xf32, #tpu.memory_space<vmem>>
      %dma_wait3A_567 = tpu.memref_squeeze %dma_wait3A_566 : memref<1x128x16xf32, #tpu.memory_space<vmem>> -> memref<128x16xf32, #tpu.memory_space<vmem>>
      %dma_wait3A_568 = arith.constant 0 : i32
      %dma_wait3A_569 = tpu.memref_slice %arg8[%dma_wait3A_561, %dma_wait3A_562, %dma_wait3A_568] : memref<2x4x128xi32, #tpu.memory_space<vmem>> -> memref<1x1x128xi32, #tpu.memory_space<vmem>>
      %dma_wait3A_570 = tpu.memref_squeeze %dma_wait3A_569 : memref<1x1x128xi32, #tpu.memory_space<vmem>> -> memref<128xi32, #tpu.memory_space<vmem>>
      %dma_wait3A_571 = arith.constant 0 : i32
      %dma_wait3A_572 = arith.constant 0 : i32
      %dma_wait3A_573 = tpu.memref_slice %arg2[%dma_wait3A_571, %dma_wait3A_572] : memref<100000x16xf32, #tpu.memory_space<hbm>> -> memref<100000x16xf32, #tpu.memory_space<hbm>>
      tpu.wait_indirect_dma semaphore(%arg17 : memref<!tpu.dma_semaphore, #tpu.memory_space<semaphore_mem>>) src(%dma_wait3A_573 : memref<100000x16xf32, #tpu.memory_space<hbm>>) dst(%dma_wait3A_567 : memref<128x16xf32, #tpu.memory_space<vmem>>)
      %add3A_574 = arith.constant 1 : i32
      %add3A_575 = arith.addi %add3A_521, %add3A_574 : i32
      %lt3A_576 = arith.constant 200 : i32
      %lt3A_577 = arith.cmpi slt, %add3A_575, %lt3A_576 : i32
      %convert_element_type3A_578 = arith.extui %lt3A_577 : i1 to i32
      %cond3A_579 = arith.constant 0 : i32
      %cond3A_580 = arith.cmpi ne, %convert_element_type3A_578, %cond3A_579 : i32
      scf.if %cond3A_580 {
        %dma_wait3A_634 = arith.constant 0 : i32
        %dma_wait3A_635 = arith.constant 0 : i32
        %dma_wait3A_636 = arith.constant 0 : i32
        %dma_wait3A_637 = arith.constant 0 : i32
        %dma_wait3A_638 = tpu.memref_slice %arg8[%dma_wait3A_635, %dma_wait3A_636, %dma_wait3A_637] : memref<2x4x128xi32, #tpu.memory_space<vmem>> -> memref<1x1x128xi32, #tpu.memory_space<vmem>>
        %dma_wait3A_639 = tpu.memref_squeeze %dma_wait3A_638 : memref<1x1x128xi32, #tpu.memory_space<vmem>> -> memref<128xi32, #tpu.memory_space<vmem>>
        %dma_wait3A_640 = tpu.memref_slice %arg3[%dma_wait3A_634, %mul3A_2] : memref<200x16384xi32, #tpu.memory_space<hbm>> -> memref<1x128xi32, #tpu.memory_space<hbm>>
        %dma_wait3A_641 = tpu.memref_squeeze %dma_wait3A_640 : memref<1x128xi32, #tpu.memory_space<hbm>> -> memref<128xi32, #tpu.memory_space<hbm>>
        %dma_wait3A_642 = arith.constant 0 : i32
        %dma_wait3A_643 = tpu.memref_slice %arg8[%dma_wait3A_635, %dma_wait3A_636, %dma_wait3A_642] : memref<2x4x128xi32, #tpu.memory_space<vmem>> -> memref<1x1x128xi32, #tpu.memory_space<vmem>>
        %dma_wait3A_644 = tpu.memref_squeeze %dma_wait3A_643 : memref<1x1x128xi32, #tpu.memory_space<vmem>> -> memref<128xi32, #tpu.memory_space<vmem>>
        %dma_wait3A_645 = tpu.memref_slice %arg3[%dma_wait3A_634, %mul3A_2] : memref<200x16384xi32, #tpu.memory_space<hbm>> -> memref<1x128xi32, #tpu.memory_space<hbm>>
        %dma_wait3A_646 = tpu.memref_squeeze %dma_wait3A_645 : memref<1x128xi32, #tpu.memory_space<hbm>> -> memref<128xi32, #tpu.memory_space<hbm>>
        tpu.wait_dma2 semaphore(%arg14 : memref<!tpu.dma_semaphore, #tpu.memory_space<semaphore_mem>>) src(%dma_wait3A_646 : memref<128xi32, #tpu.memory_space<hbm>>) dst(%dma_wait3A_644 : memref<128xi32, #tpu.memory_space<vmem>>)
        %dma_wait3A_647 = arith.constant 0 : i32
        %dma_wait3A_648 = arith.constant 0 : i32
        %dma_wait3A_649 = arith.constant 1 : i32
        %dma_wait3A_650 = arith.constant 0 : i32
        %dma_wait3A_651 = tpu.memref_slice %arg8[%dma_wait3A_648, %dma_wait3A_649, %dma_wait3A_650] : memref<2x4x128xi32, #tpu.memory_space<vmem>> -> memref<1x1x128xi32, #tpu.memory_space<vmem>>
        %dma_wait3A_652 = tpu.memref_squeeze %dma_wait3A_651 : memref<1x1x128xi32, #tpu.memory_space<vmem>> -> memref<128xi32, #tpu.memory_space<vmem>>
        %dma_wait3A_653 = tpu.memref_slice %arg3[%dma_wait3A_647, %mul3A_2] : memref<200x16384xi32, #tpu.memory_space<hbm>> -> memref<1x128xi32, #tpu.memory_space<hbm>>
        %dma_wait3A_654 = tpu.memref_squeeze %dma_wait3A_653 : memref<1x128xi32, #tpu.memory_space<hbm>> -> memref<128xi32, #tpu.memory_space<hbm>>
        %dma_wait3A_655 = arith.constant 0 : i32
        %dma_wait3A_656 = tpu.memref_slice %arg8[%dma_wait3A_648, %dma_wait3A_649, %dma_wait3A_655] : memref<2x4x128xi32, #tpu.memory_space<vmem>> -> memref<1x1x128xi32, #tpu.memory_space<vmem>>
        %dma_wait3A_657 = tpu.memref_squeeze %dma_wait3A_656 : memref<1x1x128xi32, #tpu.memory_space<vmem>> -> memref<128xi32, #tpu.memory_space<vmem>>
        %dma_wait3A_658 = tpu.memref_slice %arg3[%dma_wait3A_647, %mul3A_2] : memref<200x16384xi32, #tpu.memory_space<hbm>> -> memref<1x128xi32, #tpu.memory_space<hbm>>
        %dma_wait3A_659 = tpu.memref_squeeze %dma_wait3A_658 : memref<1x128xi32, #tpu.memory_space<hbm>> -> memref<128xi32, #tpu.memory_space<hbm>>
        tpu.wait_dma2 semaphore(%arg14 : memref<!tpu.dma_semaphore, #tpu.memory_space<semaphore_mem>>) src(%dma_wait3A_659 : memref<128xi32, #tpu.memory_space<hbm>>) dst(%dma_wait3A_657 : memref<128xi32, #tpu.memory_space<vmem>>)
        %dma_wait3A_660 = arith.constant 0 : i32
        %dma_wait3A_661 = arith.constant 0 : i32
        %dma_wait3A_662 = arith.constant 2 : i32
        %dma_wait3A_663 = arith.constant 0 : i32
        %dma_wait3A_664 = tpu.memref_slice %arg8[%dma_wait3A_661, %dma_wait3A_662, %dma_wait3A_663] : memref<2x4x128xi32, #tpu.memory_space<vmem>> -> memref<1x1x128xi32, #tpu.memory_space<vmem>>
        %dma_wait3A_665 = tpu.memref_squeeze %dma_wait3A_664 : memref<1x1x128xi32, #tpu.memory_space<vmem>> -> memref<128xi32, #tpu.memory_space<vmem>>
        %dma_wait3A_666 = tpu.memref_slice %arg3[%dma_wait3A_660, %mul3A_2] : memref<200x16384xi32, #tpu.memory_space<hbm>> -> memref<1x128xi32, #tpu.memory_space<hbm>>
        %dma_wait3A_667 = tpu.memref_squeeze %dma_wait3A_666 : memref<1x128xi32, #tpu.memory_space<hbm>> -> memref<128xi32, #tpu.memory_space<hbm>>
        %dma_wait3A_668 = arith.constant 0 : i32
        %dma_wait3A_669 = tpu.memref_slice %arg8[%dma_wait3A_661, %dma_wait3A_662, %dma_wait3A_668] : memref<2x4x128xi32, #tpu.memory_space<vmem>> -> memref<1x1x128xi32, #tpu.memory_space<vmem>>
        %dma_wait3A_670 = tpu.memref_squeeze %dma_wait3A_669 : memref<1x1x128xi32, #tpu.memory_space<vmem>> -> memref<128xi32, #tpu.memory_space<vmem>>
        %dma_wait3A_671 = tpu.memref_slice %arg3[%dma_wait3A_660, %mul3A_2] : memref<200x16384xi32, #tpu.memory_space<hbm>> -> memref<1x128xi32, #tpu.memory_space<hbm>>
        %dma_wait3A_672 = tpu.memref_squeeze %dma_wait3A_671 : memref<1x128xi32, #tpu.memory_space<hbm>> -> memref<128xi32, #tpu.memory_space<hbm>>
        tpu.wait_dma2 semaphore(%arg14 : memref<!tpu.dma_semaphore, #tpu.memory_space<semaphore_mem>>) src(%dma_wait3A_672 : memref<128xi32, #tpu.memory_space<hbm>>) dst(%dma_wait3A_670 : memref<128xi32, #tpu.memory_space<vmem>>)
        %dma_wait3A_673 = arith.constant 0 : i32
        %dma_wait3A_674 = arith.constant 0 : i32
        %dma_wait3A_675 = arith.constant 3 : i32
        %dma_wait3A_676 = arith.constant 0 : i32
        %dma_wait3A_677 = tpu.memref_slice %arg8[%dma_wait3A_674, %dma_wait3A_675, %dma_wait3A_676] : memref<2x4x128xi32, #tpu.memory_space<vmem>> -> memref<1x1x128xi32, #tpu.memory_space<vmem>>
        %dma_wait3A_678 = tpu.memref_squeeze %dma_wait3A_677 : memref<1x1x128xi32, #tpu.memory_space<vmem>> -> memref<128xi32, #tpu.memory_space<vmem>>
        %dma_wait3A_679 = tpu.memref_slice %arg3[%dma_wait3A_673, %mul3A_2] : memref<200x16384xi32, #tpu.memory_space<hbm>> -> memref<1x128xi32, #tpu.memory_space<hbm>>
        %dma_wait3A_680 = tpu.memref_squeeze %dma_wait3A_679 : memref<1x128xi32, #tpu.memory_space<hbm>> -> memref<128xi32, #tpu.memory_space<hbm>>
        %dma_wait3A_681 = arith.constant 0 : i32
        %dma_wait3A_682 = tpu.memref_slice %arg8[%dma_wait3A_674, %dma_wait3A_675, %dma_wait3A_681] : memref<2x4x128xi32, #tpu.memory_space<vmem>> -> memref<1x1x128xi32, #tpu.memory_space<vmem>>
        %dma_wait3A_683 = tpu.memref_squeeze %dma_wait3A_682 : memref<1x1x128xi32, #tpu.memory_space<vmem>> -> memref<128xi32, #tpu.memory_space<vmem>>
        %dma_wait3A_684 = tpu.memref_slice %arg3[%dma_wait3A_673, %mul3A_2] : memref<200x16384xi32, #tpu.memory_space<hbm>> -> memref<1x128xi32, #tpu.memory_space<hbm>>
        %dma_wait3A_685 = tpu.memref_squeeze %dma_wait3A_684 : memref<1x128xi32, #tpu.memory_space<hbm>> -> memref<128xi32, #tpu.memory_space<hbm>>
        tpu.wait_dma2 semaphore(%arg14 : memref<!tpu.dma_semaphore, #tpu.memory_space<semaphore_mem>>) src(%dma_wait3A_685 : memref<128xi32, #tpu.memory_space<hbm>>) dst(%dma_wait3A_683 : memref<128xi32, #tpu.memory_space<vmem>>)
        %dma_wait3A_686 = arith.constant 0 : i32
        %dma_wait3A_687 = arith.constant 0 : i32
        %dma_wait3A_688 = arith.constant 0 : i32
        %dma_wait3A_689 = tpu.memref_slice %arg9[%dma_wait3A_687, %dma_wait3A_688] : memref<2x512xf32, #tpu.memory_space<vmem>> -> memref<1x512xf32, #tpu.memory_space<vmem>>
        %dma_wait3A_690 = tpu.memref_squeeze %dma_wait3A_689 : memref<1x512xf32, #tpu.memory_space<vmem>> -> memref<512xf32, #tpu.memory_space<vmem>>
        %dma_wait3A_691 = tpu.memref_slice %arg4[%dma_wait3A_686, %mul3A_2] : memref<200x16384xf32, #tpu.memory_space<hbm>> -> memref<1x512xf32, #tpu.memory_space<hbm>>
        %dma_wait3A_692 = tpu.memref_squeeze %dma_wait3A_691 : memref<1x512xf32, #tpu.memory_space<hbm>> -> memref<512xf32, #tpu.memory_space<hbm>>
        %dma_wait3A_693 = arith.constant 0 : i32
        %dma_wait3A_694 = tpu.memref_slice %arg9[%dma_wait3A_687, %dma_wait3A_693] : memref<2x512xf32, #tpu.memory_space<vmem>> -> memref<1x512xf32, #tpu.memory_space<vmem>>
        %dma_wait3A_695 = tpu.memref_squeeze %dma_wait3A_694 : memref<1x512xf32, #tpu.memory_space<vmem>> -> memref<512xf32, #tpu.memory_space<vmem>>
        %dma_wait3A_696 = tpu.memref_slice %arg4[%dma_wait3A_686, %mul3A_2] : memref<200x16384xf32, #tpu.memory_space<hbm>> -> memref<1x512xf32, #tpu.memory_space<hbm>>
        %dma_wait3A_697 = tpu.memref_squeeze %dma_wait3A_696 : memref<1x512xf32, #tpu.memory_space<hbm>> -> memref<512xf32, #tpu.memory_space<hbm>>
        tpu.wait_dma2 semaphore(%arg14 : memref<!tpu.dma_semaphore, #tpu.memory_space<semaphore_mem>>) src(%dma_wait3A_697 : memref<512xf32, #tpu.memory_space<hbm>>) dst(%dma_wait3A_695 : memref<512xf32, #tpu.memory_space<vmem>>)
        %dma_wait3A_698 = arith.constant 0 : i32
        %dma_wait3A_699 = arith.constant 0 : i32
        %dma_wait3A_700 = arith.constant 0 : i32
        %dma_wait3A_701 = tpu.memref_slice %arg10[%dma_wait3A_699, %dma_wait3A_700] : memref<2x512xf32, #tpu.memory_space<vmem>> -> memref<1x512xf32, #tpu.memory_space<vmem>>
        %dma_wait3A_702 = tpu.memref_squeeze %dma_wait3A_701 : memref<1x512xf32, #tpu.memory_space<vmem>> -> memref<512xf32, #tpu.memory_space<vmem>>
        %dma_wait3A_703 = tpu.memref_slice %arg5[%dma_wait3A_698, %mul3A_2] : memref<200x16384xf32, #tpu.memory_space<hbm>> -> memref<1x512xf32, #tpu.memory_space<hbm>>
        %dma_wait3A_704 = tpu.memref_squeeze %dma_wait3A_703 : memref<1x512xf32, #tpu.memory_space<hbm>> -> memref<512xf32, #tpu.memory_space<hbm>>
        %dma_wait3A_705 = arith.constant 0 : i32
        %dma_wait3A_706 = tpu.memref_slice %arg10[%dma_wait3A_699, %dma_wait3A_705] : memref<2x512xf32, #tpu.memory_space<vmem>> -> memref<1x512xf32, #tpu.memory_space<vmem>>
        %dma_wait3A_707 = tpu.memref_squeeze %dma_wait3A_706 : memref<1x512xf32, #tpu.memory_space<vmem>> -> memref<512xf32, #tpu.memory_space<vmem>>
        %dma_wait3A_708 = tpu.memref_slice %arg5[%dma_wait3A_698, %mul3A_2] : memref<200x16384xf32, #tpu.memory_space<hbm>> -> memref<1x512xf32, #tpu.memory_space<hbm>>
        %dma_wait3A_709 = tpu.memref_squeeze %dma_wait3A_708 : memref<1x512xf32, #tpu.memory_space<hbm>> -> memref<512xf32, #tpu.memory_space<hbm>>
        tpu.wait_dma2 semaphore(%arg14 : memref<!tpu.dma_semaphore, #tpu.memory_space<semaphore_mem>>) src(%dma_wait3A_709 : memref<512xf32, #tpu.memory_space<hbm>>) dst(%dma_wait3A_707 : memref<512xf32, #tpu.memory_space<vmem>>)
        %dma_start3A_710 = arith.constant 0 : i32
        %dma_start3A_711 = arith.constant 0 : i32
        %dma_start3A_712 = arith.constant 0 : i32
        %dma_start3A_713 = arith.constant 0 : i32
        %dma_start3A_714 = arith.constant 0 : i32
        %dma_start3A_715 = tpu.memref_slice %arg11[%dma_start3A_712, %dma_start3A_713, %dma_start3A_714] : memref<2x512x16xf32, #tpu.memory_space<vmem>> -> memref<1x128x16xf32, #tpu.memory_space<vmem>>
        %dma_start3A_716 = tpu.memref_squeeze %dma_start3A_715 : memref<1x128x16xf32, #tpu.memory_space<vmem>> -> memref<128x16xf32, #tpu.memory_space<vmem>>
        %dma_start3A_717 = arith.constant 0 : i32
        %dma_start3A_718 = tpu.memref_slice %arg8[%dma_start3A_710, %dma_start3A_711, %dma_start3A_717] : memref<2x4x128xi32, #tpu.memory_space<vmem>> -> memref<1x1x128xi32, #tpu.memory_space<vmem>>
        %dma_start3A_719 = tpu.memref_squeeze %dma_start3A_718 : memref<1x1x128xi32, #tpu.memory_space<vmem>> -> memref<128xi32, #tpu.memory_space<vmem>>
        %dma_start3A_720 = arith.constant 0 : i32
        %dma_start3A_721 = arith.constant 0 : i32
        %dma_start3A_722 = tpu.memref_slice %arg2[%dma_start3A_720, %dma_start3A_721] : memref<100000x16xf32, #tpu.memory_space<hbm>> -> memref<100000x16xf32, #tpu.memory_space<hbm>>
        tpu.enqueue_indirect_dma source(%dma_start3A_722 : memref<100000x16xf32, #tpu.memory_space<hbm>>) target(%dma_start3A_716 : memref<128x16xf32, #tpu.memory_space<vmem>>) offsets(%dma_start3A_719 : memref<128xi32, #tpu.memory_space<vmem>>) semaphore(%arg16 : memref<!tpu.dma_semaphore, #tpu.memory_space<semaphore_mem>>)
        %dma_start3A_723 = arith.constant 0 : i32
        %dma_start3A_724 = arith.constant 1 : i32
        %dma_start3A_725 = arith.constant 0 : i32
        %dma_start3A_726 = arith.constant 128 : i32
        %dma_start3A_727 = arith.constant 0 : i32
        %dma_start3A_728 = tpu.memref_slice %arg11[%dma_start3A_725, %dma_start3A_726, %dma_start3A_727] : memref<2x512x16xf32, #tpu.memory_space<vmem>> -> memref<1x128x16xf32, #tpu.memory_space<vmem>>
        %dma_start3A_729 = tpu.memref_squeeze %dma_start3A_728 : memref<1x128x16xf32, #tpu.memory_space<vmem>> -> memref<128x16xf32, #tpu.memory_space<vmem>>
        %dma_start3A_730 = arith.constant 0 : i32
        %dma_start3A_731 = tpu.memref_slice %arg8[%dma_start3A_723, %dma_start3A_724, %dma_start3A_730] : memref<2x4x128xi32, #tpu.memory_space<vmem>> -> memref<1x1x128xi32, #tpu.memory_space<vmem>>
        %dma_start3A_732 = tpu.memref_squeeze %dma_start3A_731 : memref<1x1x128xi32, #tpu.memory_space<vmem>> -> memref<128xi32, #tpu.memory_space<vmem>>
        %dma_start3A_733 = arith.constant 0 : i32
        %dma_start3A_734 = arith.constant 0 : i32
        %dma_start3A_735 = tpu.memref_slice %arg2[%dma_start3A_733, %dma_start3A_734] : memref<100000x16xf32, #tpu.memory_space<hbm>> -> memref<100000x16xf32, #tpu.memory_space<hbm>>
        tpu.enqueue_indirect_dma source(%dma_start3A_735 : memref<100000x16xf32, #tpu.memory_space<hbm>>) target(%dma_start3A_729 : memref<128x16xf32, #tpu.memory_space<vmem>>) offsets(%dma_start3A_732 : memref<128xi32, #tpu.memory_space<vmem>>) semaphore(%arg16 : memref<!tpu.dma_semaphore, #tpu.memory_space<semaphore_mem>>)
        %dma_start3A_736 = arith.constant 0 : i32
        %dma_start3A_737 = arith.constant 2 : i32
        %dma_start3A_738 = arith.constant 0 : i32
        %dma_start3A_739 = arith.constant 256 : i32
        %dma_start3A_740 = arith.constant 0 : i32
        %dma_start3A_741 = tpu.memref_slice %arg11[%dma_start3A_738, %dma_start3A_739, %dma_start3A_740] : memref<2x512x16xf32, #tpu.memory_space<vmem>> -> memref<1x128x16xf32, #tpu.memory_space<vmem>>
        %dma_start3A_742 = tpu.memref_squeeze %dma_start3A_741 : memref<1x128x16xf32, #tpu.memory_space<vmem>> -> memref<128x16xf32, #tpu.memory_space<vmem>>
        %dma_start3A_743 = arith.constant 0 : i32
        %dma_start3A_744 = tpu.memref_slice %arg8[%dma_start3A_736, %dma_start3A_737, %dma_start3A_743] : memref<2x4x128xi32, #tpu.memory_space<vmem>> -> memref<1x1x128xi32, #tpu.memory_space<vmem>>
        %dma_start3A_745 = tpu.memref_squeeze %dma_start3A_744 : memref<1x1x128xi32, #tpu.memory_space<vmem>> -> memref<128xi32, #tpu.memory_space<vmem>>
        %dma_start3A_746 = arith.constant 0 : i32
        %dma_start3A_747 = arith.constant 0 : i32
        %dma_start3A_748 = tpu.memref_slice %arg2[%dma_start3A_746, %dma_start3A_747] : memref<100000x16xf32, #tpu.memory_space<hbm>> -> memref<100000x16xf32, #tpu.memory_space<hbm>>
        tpu.enqueue_indirect_dma source(%dma_start3A_748 : memref<100000x16xf32, #tpu.memory_space<hbm>>) target(%dma_start3A_742 : memref<128x16xf32, #tpu.memory_space<vmem>>) offsets(%dma_start3A_745 : memref<128xi32, #tpu.memory_space<vmem>>) semaphore(%arg16 : memref<!tpu.dma_semaphore, #tpu.memory_space<semaphore_mem>>)
        %dma_start3A_749 = arith.constant 0 : i32
        %dma_start3A_750 = arith.constant 3 : i32
        %dma_start3A_751 = arith.constant 0 : i32
        %dma_start3A_752 = arith.constant 384 : i32
        %dma_start3A_753 = arith.constant 0 : i32
        %dma_start3A_754 = tpu.memref_slice %arg11[%dma_start3A_751, %dma_start3A_752, %dma_start3A_753] : memref<2x512x16xf32, #tpu.memory_space<vmem>> -> memref<1x128x16xf32, #tpu.memory_space<vmem>>
        %dma_start3A_755 = tpu.memref_squeeze %dma_start3A_754 : memref<1x128x16xf32, #tpu.memory_space<vmem>> -> memref<128x16xf32, #tpu.memory_space<vmem>>
        %dma_start3A_756 = arith.constant 0 : i32
        %dma_start3A_757 = tpu.memref_slice %arg8[%dma_start3A_749, %dma_start3A_750, %dma_start3A_756] : memref<2x4x128xi32, #tpu.memory_space<vmem>> -> memref<1x1x128xi32, #tpu.memory_space<vmem>>
        %dma_start3A_758 = tpu.memref_squeeze %dma_start3A_757 : memref<1x1x128xi32, #tpu.memory_space<vmem>> -> memref<128xi32, #tpu.memory_space<vmem>>
        %dma_start3A_759 = arith.constant 0 : i32
        %dma_start3A_760 = arith.constant 0 : i32
        %dma_start3A_761 = tpu.memref_slice %arg2[%dma_start3A_759, %dma_start3A_760] : memref<100000x16xf32, #tpu.memory_space<hbm>> -> memref<100000x16xf32, #tpu.memory_space<hbm>>
        tpu.enqueue_indirect_dma source(%dma_start3A_761 : memref<100000x16xf32, #tpu.memory_space<hbm>>) target(%dma_start3A_755 : memref<128x16xf32, #tpu.memory_space<vmem>>) offsets(%dma_start3A_758 : memref<128xi32, #tpu.memory_space<vmem>>) semaphore(%arg16 : memref<!tpu.dma_semaphore, #tpu.memory_space<semaphore_mem>>)
      } else {
      }
      %broadcast_in_dim3A_581 = arith.constant 6 : i32
      %broadcast_in_dim3A_582 = vector.broadcast %broadcast_in_dim3A_581 : i32 to vector<16xi32>
      %broadcast_in_dim3A_583 = arith.constant 7 : i32
      %broadcast_in_dim3A_584 = vector.broadcast %broadcast_in_dim3A_583 : i32 to vector<16xi32>
      %broadcast_in_dim3A_585 = arith.constant 8 : i32
      %broadcast_in_dim3A_586 = vector.broadcast %broadcast_in_dim3A_585 : i32 to vector<16xi32>
      %broadcast_in_dim3A_587 = arith.constant 9 : i32
      %broadcast_in_dim3A_588 = vector.broadcast %broadcast_in_dim3A_587 : i32 to vector<16xi32>
      %broadcast_in_dim3A_589 = arith.constant 10 : i32
      %broadcast_in_dim3A_590 = vector.broadcast %broadcast_in_dim3A_589 : i32 to vector<16xi32>
      %broadcast_in_dim3A_591 = arith.constant 11 : i32
      %broadcast_in_dim3A_592 = vector.broadcast %broadcast_in_dim3A_591 : i32 to vector<16xi32>
      %broadcast_in_dim3A_593 = arith.constant 12 : i32
      %broadcast_in_dim3A_594 = vector.broadcast %broadcast_in_dim3A_593 : i32 to vector<16xi32>
      %broadcast_in_dim3A_595 = arith.constant 13 : i32
      %broadcast_in_dim3A_596 = vector.broadcast %broadcast_in_dim3A_595 : i32 to vector<16xi32>
      %broadcast_in_dim3A_597 = arith.constant 14 : i32
      %broadcast_in_dim3A_598 = vector.broadcast %broadcast_in_dim3A_597 : i32 to vector<16xi32>
      %broadcast_in_dim3A_599 = arith.constant 15 : i32
      %broadcast_in_dim3A_600 = vector.broadcast %broadcast_in_dim3A_599 : i32 to vector<16xi32>
      %scan3A_601 = arith.constant 0 : i32
      %scan3A_602 = arith.constant 0 : i32
      %scan3A_603 = arith.constant 32 : i32
      %scan3A_604 = arith.addi %scan3A_602, %scan3A_603 : i32
      %scan3A_605 = arith.constant 1 : i32
      scf.for %scan3A_634 = %scan3A_602 to %scan3A_604 step %scan3A_605  : i32 {
        %mul3A_635 = arith.constant 16 : i32
        %mul3A_636 = arith.muli %scan3A_634, %mul3A_635 : i32
        %add3A_637 = vector.broadcast %mul3A_636 : i32 to vector<16xi32>
        %add3A_638 = arith.addi %add3A_637, %iota3A : vector<16xi32>
        %gather3A = arith.constant 1 : i32
        %gather3A_639 = arith.constant 0 : i32
        %gather3A_640 = arith.constant 0 : i32
        %gather3A_641 = tpu.memref_slice %arg11[%gather3A, %gather3A_639, %gather3A_640] : memref<2x512x16xf32, #tpu.memory_space<vmem>> -> memref<1x512x16xf32, #tpu.memory_space<vmem>>
        %gather3A_642 = tpu.memref_squeeze %gather3A_641 : memref<1x512x16xf32, #tpu.memory_space<vmem>> -> memref<512x16xf32, #tpu.memory_space<vmem>>
        %gather3A_643 = tpu.vector_load_idx %gather3A_642[%add3A_638, %broadcast_in_dim3A_582] : memref<512x16xf32, #tpu.memory_space<vmem>>[vector<16xi32>, vector<16xi32>], vector<16xf32>,
        %mul3A_644 = arith.constant 16 : i32
        %mul3A_645 = arith.muli %scan3A_634, %mul3A_644 : i32
        %swap3A = arith.constant 1 : i32
        %swap3A_646 = arith.constant 6 : i32
        %swap3A_647 = arith.index_cast %swap3A : i32 to index
        %swap3A_648 = arith.index_cast %swap3A_646 : i32 to index
        %swap3A_649 = arith.index_cast %mul3A_645 : i32 to index
        %swap3A_650 = tpu.vector_load %arg12[%swap3A_647, %swap3A_648, %swap3A_649] {strides = array<i32>} : memref<2x16x512xf32, #tpu.memory_space<vmem>>, vector<16xf32>,
        tpu.vector_store %arg12[%swap3A_647, %swap3A_648, %swap3A_649], %gather3A_643 {strides = array<i32>} : memref<2x16x512xf32, #tpu.memory_space<vmem>>, vector<16xf32>,
        %gather3A_651 = arith.constant 1 : i32
        %gather3A_652 = arith.constant 0 : i32
        %gather3A_653 = arith.constant 0 : i32
        %gather3A_654 = tpu.memref_slice %arg11[%gather3A_651, %gather3A_652, %gather3A_653] : memref<2x512x16xf32, #tpu.memory_space<vmem>> -> memref<1x512x16xf32, #tpu.memory_space<vmem>>
        %gather3A_655 = tpu.memref_squeeze %gather3A_654 : memref<1x512x16xf32, #tpu.memory_space<vmem>> -> memref<512x16xf32, #tpu.memory_space<vmem>>
        %gather3A_656 = tpu.vector_load_idx %gather3A_655[%add3A_638, %broadcast_in_dim3A_584] : memref<512x16xf32, #tpu.memory_space<vmem>>[vector<16xi32>, vector<16xi32>], vector<16xf32>,
        %mul3A_657 = arith.constant 16 : i32
        %mul3A_658 = arith.muli %scan3A_634, %mul3A_657 : i32
        %swap3A_659 = arith.constant 1 : i32
        %swap3A_660 = arith.constant 7 : i32
        %swap3A_661 = arith.index_cast %swap3A_659 : i32 to index
        %swap3A_662 = arith.index_cast %swap3A_660 : i32 to index
        %swap3A_663 = arith.index_cast %mul3A_658 : i32 to index
        %swap3A_664 = tpu.vector_load %arg12[%swap3A_661, %swap3A_662, %swap3A_663] {strides = array<i32>} : memref<2x16x512xf32, #tpu.memory_space<vmem>>, vector<16xf32>,
        tpu.vector_store %arg12[%swap3A_661, %swap3A_662, %swap3A_663], %gather3A_656 {strides = array<i32>} : memref<2x16x512xf32, #tpu.memory_space<vmem>>, vector<16xf32>,
        %gather3A_665 = arith.constant 1 : i32
        %gather3A_666 = arith.constant 0 : i32
        %gather3A_667 = arith.constant 0 : i32
        %gather3A_668 = tpu.memref_slice %arg11[%gather3A_665, %gather3A_666, %gather3A_667] : memref<2x512x16xf32, #tpu.memory_space<vmem>> -> memref<1x512x16xf32, #tpu.memory_space<vmem>>
        %gather3A_669 = tpu.memref_squeeze %gather3A_668 : memref<1x512x16xf32, #tpu.memory_space<vmem>> -> memref<512x16xf32, #tpu.memory_space<vmem>>
        %gather3A_670 = tpu.vector_load_idx %gather3A_669[%add3A_638, %broadcast_in_dim3A_586] : memref<512x16xf32, #tpu.memory_space<vmem>>[vector<16xi32>, vector<16xi32>], vector<16xf32>,
        %mul3A_671 = arith.constant 16 : i32
        %mul3A_672 = arith.muli %scan3A_634, %mul3A_671 : i32
        %swap3A_673 = arith.constant 1 : i32
        %swap3A_674 = arith.constant 8 : i32
        %swap3A_675 = arith.index_cast %swap3A_673 : i32 to index
        %swap3A_676 = arith.index_cast %swap3A_674 : i32 to index
        %swap3A_677 = arith.index_cast %mul3A_672 : i32 to index
        %swap3A_678 = tpu.vector_load %arg12[%swap3A_675, %swap3A_676, %swap3A_677] {strides = array<i32>} : memref<2x16x512xf32, #tpu.memory_space<vmem>>, vector<16xf32>,
        tpu.vector_store %arg12[%swap3A_675, %swap3A_676, %swap3A_677], %gather3A_670 {strides = array<i32>} : memref<2x16x512xf32, #tpu.memory_space<vmem>>, vector<16xf32>,
        %gather3A_679 = arith.constant 1 : i32
        %gather3A_680 = arith.constant 0 : i32
        %gather3A_681 = arith.constant 0 : i32
        %gather3A_682 = tpu.memref_slice %arg11[%gather3A_679, %gather3A_680, %gather3A_681] : memref<2x512x16xf32, #tpu.memory_space<vmem>> -> memref<1x512x16xf32, #tpu.memory_space<vmem>>
        %gather3A_683 = tpu.memref_squeeze %gather3A_682 : memref<1x512x16xf32, #tpu.memory_space<vmem>> -> memref<512x16xf32, #tpu.memory_space<vmem>>
        %gather3A_684 = tpu.vector_load_idx %gather3A_683[%add3A_638, %broadcast_in_dim3A_588] : memref<512x16xf32, #tpu.memory_space<vmem>>[vector<16xi32>, vector<16xi32>], vector<16xf32>,
        %mul3A_685 = arith.constant 16 : i32
        %mul3A_686 = arith.muli %scan3A_634, %mul3A_685 : i32
        %swap3A_687 = arith.constant 1 : i32
        %swap3A_688 = arith.constant 9 : i32
        %swap3A_689 = arith.index_cast %swap3A_687 : i32 to index
        %swap3A_690 = arith.index_cast %swap3A_688 : i32 to index
        %swap3A_691 = arith.index_cast %mul3A_686 : i32 to index
        %swap3A_692 = tpu.vector_load %arg12[%swap3A_689, %swap3A_690, %swap3A_691] {strides = array<i32>} : memref<2x16x512xf32, #tpu.memory_space<vmem>>, vector<16xf32>,
        tpu.vector_store %arg12[%swap3A_689, %swap3A_690, %swap3A_691], %gather3A_684 {strides = array<i32>} : memref<2x16x512xf32, #tpu.memory_space<vmem>>, vector<16xf32>,
        %gather3A_693 = arith.constant 1 : i32
        %gather3A_694 = arith.constant 0 : i32
        %gather3A_695 = arith.constant 0 : i32
        %gather3A_696 = tpu.memref_slice %arg11[%gather3A_693, %gather3A_694, %gather3A_695] : memref<2x512x16xf32, #tpu.memory_space<vmem>> -> memref<1x512x16xf32, #tpu.memory_space<vmem>>
        %gather3A_697 = tpu.memref_squeeze %gather3A_696 : memref<1x512x16xf32, #tpu.memory_space<vmem>> -> memref<512x16xf32, #tpu.memory_space<vmem>>
        %gather3A_698 = tpu.vector_load_idx %gather3A_697[%add3A_638, %broadcast_in_dim3A_590] : memref<512x16xf32, #tpu.memory_space<vmem>>[vector<16xi32>, vector<16xi32>], vector<16xf32>,
        %mul3A_699 = arith.constant 16 : i32
        %mul3A_700 = arith.muli %scan3A_634, %mul3A_699 : i32
        %swap3A_701 = arith.constant 1 : i32
        %swap3A_702 = arith.constant 10 : i32
        %swap3A_703 = arith.index_cast %swap3A_701 : i32 to index
        %swap3A_704 = arith.index_cast %swap3A_702 : i32 to index
        %swap3A_705 = arith.index_cast %mul3A_700 : i32 to index
        %swap3A_706 = tpu.vector_load %arg12[%swap3A_703, %swap3A_704, %swap3A_705] {strides = array<i32>} : memref<2x16x512xf32, #tpu.memory_space<vmem>>, vector<16xf32>,
        tpu.vector_store %arg12[%swap3A_703, %swap3A_704, %swap3A_705], %gather3A_698 {strides = array<i32>} : memref<2x16x512xf32, #tpu.memory_space<vmem>>, vector<16xf32>,
        %gather3A_707 = arith.constant 1 : i32
        %gather3A_708 = arith.constant 0 : i32
        %gather3A_709 = arith.constant 0 : i32
        %gather3A_710 = tpu.memref_slice %arg11[%gather3A_707, %gather3A_708, %gather3A_709] : memref<2x512x16xf32, #tpu.memory_space<vmem>> -> memref<1x512x16xf32, #tpu.memory_space<vmem>>
        %gather3A_711 = tpu.memref_squeeze %gather3A_710 : memref<1x512x16xf32, #tpu.memory_space<vmem>> -> memref<512x16xf32, #tpu.memory_space<vmem>>
        %gather3A_712 = tpu.vector_load_idx %gather3A_711[%add3A_638, %broadcast_in_dim3A_592] : memref<512x16xf32, #tpu.memory_space<vmem>>[vector<16xi32>, vector<16xi32>], vector<16xf32>,
        %mul3A_713 = arith.constant 16 : i32
        %mul3A_714 = arith.muli %scan3A_634, %mul3A_713 : i32
        %swap3A_715 = arith.constant 1 : i32
        %swap3A_716 = arith.constant 11 : i32
        %swap3A_717 = arith.index_cast %swap3A_715 : i32 to index
        %swap3A_718 = arith.index_cast %swap3A_716 : i32 to index
        %swap3A_719 = arith.index_cast %mul3A_714 : i32 to index
        %swap3A_720 = tpu.vector_load %arg12[%swap3A_717, %swap3A_718, %swap3A_719] {strides = array<i32>} : memref<2x16x512xf32, #tpu.memory_space<vmem>>, vector<16xf32>,
        tpu.vector_store %arg12[%swap3A_717, %swap3A_718, %swap3A_719], %gather3A_712 {strides = array<i32>} : memref<2x16x512xf32, #tpu.memory_space<vmem>>, vector<16xf32>,
        %gather3A_721 = arith.constant 1 : i32
        %gather3A_722 = arith.constant 0 : i32
        %gather3A_723 = arith.constant 0 : i32
        %gather3A_724 = tpu.memref_slice %arg11[%gather3A_721, %gather3A_722, %gather3A_723] : memref<2x512x16xf32, #tpu.memory_space<vmem>> -> memref<1x512x16xf32, #tpu.memory_space<vmem>>
        %gather3A_725 = tpu.memref_squeeze %gather3A_724 : memref<1x512x16xf32, #tpu.memory_space<vmem>> -> memref<512x16xf32, #tpu.memory_space<vmem>>
        %gather3A_726 = tpu.vector_load_idx %gather3A_725[%add3A_638, %broadcast_in_dim3A_594] : memref<512x16xf32, #tpu.memory_space<vmem>>[vector<16xi32>, vector<16xi32>], vector<16xf32>,
        %mul3A_727 = arith.constant 16 : i32
        %mul3A_728 = arith.muli %scan3A_634, %mul3A_727 : i32
        %swap3A_729 = arith.constant 1 : i32
        %swap3A_730 = arith.constant 12 : i32
        %swap3A_731 = arith.index_cast %swap3A_729 : i32 to index
        %swap3A_732 = arith.index_cast %swap3A_730 : i32 to index
        %swap3A_733 = arith.index_cast %mul3A_728 : i32 to index
        %swap3A_734 = tpu.vector_load %arg12[%swap3A_731, %swap3A_732, %swap3A_733] {strides = array<i32>} : memref<2x16x512xf32, #tpu.memory_space<vmem>>, vector<16xf32>,
        tpu.vector_store %arg12[%swap3A_731, %swap3A_732, %swap3A_733], %gather3A_726 {strides = array<i32>} : memref<2x16x512xf32, #tpu.memory_space<vmem>>, vector<16xf32>,
        %gather3A_735 = arith.constant 1 : i32
        %gather3A_736 = arith.constant 0 : i32
        %gather3A_737 = arith.constant 0 : i32
        %gather3A_738 = tpu.memref_slice %arg11[%gather3A_735, %gather3A_736, %gather3A_737] : memref<2x512x16xf32, #tpu.memory_space<vmem>> -> memref<1x512x16xf32, #tpu.memory_space<vmem>>
        %gather3A_739 = tpu.memref_squeeze %gather3A_738 : memref<1x512x16xf32, #tpu.memory_space<vmem>> -> memref<512x16xf32, #tpu.memory_space<vmem>>
        %gather3A_740 = tpu.vector_load_idx %gather3A_739[%add3A_638, %broadcast_in_dim3A_596] : memref<512x16xf32, #tpu.memory_space<vmem>>[vector<16xi32>, vector<16xi32>], vector<16xf32>,
        %mul3A_741 = arith.constant 16 : i32
        %mul3A_742 = arith.muli %scan3A_634, %mul3A_741 : i32
        %swap3A_743 = arith.constant 1 : i32
        %swap3A_744 = arith.constant 13 : i32
        %swap3A_745 = arith.index_cast %swap3A_743 : i32 to index
        %swap3A_746 = arith.index_cast %swap3A_744 : i32 to index
        %swap3A_747 = arith.index_cast %mul3A_742 : i32 to index
        %swap3A_748 = tpu.vector_load %arg12[%swap3A_745, %swap3A_746, %swap3A_747] {strides = array<i32>} : memref<2x16x512xf32, #tpu.memory_space<vmem>>, vector<16xf32>,
        tpu.vector_store %arg12[%swap3A_745, %swap3A_746, %swap3A_747], %gather3A_740 {strides = array<i32>} : memref<2x16x512xf32, #tpu.memory_space<vmem>>, vector<16xf32>,
        %gather3A_749 = arith.constant 1 : i32
        %gather3A_750 = arith.constant 0 : i32
        %gather3A_751 = arith.constant 0 : i32
        %gather3A_752 = tpu.memref_slice %arg11[%gather3A_749, %gather3A_750, %gather3A_751] : memref<2x512x16xf32, #tpu.memory_space<vmem>> -> memref<1x512x16xf32, #tpu.memory_space<vmem>>
        %gather3A_753 = tpu.memref_squeeze %gather3A_752 : memref<1x512x16xf32, #tpu.memory_space<vmem>> -> memref<512x16xf32, #tpu.memory_space<vmem>>
        %gather3A_754 = tpu.vector_load_idx %gather3A_753[%add3A_638, %broadcast_in_dim3A_598] : memref<512x16xf32, #tpu.memory_space<vmem>>[vector<16xi32>, vector<16xi32>], vector<16xf32>,
        %mul3A_755 = arith.constant 16 : i32
        %mul3A_756 = arith.muli %scan3A_634, %mul3A_755 : i32
        %swap3A_757 = arith.constant 1 : i32
        %swap3A_758 = arith.constant 14 : i32
        %swap3A_759 = arith.index_cast %swap3A_757 : i32 to index
        %swap3A_760 = arith.index_cast %swap3A_758 : i32 to index
        %swap3A_761 = arith.index_cast %mul3A_756 : i32 to index
        %swap3A_762 = tpu.vector_load %arg12[%swap3A_759, %swap3A_760, %swap3A_761] {strides = array<i32>} : memref<2x16x512xf32, #tpu.memory_space<vmem>>, vector<16xf32>,
        tpu.vector_store %arg12[%swap3A_759, %swap3A_760, %swap3A_761], %gather3A_754 {strides = array<i32>} : memref<2x16x512xf32, #tpu.memory_space<vmem>>, vector<16xf32>,
        %gather3A_763 = arith.constant 1 : i32
        %gather3A_764 = arith.constant 0 : i32
        %gather3A_765 = arith.constant 0 : i32
        %gather3A_766 = tpu.memref_slice %arg11[%gather3A_763, %gather3A_764, %gather3A_765] : memref<2x512x16xf32, #tpu.memory_space<vmem>> -> memref<1x512x16xf32, #tpu.memory_space<vmem>>
        %gather3A_767 = tpu.memref_squeeze %gather3A_766 : memref<1x512x16xf32, #tpu.memory_space<vmem>> -> memref<512x16xf32, #tpu.memory_space<vmem>>
        %gather3A_768 = tpu.vector_load_idx %gather3A_767[%add3A_638, %broadcast_in_dim3A_600] : memref<512x16xf32, #tpu.memory_space<vmem>>[vector<16xi32>, vector<16xi32>], vector<16xf32>,
        %mul3A_769 = arith.constant 16 : i32
        %mul3A_770 = arith.muli %scan3A_634, %mul3A_769 : i32
        %swap3A_771 = arith.constant 1 : i32
        %swap3A_772 = arith.constant 15 : i32
        %swap3A_773 = arith.index_cast %swap3A_771 : i32 to index
        %swap3A_774 = arith.index_cast %swap3A_772 : i32 to index
        %swap3A_775 = arith.index_cast %mul3A_770 : i32 to index
        %swap3A_776 = tpu.vector_load %arg12[%swap3A_773, %swap3A_774, %swap3A_775] {strides = array<i32>} : memref<2x16x512xf32, #tpu.memory_space<vmem>>, vector<16xf32>,
        tpu.vector_store %arg12[%swap3A_773, %swap3A_774, %swap3A_775], %gather3A_768 {strides = array<i32>} : memref<2x16x512xf32, #tpu.memory_space<vmem>>, vector<16xf32>,
      }
      %scan3A_606 = arith.constant 32 : i32
      %mul3A_607 = arith.constant 16 : i32
      %mul3A_608 = arith.muli %add3A_521, %mul3A_607 : i32
      %dma_start3A_609 = arith.constant 1 : i32
      %dma_start3A_610 = arith.constant 0 : i32
      %dma_start3A_611 = arith.constant 0 : i32
      %dma_start3A_612 = tpu.memref_slice %arg12[%dma_start3A_609, %dma_start3A_610, %dma_start3A_611] : memref<2x16x512xf32, #tpu.memory_space<vmem>> -> memref<1x16x512xf32, #tpu.memory_space<vmem>>
      %dma_start3A_613 = tpu.memref_squeeze %dma_start3A_612 : memref<1x16x512xf32, #tpu.memory_space<vmem>> -> memref<16x512xf32, #tpu.memory_space<vmem>>
      %dma_start3A_614 = tpu.memref_slice %arg7[%mul3A_608, %mul3A_2] : memref<3200x16384xf32, #tpu.memory_space<hbm>> -> memref<16x512xf32, #tpu.memory_space<hbm>>
      %dma_start3A_615 = tpu.memref_slice %arg7[%mul3A_608, %mul3A_2] : memref<3200x16384xf32, #tpu.memory_space<hbm>> -> memref<16x512xf32, #tpu.memory_space<hbm>>
      %dma_start3A_616 = arith.constant 0 : i32
      %dma_start3A_617 = arith.constant 0 : i32
      %dma_start3A_618 = tpu.memref_slice %arg12[%dma_start3A_609, %dma_start3A_616, %dma_start3A_617] : memref<2x16x512xf32, #tpu.memory_space<vmem>> -> memref<1x16x512xf32, #tpu.memory_space<vmem>>
      %dma_start3A_619 = tpu.memref_squeeze %dma_start3A_618 : memref<1x16x512xf32, #tpu.memory_space<vmem>> -> memref<16x512xf32, #tpu.memory_space<vmem>>
      tpu.enqueue_dma source(%dma_start3A_619 : memref<16x512xf32, #tpu.memory_space<vmem>>) target(%dma_start3A_615 : memref<16x512xf32, #tpu.memory_space<hbm>>) target_semaphore(%arg19 : memref<!tpu.dma_semaphore, #tpu.memory_space<semaphore_mem>>)
      %add3A_620 = arith.constant 1 : i32
      %add3A_621 = arith.addi %add3A_521, %add3A_620 : i32
      %lt3A_622 = arith.constant 200 : i32
      %lt3A_623 = arith.cmpi slt, %add3A_621, %lt3A_622 : i32
      %convert_element_type3A_624 = arith.extui %lt3A_623 : i1 to i32
      %cond3A_625 = arith.constant 0 : i32
      %cond3A_626 = arith.cmpi ne, %convert_element_type3A_624, %cond3A_625 : i32
      scf.if %cond3A_626 {
        %gt3A = arith.constant 0 : i32
        %gt3A_634 = arith.cmpi sgt, %add3A_521, %gt3A : i32
        %convert_element_type3A_635 = arith.extui %gt3A_634 : i1 to i32
        %cond3A_636 = arith.constant 0 : i32
        %cond3A_637 = arith.cmpi ne, %convert_element_type3A_635, %cond3A_636 : i32
        scf.if %cond3A_637 {
          %dma_wait3A_644 = arith.constant 0 : i32
          %dma_wait3A_645 = arith.constant 0 : i32
          %dma_wait3A_646 = arith.constant 0 : i32
          %dma_wait3A_647 = tpu.memref_slice %arg12[%dma_wait3A_644, %dma_wait3A_645, %dma_wait3A_646] : memref<2x16x512xf32, #tpu.memory_space<vmem>> -> memref<1x16x512xf32, #tpu.memory_space<vmem>>
          %dma_wait3A_648 = tpu.memref_squeeze %dma_wait3A_647 : memref<1x16x512xf32, #tpu.memory_space<vmem>> -> memref<16x512xf32, #tpu.memory_space<vmem>>
          %dma_wait3A_649 = arith.constant 0 : i32
          %dma_wait3A_650 = tpu.memref_slice %arg7[%dma_wait3A_649, %mul3A_2] : memref<3200x16384xf32, #tpu.memory_space<hbm>> -> memref<16x512xf32, #tpu.memory_space<hbm>>
          %dma_wait3A_651 = arith.constant 0 : i32
          %dma_wait3A_652 = tpu.memref_slice %arg7[%dma_wait3A_651, %mul3A_2] : memref<3200x16384xf32, #tpu.memory_space<hbm>> -> memref<16x512xf32, #tpu.memory_space<hbm>>
          %dma_wait3A_653 = arith.constant 0 : i32
          %dma_wait3A_654 = arith.constant 0 : i32
          %dma_wait3A_655 = tpu.memref_slice %arg12[%dma_wait3A_644, %dma_wait3A_653, %dma_wait3A_654] : memref<2x16x512xf32, #tpu.memory_space<vmem>> -> memref<1x16x512xf32, #tpu.memory_space<vmem>>
          %dma_wait3A_656 = tpu.memref_squeeze %dma_wait3A_655 : memref<1x16x512xf32, #tpu.memory_space<vmem>> -> memref<16x512xf32, #tpu.memory_space<vmem>>
          tpu.wait_dma2 semaphore(%arg18 : memref<!tpu.dma_semaphore, #tpu.memory_space<semaphore_mem>>) src(%dma_wait3A_656 : memref<16x512xf32, #tpu.memory_space<vmem>>) dst(%dma_wait3A_652 : memref<16x512xf32, #tpu.memory_space<hbm>>)
        } else {
        }
        %scan3A_638 = arith.constant 0 : i32
        %scan3A_639 = arith.constant 0 : i32
        %scan3A_640 = arith.constant 32 : i32
        %scan3A_641 = arith.addi %scan3A_639, %scan3A_640 : i32
        %scan3A_642 = arith.constant 1 : i32
        scf.for %scan3A_644 = %scan3A_639 to %scan3A_641 step %scan3A_642  : i32 {
          %mul3A_645 = arith.constant 16 : i32
          %mul3A_646 = arith.muli %scan3A_644, %mul3A_645 : i32
          %get3A_647 = arith.constant 0 : i32
          %get3A_648 = arith.index_cast %get3A_647 : i32 to index
          %get3A_649 = arith.index_cast %mul3A_646 : i32 to index
          %get3A_650 = tpu.vector_load %arg9[%get3A_648, %get3A_649] {strides = array<i32>} : memref<2x512xf32, #tpu.memory_space<vmem>>, vector<16xf32>,
          %mul3A_651 = arith.constant 16 : i32
          %mul3A_652 = arith.muli %scan3A_644, %mul3A_651 : i32
          %get3A_653 = arith.constant 0 : i32
          %get3A_654 = arith.index_cast %get3A_653 : i32 to index
          %get3A_655 = arith.index_cast %mul3A_652 : i32 to index
          %get3A_656 = tpu.vector_load %arg10[%get3A_654, %get3A_655] {strides = array<i32>} : memref<2x512xf32, #tpu.memory_space<vmem>>, vector<16xf32>,
          %mul3A_657 = arith.mulf %get3A_650, %get3A_5 : vector<16xf32>
          %mul3A_658 = arith.mulf %get3A_656, %get3A_29 : vector<16xf32>
          %add3A_659 = arith.addf %mul3A_657, %mul3A_658 : vector<16xf32>
          %add3A_660 = arith.addf %add3A_659, %get3A_53 : vector<16xf32>
          %mul3A_661 = arith.constant 16 : i32
          %mul3A_662 = arith.muli %scan3A_644, %mul3A_661 : i32
          %swap3A = arith.constant 0 : i32
          %swap3A_663 = arith.constant 0 : i32
          %swap3A_664 = arith.index_cast %swap3A : i32 to index
          %swap3A_665 = arith.index_cast %swap3A_663 : i32 to index
          %swap3A_666 = arith.index_cast %mul3A_662 : i32 to index
          %swap3A_667 = tpu.vector_load %arg12[%swap3A_664, %swap3A_665, %swap3A_666] {strides = array<i32>} : memref<2x16x512xf32, #tpu.memory_space<vmem>>, vector<16xf32>,
          tpu.vector_store %arg12[%swap3A_664, %swap3A_665, %swap3A_666], %add3A_660 {strides = array<i32>} : memref<2x16x512xf32, #tpu.memory_space<vmem>>, vector<16xf32>,
          %mul3A_668 = arith.mulf %get3A_650, %get3A_9 : vector<16xf32>
          %mul3A_669 = arith.mulf %get3A_656, %get3A_33 : vector<16xf32>
          %add3A_670 = arith.addf %mul3A_668, %mul3A_669 : vector<16xf32>
          %add3A_671 = arith.addf %add3A_670, %get3A_57 : vector<16xf32>
          %mul3A_672 = arith.constant 16 : i32
          %mul3A_673 = arith.muli %scan3A_644, %mul3A_672 : i32
          %swap3A_674 = arith.constant 0 : i32
          %swap3A_675 = arith.constant 1 : i32
          %swap3A_676 = arith.index_cast %swap3A_674 : i32 to index
          %swap3A_677 = arith.index_cast %swap3A_675 : i32 to index
          %swap3A_678 = arith.index_cast %mul3A_673 : i32 to index
          %swap3A_679 = tpu.vector_load %arg12[%swap3A_676, %swap3A_677, %swap3A_678] {strides = array<i32>} : memref<2x16x512xf32, #tpu.memory_space<vmem>>, vector<16xf32>,
          tpu.vector_store %arg12[%swap3A_676, %swap3A_677, %swap3A_678], %add3A_671 {strides = array<i32>} : memref<2x16x512xf32, #tpu.memory_space<vmem>>, vector<16xf32>,
          %mul3A_680 = arith.mulf %get3A_650, %get3A_13 : vector<16xf32>
          %mul3A_681 = arith.mulf %get3A_656, %get3A_37 : vector<16xf32>
          %add3A_682 = arith.addf %mul3A_680, %mul3A_681 : vector<16xf32>
          %add3A_683 = arith.addf %add3A_682, %get3A_61 : vector<16xf32>
          %mul3A_684 = arith.constant 16 : i32
          %mul3A_685 = arith.muli %scan3A_644, %mul3A_684 : i32
          %swap3A_686 = arith.constant 0 : i32
          %swap3A_687 = arith.constant 2 : i32
          %swap3A_688 = arith.index_cast %swap3A_686 : i32 to index
          %swap3A_689 = arith.index_cast %swap3A_687 : i32 to index
          %swap3A_690 = arith.index_cast %mul3A_685 : i32 to index
          %swap3A_691 = tpu.vector_load %arg12[%swap3A_688, %swap3A_689, %swap3A_690] {strides = array<i32>} : memref<2x16x512xf32, #tpu.memory_space<vmem>>, vector<16xf32>,
          tpu.vector_store %arg12[%swap3A_688, %swap3A_689, %swap3A_690], %add3A_683 {strides = array<i32>} : memref<2x16x512xf32, #tpu.memory_space<vmem>>, vector<16xf32>,
          %mul3A_692 = arith.mulf %get3A_650, %get3A_17 : vector<16xf32>
          %mul3A_693 = arith.mulf %get3A_656, %get3A_41 : vector<16xf32>
          %add3A_694 = arith.addf %mul3A_692, %mul3A_693 : vector<16xf32>
          %add3A_695 = arith.addf %add3A_694, %get3A_65 : vector<16xf32>
          %mul3A_696 = arith.constant 16 : i32
          %mul3A_697 = arith.muli %scan3A_644, %mul3A_696 : i32
          %swap3A_698 = arith.constant 0 : i32
          %swap3A_699 = arith.constant 3 : i32
          %swap3A_700 = arith.index_cast %swap3A_698 : i32 to index
          %swap3A_701 = arith.index_cast %swap3A_699 : i32 to index
          %swap3A_702 = arith.index_cast %mul3A_697 : i32 to index
          %swap3A_703 = tpu.vector_load %arg12[%swap3A_700, %swap3A_701, %swap3A_702] {strides = array<i32>} : memref<2x16x512xf32, #tpu.memory_space<vmem>>, vector<16xf32>,
          tpu.vector_store %arg12[%swap3A_700, %swap3A_701, %swap3A_702], %add3A_695 {strides = array<i32>} : memref<2x16x512xf32, #tpu.memory_space<vmem>>, vector<16xf32>,
          %mul3A_704 = arith.mulf %get3A_650, %get3A_21 : vector<16xf32>
          %mul3A_705 = arith.mulf %get3A_656, %get3A_45 : vector<16xf32>
          %add3A_706 = arith.addf %mul3A_704, %mul3A_705 : vector<16xf32>
          %add3A_707 = arith.addf %add3A_706, %get3A_69 : vector<16xf32>
          %mul3A_708 = arith.constant 16 : i32
          %mul3A_709 = arith.muli %scan3A_644, %mul3A_708 : i32
          %swap3A_710 = arith.constant 0 : i32
          %swap3A_711 = arith.constant 4 : i32
          %swap3A_712 = arith.index_cast %swap3A_710 : i32 to index
          %swap3A_713 = arith.index_cast %swap3A_711 : i32 to index
          %swap3A_714 = arith.index_cast %mul3A_709 : i32 to index
          %swap3A_715 = tpu.vector_load %arg12[%swap3A_712, %swap3A_713, %swap3A_714] {strides = array<i32>} : memref<2x16x512xf32, #tpu.memory_space<vmem>>, vector<16xf32>,
          tpu.vector_store %arg12[%swap3A_712, %swap3A_713, %swap3A_714], %add3A_707 {strides = array<i32>} : memref<2x16x512xf32, #tpu.memory_space<vmem>>, vector<16xf32>,
          %mul3A_716 = arith.mulf %get3A_650, %get3A_25 : vector<16xf32>
          %mul3A_717 = arith.mulf %get3A_656, %get3A_49 : vector<16xf32>
          %add3A_718 = arith.addf %mul3A_716, %mul3A_717 : vector<16xf32>
          %add3A_719 = arith.addf %add3A_718, %get3A_73 : vector<16xf32>
          %mul3A_720 = arith.constant 16 : i32
          %mul3A_721 = arith.muli %scan3A_644, %mul3A_720 : i32
          %swap3A_722 = arith.constant 0 : i32
          %swap3A_723 = arith.constant 5 : i32
          %swap3A_724 = arith.index_cast %swap3A_722 : i32 to index
          %swap3A_725 = arith.index_cast %swap3A_723 : i32 to index
          %swap3A_726 = arith.index_cast %mul3A_721 : i32 to index
          %swap3A_727 = tpu.vector_load %arg12[%swap3A_724, %swap3A_725, %swap3A_726] {strides = array<i32>} : memref<2x16x512xf32, #tpu.memory_space<vmem>>, vector<16xf32>,
          tpu.vector_store %arg12[%swap3A_724, %swap3A_725, %swap3A_726], %add3A_719 {strides = array<i32>} : memref<2x16x512xf32, #tpu.memory_space<vmem>>, vector<16xf32>,
        }
        %scan3A_643 = arith.constant 32 : i32
      } else {
      }
      %add3A_627 = arith.constant 2 : i32
      %add3A_628 = arith.addi %add3A_521, %add3A_627 : i32
      %lt3A_629 = arith.constant 200 : i32
      %lt3A_630 = arith.cmpi slt, %add3A_628, %lt3A_629 : i32
      %convert_element_type3A_631 = arith.extui %lt3A_630 : i1 to i32
      %cond3A_632 = arith.constant 0 : i32
      %cond3A_633 = arith.cmpi ne, %convert_element_type3A_631, %cond3A_632 : i32
      scf.if %cond3A_633 {
        %add3A_634 = arith.constant 2 : i32
        %add3A_635 = arith.addi %add3A_521, %add3A_634 : i32
        %add3A_636 = arith.constant 0 : i32
        %add3A_637 = arith.addi %mul3A_2, %add3A_636 : i32
        %dma_start3A_638 = arith.constant 1 : i32
        %dma_start3A_639 = arith.constant 0 : i32
        %dma_start3A_640 = arith.constant 0 : i32
        %dma_start3A_641 = tpu.memref_slice %arg8[%dma_start3A_638, %dma_start3A_639, %dma_start3A_640] : memref<2x4x128xi32, #tpu.memory_space<vmem>> -> memref<1x1x128xi32, #tpu.memory_space<vmem>>
        %dma_start3A_642 = tpu.memref_squeeze %dma_start3A_641 : memref<1x1x128xi32, #tpu.memory_space<vmem>> -> memref<128xi32, #tpu.memory_space<vmem>>
        %dma_start3A_643 = tpu.memref_slice %arg3[%add3A_635, %add3A_637] : memref<200x16384xi32, #tpu.memory_space<hbm>> -> memref<1x128xi32, #tpu.memory_space<hbm>>
        %dma_start3A_644 = tpu.memref_squeeze %dma_start3A_643 : memref<1x128xi32, #tpu.memory_space<hbm>> -> memref<128xi32, #tpu.memory_space<hbm>>
        %dma_start3A_645 = arith.constant 0 : i32
        %dma_start3A_646 = tpu.memref_slice %arg8[%dma_start3A_638, %dma_start3A_639, %dma_start3A_645] : memref<2x4x128xi32, #tpu.memory_space<vmem>> -> memref<1x1x128xi32, #tpu.memory_space<vmem>>
        %dma_start3A_647 = tpu.memref_squeeze %dma_start3A_646 : memref<1x1x128xi32, #tpu.memory_space<vmem>> -> memref<128xi32, #tpu.memory_space<vmem>>
        %dma_start3A_648 = tpu.memref_slice %arg3[%add3A_635, %add3A_637] : memref<200x16384xi32, #tpu.memory_space<hbm>> -> memref<1x128xi32, #tpu.memory_space<hbm>>
        %dma_start3A_649 = tpu.memref_squeeze %dma_start3A_648 : memref<1x128xi32, #tpu.memory_space<hbm>> -> memref<128xi32, #tpu.memory_space<hbm>>
        tpu.enqueue_dma source(%dma_start3A_649 : memref<128xi32, #tpu.memory_space<hbm>>) target(%dma_start3A_647 : memref<128xi32, #tpu.memory_space<vmem>>) target_semaphore(%arg15 : memref<!tpu.dma_semaphore, #tpu.memory_space<semaphore_mem>>)
        %add3A_650 = arith.constant 128 : i32
        %add3A_651 = arith.addi %mul3A_2, %add3A_650 : i32
        %dma_start3A_652 = arith.constant 1 : i32
        %dma_start3A_653 = arith.constant 1 : i32
        %dma_start3A_654 = arith.constant 0 : i32
        %dma_start3A_655 = tpu.memref_slice %arg8[%dma_start3A_652, %dma_start3A_653, %dma_start3A_654] : memref<2x4x128xi32, #tpu.memory_space<vmem>> -> memref<1x1x128xi32, #tpu.memory_space<vmem>>
        %dma_start3A_656 = tpu.memref_squeeze %dma_start3A_655 : memref<1x1x128xi32, #tpu.memory_space<vmem>> -> memref<128xi32, #tpu.memory_space<vmem>>
        %dma_start3A_657 = tpu.memref_slice %arg3[%add3A_635, %add3A_651] : memref<200x16384xi32, #tpu.memory_space<hbm>> -> memref<1x128xi32, #tpu.memory_space<hbm>>
        %dma_start3A_658 = tpu.memref_squeeze %dma_start3A_657 : memref<1x128xi32, #tpu.memory_space<hbm>> -> memref<128xi32, #tpu.memory_space<hbm>>
        %dma_start3A_659 = arith.constant 0 : i32
        %dma_start3A_660 = tpu.memref_slice %arg8[%dma_start3A_652, %dma_start3A_653, %dma_start3A_659] : memref<2x4x128xi32, #tpu.memory_space<vmem>> -> memref<1x1x128xi32, #tpu.memory_space<vmem>>
        %dma_start3A_661 = tpu.memref_squeeze %dma_start3A_660 : memref<1x1x128xi32, #tpu.memory_space<vmem>> -> memref<128xi32, #tpu.memory_space<vmem>>
        %dma_start3A_662 = tpu.memref_slice %arg3[%add3A_635, %add3A_651] : memref<200x16384xi32, #tpu.memory_space<hbm>> -> memref<1x128xi32, #tpu.memory_space<hbm>>
        %dma_start3A_663 = tpu.memref_squeeze %dma_start3A_662 : memref<1x128xi32, #tpu.memory_space<hbm>> -> memref<128xi32, #tpu.memory_space<hbm>>
        tpu.enqueue_dma source(%dma_start3A_663 : memref<128xi32, #tpu.memory_space<hbm>>) target(%dma_start3A_661 : memref<128xi32, #tpu.memory_space<vmem>>) target_semaphore(%arg15 : memref<!tpu.dma_semaphore, #tpu.memory_space<semaphore_mem>>)
        %add3A_664 = arith.constant 256 : i32
        %add3A_665 = arith.addi %mul3A_2, %add3A_664 : i32
        %dma_start3A_666 = arith.constant 1 : i32
        %dma_start3A_667 = arith.constant 2 : i32
        %dma_start3A_668 = arith.constant 0 : i32
        %dma_start3A_669 = tpu.memref_slice %arg8[%dma_start3A_666, %dma_start3A_667, %dma_start3A_668] : memref<2x4x128xi32, #tpu.memory_space<vmem>> -> memref<1x1x128xi32, #tpu.memory_space<vmem>>
        %dma_start3A_670 = tpu.memref_squeeze %dma_start3A_669 : memref<1x1x128xi32, #tpu.memory_space<vmem>> -> memref<128xi32, #tpu.memory_space<vmem>>
        %dma_start3A_671 = tpu.memref_slice %arg3[%add3A_635, %add3A_665] : memref<200x16384xi32, #tpu.memory_space<hbm>> -> memref<1x128xi32, #tpu.memory_space<hbm>>
        %dma_start3A_672 = tpu.memref_squeeze %dma_start3A_671 : memref<1x128xi32, #tpu.memory_space<hbm>> -> memref<128xi32, #tpu.memory_space<hbm>>
        %dma_start3A_673 = arith.constant 0 : i32
        %dma_start3A_674 = tpu.memref_slice %arg8[%dma_start3A_666, %dma_start3A_667, %dma_start3A_673] : memref<2x4x128xi32, #tpu.memory_space<vmem>> -> memref<1x1x128xi32, #tpu.memory_space<vmem>>
        %dma_start3A_675 = tpu.memref_squeeze %dma_start3A_674 : memref<1x1x128xi32, #tpu.memory_space<vmem>> -> memref<128xi32, #tpu.memory_space<vmem>>
        %dma_start3A_676 = tpu.memref_slice %arg3[%add3A_635, %add3A_665] : memref<200x16384xi32, #tpu.memory_space<hbm>> -> memref<1x128xi32, #tpu.memory_space<hbm>>
        %dma_start3A_677 = tpu.memref_squeeze %dma_start3A_676 : memref<1x128xi32, #tpu.memory_space<hbm>> -> memref<128xi32, #tpu.memory_space<hbm>>
        tpu.enqueue_dma source(%dma_start3A_677 : memref<128xi32, #tpu.memory_space<hbm>>) target(%dma_start3A_675 : memref<128xi32, #tpu.memory_space<vmem>>) target_semaphore(%arg15 : memref<!tpu.dma_semaphore, #tpu.memory_space<semaphore_mem>>)
        %add3A_678 = arith.constant 384 : i32
        %add3A_679 = arith.addi %mul3A_2, %add3A_678 : i32
        %dma_start3A_680 = arith.constant 1 : i32
        %dma_start3A_681 = arith.constant 3 : i32
        %dma_start3A_682 = arith.constant 0 : i32
        %dma_start3A_683 = tpu.memref_slice %arg8[%dma_start3A_680, %dma_start3A_681, %dma_start3A_682] : memref<2x4x128xi32, #tpu.memory_space<vmem>> -> memref<1x1x128xi32, #tpu.memory_space<vmem>>
        %dma_start3A_684 = tpu.memref_squeeze %dma_start3A_683 : memref<1x1x128xi32, #tpu.memory_space<vmem>> -> memref<128xi32, #tpu.memory_space<vmem>>
        %dma_start3A_685 = tpu.memref_slice %arg3[%add3A_635, %add3A_679] : memref<200x16384xi32, #tpu.memory_space<hbm>> -> memref<1x128xi32, #tpu.memory_space<hbm>>
        %dma_start3A_686 = tpu.memref_squeeze %dma_start3A_685 : memref<1x128xi32, #tpu.memory_space<hbm>> -> memref<128xi32, #tpu.memory_space<hbm>>
        %dma_start3A_687 = arith.constant 0 : i32
        %dma_start3A_688 = tpu.memref_slice %arg8[%dma_start3A_680, %dma_start3A_681, %dma_start3A_687] : memref<2x4x128xi32, #tpu.memory_space<vmem>> -> memref<1x1x128xi32, #tpu.memory_space<vmem>>
        %dma_start3A_689 = tpu.memref_squeeze %dma_start3A_688 : memref<1x1x128xi32, #tpu.memory_space<vmem>> -> memref<128xi32, #tpu.memory_space<vmem>>
        %dma_start3A_690 = tpu.memref_slice %arg3[%add3A_635, %add3A_679] : memref<200x16384xi32, #tpu.memory_space<hbm>> -> memref<1x128xi32, #tpu.memory_space<hbm>>
        %dma_start3A_691 = tpu.memref_squeeze %dma_start3A_690 : memref<1x128xi32, #tpu.memory_space<hbm>> -> memref<128xi32, #tpu.memory_space<hbm>>
        tpu.enqueue_dma source(%dma_start3A_691 : memref<128xi32, #tpu.memory_space<hbm>>) target(%dma_start3A_689 : memref<128xi32, #tpu.memory_space<vmem>>) target_semaphore(%arg15 : memref<!tpu.dma_semaphore, #tpu.memory_space<semaphore_mem>>)
        %dma_start3A_692 = arith.constant 1 : i32
        %dma_start3A_693 = arith.constant 0 : i32
        %dma_start3A_694 = tpu.memref_slice %arg9[%dma_start3A_692, %dma_start3A_693] : memref<2x512xf32, #tpu.memory_space<vmem>> -> memref<1x512xf32, #tpu.memory_space<vmem>>
        %dma_start3A_695 = tpu.memref_squeeze %dma_start3A_694 : memref<1x512xf32, #tpu.memory_space<vmem>> -> memref<512xf32, #tpu.memory_space<vmem>>
        %dma_start3A_696 = tpu.memref_slice %arg4[%add3A_635, %mul3A_2] : memref<200x16384xf32, #tpu.memory_space<hbm>> -> memref<1x512xf32, #tpu.memory_space<hbm>>
        %dma_start3A_697 = tpu.memref_squeeze %dma_start3A_696 : memref<1x512xf32, #tpu.memory_space<hbm>> -> memref<512xf32, #tpu.memory_space<hbm>>
        %dma_start3A_698 = arith.constant 0 : i32
        %dma_start3A_699 = tpu.memref_slice %arg9[%dma_start3A_692, %dma_start3A_698] : memref<2x512xf32, #tpu.memory_space<vmem>> -> memref<1x512xf32, #tpu.memory_space<vmem>>
        %dma_start3A_700 = tpu.memref_squeeze %dma_start3A_699 : memref<1x512xf32, #tpu.memory_space<vmem>> -> memref<512xf32, #tpu.memory_space<vmem>>
        %dma_start3A_701 = tpu.memref_slice %arg4[%add3A_635, %mul3A_2] : memref<200x16384xf32, #tpu.memory_space<hbm>> -> memref<1x512xf32, #tpu.memory_space<hbm>>
        %dma_start3A_702 = tpu.memref_squeeze %dma_start3A_701 : memref<1x512xf32, #tpu.memory_space<hbm>> -> memref<512xf32, #tpu.memory_space<hbm>>
        tpu.enqueue_dma source(%dma_start3A_702 : memref<512xf32, #tpu.memory_space<hbm>>) target(%dma_start3A_700 : memref<512xf32, #tpu.memory_space<vmem>>) target_semaphore(%arg15 : memref<!tpu.dma_semaphore, #tpu.memory_space<semaphore_mem>>)
        %dma_start3A_703 = arith.constant 1 : i32
        %dma_start3A_704 = arith.constant 0 : i32
        %dma_start3A_705 = tpu.memref_slice %arg10[%dma_start3A_703, %dma_start3A_704] : memref<2x512xf32, #tpu.memory_space<vmem>> -> memref<1x512xf32, #tpu.memory_space<vmem>>
        %dma_start3A_706 = tpu.memref_squeeze %dma_start3A_705 : memref<1x512xf32, #tpu.memory_space<vmem>> -> memref<512xf32, #tpu.memory_space<vmem>>
        %dma_start3A_707 = tpu.memref_slice %arg5[%add3A_635, %mul3A_2] : memref<200x16384xf32, #tpu.memory_space<hbm>> -> memref<1x512xf32, #tpu.memory_space<hbm>>
        %dma_start3A_708 = tpu.memref_squeeze %dma_start3A_707 : memref<1x512xf32, #tpu.memory_space<hbm>> -> memref<512xf32, #tpu.memory_space<hbm>>
        %dma_start3A_709 = arith.constant 0 : i32
        %dma_start3A_710 = tpu.memref_slice %arg10[%dma_start3A_703, %dma_start3A_709] : memref<2x512xf32, #tpu.memory_space<vmem>> -> memref<1x512xf32, #tpu.memory_space<vmem>>
        %dma_start3A_711 = tpu.memref_squeeze %dma_start3A_710 : memref<1x512xf32, #tpu.memory_space<vmem>> -> memref<512xf32, #tpu.memory_space<vmem>>
        %dma_start3A_712 = tpu.memref_slice %arg5[%add3A_635, %mul3A_2] : memref<200x16384xf32, #tpu.memory_space<hbm>> -> memref<1x512xf32, #tpu.memory_space<hbm>>
        %dma_start3A_713 = tpu.memref_squeeze %dma_start3A_712 : memref<1x512xf32, #tpu.memory_space<hbm>> -> memref<512xf32, #tpu.memory_space<hbm>>
        tpu.enqueue_dma source(%dma_start3A_713 : memref<512xf32, #tpu.memory_space<hbm>>) target(%dma_start3A_711 : memref<512xf32, #tpu.memory_space<vmem>>) target_semaphore(%arg15 : memref<!tpu.dma_semaphore, #tpu.memory_space<semaphore_mem>>)
      } else {
      }
    }
    %scan3A_380 = arith.constant 100 : i32
    %dma_wait3A_381 = arith.constant 0 : i32
    %dma_wait3A_382 = arith.constant 0 : i32
    %dma_wait3A_383 = arith.constant 0 : i32
    %dma_wait3A_384 = tpu.memref_slice %arg12[%dma_wait3A_381, %dma_wait3A_382, %dma_wait3A_383] : memref<2x16x512xf32, #tpu.memory_space<vmem>> -> memref<1x16x512xf32, #tpu.memory_space<vmem>>
    %dma_wait3A_385 = tpu.memref_squeeze %dma_wait3A_384 : memref<1x16x512xf32, #tpu.memory_space<vmem>> -> memref<16x512xf32, #tpu.memory_space<vmem>>
    %dma_wait3A_386 = arith.constant 0 : i32
    %dma_wait3A_387 = tpu.memref_slice %arg7[%dma_wait3A_386, %mul3A_2] : memref<3200x16384xf32, #tpu.memory_space<hbm>> -> memref<16x512xf32, #tpu.memory_space<hbm>>
    %dma_wait3A_388 = arith.constant 0 : i32
    %dma_wait3A_389 = tpu.memref_slice %arg7[%dma_wait3A_388, %mul3A_2] : memref<3200x16384xf32, #tpu.memory_space<hbm>> -> memref<16x512xf32, #tpu.memory_space<hbm>>
    %dma_wait3A_390 = arith.constant 0 : i32
    %dma_wait3A_391 = arith.constant 0 : i32
    %dma_wait3A_392 = tpu.memref_slice %arg12[%dma_wait3A_381, %dma_wait3A_390, %dma_wait3A_391] : memref<2x16x512xf32, #tpu.memory_space<vmem>> -> memref<1x16x512xf32, #tpu.memory_space<vmem>>
    %dma_wait3A_393 = tpu.memref_squeeze %dma_wait3A_392 : memref<1x16x512xf32, #tpu.memory_space<vmem>> -> memref<16x512xf32, #tpu.memory_space<vmem>>
    tpu.wait_dma2 semaphore(%arg18 : memref<!tpu.dma_semaphore, #tpu.memory_space<semaphore_mem>>) src(%dma_wait3A_393 : memref<16x512xf32, #tpu.memory_space<vmem>>) dst(%dma_wait3A_389 : memref<16x512xf32, #tpu.memory_space<hbm>>)
    %dma_wait3A_394 = arith.constant 1 : i32
    %dma_wait3A_395 = arith.constant 0 : i32
    %dma_wait3A_396 = arith.constant 0 : i32
    %dma_wait3A_397 = tpu.memref_slice %arg12[%dma_wait3A_394, %dma_wait3A_395, %dma_wait3A_396] : memref<2x16x512xf32, #tpu.memory_space<vmem>> -> memref<1x16x512xf32, #tpu.memory_space<vmem>>
    %dma_wait3A_398 = tpu.memref_squeeze %dma_wait3A_397 : memref<1x16x512xf32, #tpu.memory_space<vmem>> -> memref<16x512xf32, #tpu.memory_space<vmem>>
    %dma_wait3A_399 = arith.constant 0 : i32
    %dma_wait3A_400 = tpu.memref_slice %arg7[%dma_wait3A_399, %mul3A_2] : memref<3200x16384xf32, #tpu.memory_space<hbm>> -> memref<16x512xf32, #tpu.memory_space<hbm>>
    %dma_wait3A_401 = arith.constant 0 : i32
    %dma_wait3A_402 = tpu.memref_slice %arg7[%dma_wait3A_401, %mul3A_2] : memref<3200x16384xf32, #tpu.memory_space<hbm>> -> memref<16x512xf32, #tpu.memory_space<hbm>>
    %dma_wait3A_403 = arith.constant 0 : i32
    %dma_wait3A_404 = arith.constant 0 : i32
    %dma_wait3A_405 = tpu.memref_slice %arg12[%dma_wait3A_394, %dma_wait3A_403, %dma_wait3A_404] : memref<2x16x512xf32, #tpu.memory_space<vmem>> -> memref<1x16x512xf32, #tpu.memory_space<vmem>>
    %dma_wait3A_406 = tpu.memref_squeeze %dma_wait3A_405 : memref<1x16x512xf32, #tpu.memory_space<vmem>> -> memref<16x512xf32, #tpu.memory_space<vmem>>
    tpu.wait_dma2 semaphore(%arg19 : memref<!tpu.dma_semaphore, #tpu.memory_space<semaphore_mem>>) src(%dma_wait3A_406 : memref<16x512xf32, #tpu.memory_space<vmem>>) dst(%dma_wait3A_402 : memref<16x512xf32, #tpu.memory_space<hbm>>)
    return
  }
}

</mosaic_0001>

<sc_bundles>
// kernel: kernel.3.cloned.1.call-start
scs
__scs_entry_jumppad:
0x0: {  	(pc) =	sbr.rel $0x88, $3  }
0x1: {  	(tag) =	ssettag $0x0;
	lr =	simm.s32 $0x1  }
0x2: {  	[smem:$0x3F9C] =	sst lr;
	_ =	strace $0xD0000000  }
0x3: {  	_ = 	snop  }
0x4: {  	_ = 	snop  }
0x5: {  	_ = 	snop  }
0x6: {  	_ = 	snop  }
0x7: {  	_ = 	snop  }
__scs_overlays_trampoline_lowered:
0x8: {  	[smem:$0x3FAB] =	sst s0  }
0x9: {  	[smem:$0x3FAC] =	sst s1  }
0xa: {  	[smem:$0x3FAD] =	sst s2  }
0xb: {  	[smem:$0x3FAE] =	sst s3  }
0xc: {  	[smem:$0x3FAF] =	sst s4  }
0xd: {  	[smem:$0x3FB0] =	sst s5  }
0xe: {  	[smem:$0x3FB1] =	sst s6  }
0xf: {  	[smem:$0x3FB2] =	sst s7  }
0x10: {  	[smem:$0x3FB3] =	sst s8  }
0x11: {  	[smem:$0x3FB4] =	sst s9;
	s0 =	simm.s32 @!p0 $0x0  }
0x12: {  	s1 =	sld [smem:$0x3F9A];
	s0 =	simm.s32 @p0 $0x1  }
0x13: {  	[smem:$0x3FB5] =	sst s0;
	s0 =	simm.s32 @!p1 $0x0  }
0x14: {  	s2 =	sld [smem:$0x3F99];
	s0 =	simm.s32 @p1 $0x1  }
0x15: {  	[smem:$0x3FB6] =	sst s0;
	s0 =	simm.s32 @!p2 $0x0  }
0x16: {  	s3 =	sld [smem:$0x3FDB];
	s0 =	simm.s32 @p2 $0x1  }
0x17: {  	s4 =	simm.s32 $0x1BF5;
	[smem:$0x3FB8] =	sst s0  }
0x18: {  	s0 =	sld [smem:$0x3F9B];
	_ =	swait.ge [sflag:s4], $0x0  }
0x19: {  	s7 =	sld [smem:$0x3F9C]  }
0x1a: {  	s8 =	sadd.s32 $0xFFFFE003, lr  }
0x1b: {  	s9 =	sadd.s32 $0xFFFFFEF7, lr;
	s5 =	simm.s32 $0xFFFFFFFF;
	p2 =	slt.u32 s8, $0xFFFFF086  }
0x1c: {  	p1 =	slt.u32 s9, $0xF7A;
	s5 =	simm.s32 @!p2 $0x0  }
0x1d: {  	s5 =	simm.s32 @p1 $0x1;
	p0 =	seq.s32 s7, s2  }
0x1e: {  	s7 =	smul.u32 @!p0 $0xF7A, s2;
	p2 =	seq.s32 @!p0 s5, $0x0  }
0x1f: {  	s9 =	smul.u32 $0xF7A, s1;
	s8 =	simm.s32 @!p0 $0x1BF5;
	p2 =	por !p2, p0  }
0x20: {  	[sflag:s8] =	ssyncset.s32 @!p0 $0xFFFFF086;
	s6 =	sadd.s32 @!p0 s3, s7;
	s7 =	simm.s32 @!p0 $0x108  }
0x21: {  	s3 =	sadd.s32 s3, s9;
	s6 =	sadd.s32 @!p0 $0x88, s6;
	s7 =	simm.s32 @p2 $0x1082  }
0x22: {  	[simem:s7], [sflag:s8] =	dma.local @!p0 [hbm:s6], $0xF7A  }
0x23: {  	s9 =	sor.u32 $0xD0000000, s2;
	s6 =	simm.s32 $0x108;
	_ =	swait.ge @!p0 [sflag:s8], $0x0  }
0x24: {  	s3 =	sadd.s32 $0x88, s3;
	s6 =	simm.s32 @!p1 $0x1082;
	[sflag:s4] =	ssyncset.s32 $0xFFFFF086  }
0x25: {  	[simem:s6], [sflag:s4] =	dma.local [hbm:s3], $0xF7A  }
0x26: {  	[smem:$0x3F9C] =	sst s1;
	(tag) =	ssettag s2;
	_ =	strace s9  }
0x27: {  	s1 =	sld [smem:$0x3FAC]  }
0x28: {  	s2 =	sld [smem:$0x3FAD]  }
0x29: {  	s4 =	sld [smem:$0x3FAF]  }
0x2a: {  	p0 =	seq.s32 s5, $0x0;
	s5 =	sld [smem:$0x3FB0]  }
0x2b: {  	s6 =	sld [smem:$0x3FB1]  }
0x2c: {  	s7 =	sld [smem:$0x3FB2]  }
0x2d: {  	s3 =	simm.s32 $0x108;
	s8 =	sld [smem:$0x3FB3]  }
0x2e: {  	s3 =	simm.s32 @!p0 $0x1082;
	s9 =	sld [smem:$0x3FB4]  }
0x2f: {  	lr =	sadd.s32 s0, s3;
	s0 =	sld [smem:$0x3FAB]  }
0x30: {  	s3 =	sld [smem:$0x3FAE]  }
0x31: {  	[smem:$0x3FB7] =	sst s10  }
0x32: {  	s10 =	sld [smem:$0x3FB5];
	_ =	sdelay $0x3  }
0x33: {  	p0 =	seq.s32 s10, $0x1;
	s10 =	sld [smem:$0x3FB7];
	_ =	sdelay $0x3  }
0x34: {  	[smem:$0x3FB7] =	sst s10  }
0x35: {  	s10 =	sld [smem:$0x3FB6];
	_ =	sdelay $0x3  }
0x36: {  	p1 =	seq.s32 s10, $0x1;
	s10 =	sld [smem:$0x3FB7];
	_ =	sdelay $0x3  }
0x37: {  	[smem:$0x3FB7] =	sst s10  }
0x38: {  	s10 =	sld [smem:$0x3FB8]  }
0x39: {  	_ = 	snop;
	(pc) =	sbr.ind lr, $3  }
0x3a: {  	_ = 	snop  }
0x3b: {  	_ = 	snop  }
0x3c: {  	p2 =	seq.s32 s10, $0x1;
	s10 =	sld [smem:$0x3FB7]  }
0x3d: {  	_ =	shalt  }
0x3e: {  	_ =	shalt  }
0x3f: {  	_ =	shalt  }
0x40: {  	_ =	shalt  }
0x41: {  	_ =	shalt  }
0x42: {  	_ =	shalt  }
0x43: {  	_ =	shalt  }
0x44: {  	_ =	shalt  }
0x45: {  	_ =	shalt  }
0x46: {  	_ =	shalt  }
0x47: {  	_ =	shalt  }
0x48: {  	_ =	shalt  }
0x49: {  	_ =	shalt  }
0x4a: {  	_ =	shalt  }
0x4b: {  	_ =	shalt  }
0x4c: {  	_ =	shalt  }
0x4d: {  	_ =	shalt  }
0x4e: {  	_ =	shalt  }
0x4f: {  	_ =	shalt  }
0x50: {  	_ =	shalt  }
0x51: {  	_ =	shalt  }
0x52: {  	_ =	shalt  }
0x53: {  	_ =	shalt  }
0x54: {  	_ =	shalt  }
0x55: {  	_ =	shalt  }
0x56: {  	_ =	shalt  }
0x57: {  	_ =	shalt  }
0x58: {  	_ =	shalt  }
0x59: {  	_ =	shalt  }
0x5a: {  	_ =	shalt  }
0x5b: {  	_ =	shalt  }
0x5c: {  	_ =	shalt  }
0x5d: {  	_ =	shalt  }
0x5e: {  	_ =	shalt  }
0x5f: {  	_ =	shalt  }
0x60: {  	_ =	shalt  }
0x61: {  	_ =	shalt  }
0x62: {  	_ =	shalt  }
0x63: {  	_ =	shalt  }
0x64: {  	_ =	shalt  }
0x65: {  	_ =	shalt  }
0x66: {  	_ =	shalt  }
0x67: {  	_ =	shalt  }
0x68: {  	_ =	shalt  }
0x69: {  	_ =	shalt  }
0x6a: {  	_ =	shalt  }
0x6b: {  	_ =	shalt  }
0x6c: {  	_ =	shalt  }
0x6d: {  	_ =	shalt  }
0x6e: {  	_ =	shalt  }
0x6f: {  	_ =	shalt  }
0x70: {  	_ =	shalt  }
0x71: {  	_ =	shalt  }
0x72: {  	_ =	shalt  }
0x73: {  	_ =	shalt  }
0x74: {  	_ =	shalt  }
0x75: {  	_ =	shalt  }
0x76: {  	_ =	shalt  }
0x77: {  	_ =	shalt  }
0x78: {  	_ =	shalt  }
0x79: {  	_ =	shalt  }
0x7a: {  	_ =	shalt  }
0x7b: {  	_ =	shalt  }
0x7c: {  	_ =	shalt  }
0x7d: {  	_ =	shalt  }
0x7e: {  	_ =	shalt  }
0x7f: {  	_ =	shalt  }
0x80: {  	_ =	shalt  }
0x81: {  	_ =	shalt  }
0x82: {  	_ =	shalt  }
0x83: {  	_ =	shalt  }
0x84: {  	_ =	shalt  }
0x85: {  	_ =	shalt  }
0x86: {  	_ =	shalt  }
0x87: {  	_ =	shalt  }
.Lfunc_end0:
.L_simem_size_0:
called_computation_lowered:
.L_overlay_start_0:
0x88: {  	s2 =	sld [smem:$0x3FD9]  }
0x89: {  	s3 =	sld [smem:$0x3FFE];
	_ =	sdelay $0x1  }
0x8a: {  	s1 =	srdreg.scid  }
0x8b: {  	s0 =	sand.u32 $0x1, s1  }
0x8c: {  	s17 =	sshll.u32 s0, $0xA;
	s2 =	sadd.s32 s3, s2  }
0x8d: {  	s2 =	sadd.s32 s2, s17  }
0x8e: {  	[smem:$0x3FC3] =	sst s2  }
0x8f: {  	_ = 	snop  }
0x90: {  	s2 =	sld [smem:$0x3FD0];
	(tm) =	ssettm $0x1  }
0x91: {  	s18 =	sld [smem:$0x3FFB];
	_ =	sdelay $0x3  }
0x92: {  	_ =	strace s18  }
0x93: {  	s3 =	sld [smem:$0x3FFC];
	_ =	sdelay $0x3  }
0x94: {  	_ =	strace s3  }
0x95: {  	s3 =	sld [smem:$0x3FFD];
	_ =	sdelay $0x3  }
0x96: {  	_ =	strace s3  }
0x97: {  	_ =	strace $0x8FFFFFFF  }
0x98: {  	s19 =	sld [smem:$0x3FDB];
	_ =	sdelay $0x1  }
0x99: {  	s4 =	simm.s32 $_scs_section_size  }
0x9a: {  	s5 =	simm.s32 $_size__tile_overlayer_lowered;
	s6 =	simm.s32 $_tile_overlayer_lowered  }
0x9b: {  	s22 =	simm.s32 $0x1BFF;
	s21 =	sshll.u32 s6, $0x1;
	s3 =	sadd.s32 s4, s19  }
0x9c: {  	s7 =	simm.s32 $0x0;
	s20 =	sshll.u32 s5, $0x1;
	s5 =	sadd.s32 s21, s3  }
0x9d: {  	[timem:s7], [sflag:s22] =	dma.local [hbm:s5], s20  }
0x9e: {  	_ =	swait.ge [sflag:s22], s20  }
0x9f: {  	s4 =	ssub.s32 $0x0, s20;
	[sflag:s22] =	ssyncset.done $0x0  }
0xa0: {  	[sflag:s22] =	ssyncadd.s32 s4;
	_ =	sdelay $0x1  }
0xa1: {  	s23 =	simm.s32 $0x1B8B  }
0xa2: {  	_ =	swait.ge [sflag:s23], $0x1  }
0xa3: {  	[sflag:s23] =	ssyncset.done $0x0  }
0xa4: {  	s25 =	simm.s32 $0x1B8E;
	s24 =	sld [smem:$0x3FFE];
	[sflag:s23] =	ssyncadd.s32 $0xFFFFFFFF  }
0xa5: {  	s26 =	simm.s32 $execute0_lowered;
	[smem:$0x3FD2] =	sst s25  }
0xa6: {  	s5 =	sshll.u32 s26, $0x1;
	_ =	strace $0x80000046;
	[dreg:$0x1] =	wrdreg $0xFFFFFFFF  }
0xa7: {  	s28 =	simm.s32 $_size_execute0_lowered;
	s3 =	sadd.s32 s3, s5;
	[dreg:$0x0] =	wrdreg $0x0  }
0xa8: {  	s5 =	sshll.u32 s28, $0x1;
	[dreg:$0x2] =	wrdreg s3  }
0xa9: {  	[dreg:$0x3] =	wrdreg s5  }
0xaa: {  	[dreg:$0x4] =	wrdreg $0xC0  }
0xab: {  	_ =	task [dreg:s7], $0x5FFFF  }
0xac: {  	[dreg:$0x1] =	wrdreg $0xFFFFFFFF  }
0xad: {  	[dreg:$0x0] =	wrdreg $0x60  }
0xae: {  	[dreg:$0x2] =	wrdreg s2  }
0xaf: {  	[dreg:$0x3] =	wrdreg s24  }
0xb0: {  	[dreg:$0x4] =	wrdreg $0x9  }
0xb1: {  	_ =	task.clear_ibuf [dreg:s7], $0x5FFFF;
	_ =	strace $0x90000046  }
0xb2: {  	s29 =	simm.s32 $0x9;
	_ =	strace $0x80000048  }
0xb3: {  	_ =	swait.ge [sflag:s29], $0x1  }
0xb4: {  	[sflag:s29] =	ssyncadd.s32 $0xFFFFFFFF  }
0xb5: {  	_ =	strace $0x90000048  }
0xb6: {  	_ =	sfence  }
0xb7: {  	s30 =	sld [smem:$0x0];
	_ =	sdelay $0x2  }
0xb8: {  	s31 =	sshll.u32 s1, $0xD;
	s1 =	sshrl.u32 s1, $0x2  }
0xb9: {  	s3 =	sand.u32 $0x4000, s31;
	s1 =	sadd.s32 s1, s30  }
0xba: {  	s0 =	sor.u32 s3, s0;
	s1 =	sshll.u32 s1, $0x11  }
0xbb: {  	s0 =	sor.u32 s1, s0  }
0xbc: {  	s0 =	sadd.s32 $0x8F2B, s0  }
0xbd: {  	[sflag:s0] =	ssyncadd.remote.s32 $0x1  }
0xbe: {  	_ =	sfence.sel $0xFFFF  }
0xbf: {  	[dreg:$0x0] =	wrdreg $0xFFFFFFFF;
	(pc) =	sbr.abs _section_cstart, $3  }
0xc0: {  	[dreg:$0x1] =	wrdreg $0xFFFFFFFF  }
0xc1: {  	_ =	task.clear_ibuf [dreg:s7], $0x2FFFF;
	_ =	strace $0x9FFFFFFF  }
0xc2: {  	(tm) =	ssettm $0x7FFFFFFF  }
0xc3: {  	_ =	shalt  }
tec
execute0_lowered:
.L_overlay_start_1:
0x0: {  	(tag) =	ssettag $0x1  }
0x1: {  	s1 =	rddreg [dreg:$0x0]  }
0x2: {  	s0 =	rddreg [dreg:$0x1]  }
0x3: {  	s2 =	simm.s32 $0x0;
	s3 =	srdreg.scid;
	s6 =	stileid.u32  }
0x4: {  	s30 =	simm.s32 $0x80;
	s28 =	simm.s32 $0x280;
	s29 =	simm.s32 $0x5  }
0x5: {  	[smem:$0x7FF] =	sst s2;
	s4 =	sadd.s32 $0x1600, s0;
	s5 =	sadd.s32 $0x65600, s0  }
0x6: {  	s7 =	sshll.u32 s6, $0xA;
	s6 =	sadd.s32 $0xC9600, s0;
	s14 =	sadd.s32 $0x1400, s0  }
0x7: {  	s3 =	sand.u32 $0x1, s3;
	s9 =	sadd.s32 $0x12D600, s0;
	s0 =	sadd.s32 $0x135600, s0  }
0x8: {  	_ =	strace $0x80000047;
	s8 =	sshll.u32 s3, $0x9;
	[dreg:$0x3] =	wrdreg s14  }
0x9: {  	s3 =	ssub.s32 $0x2, s3;
	[dreg:$0x4] =	wrdreg s9;
	s7 =	sor.u32 s8, s7  }
0xa: {  	[dreg:$0x10] =	wrdreg s0;
	s15 =	sshrl.u32 s3, $0x1;
	s10 =	sshrl.u32 s7, $0x3  }
0xb: {  	s3 =	ssub.s32 s3, s15;
	s11 =	sor.u32 $0x80, s7;
	s20 =	sadd.s32 s5, s10  }
0xc: {  	s12 =	sor.u32 $0x100, s7;
	s21 =	sadd.s32 s6, s10;
	[dreg:$0x9] =	wrdreg s20  }
0xd: {  	s13 =	sor.u32 $0x180, s7;
	s26 =	smax.u32 s3, $0x1;
	[dreg:$0xa] =	wrdreg s21  }
0xe: {  	s16 =	sadd.s32 s4, s10;
	s17 =	sshrl.u32 s11, $0x3;
	[dreg:$0x11] =	wrdreg s26  }
0xf: {  	s14 =	sshrl.u32 s12, $0x3;
	s8 =	sadd.s32 s4, s17;
	[dreg:$0x5] =	wrdreg s16  }
0x10: {  	s15 =	sshrl.u32 s13, $0x3;
	s18 =	sadd.s32 s4, s14;
	[dreg:$0x6] =	wrdreg s8  }
0x11: {  	s22 =	sor.u32 $0x800, s10;
	s19 =	sadd.s32 s4, s15;
	[dreg:$0x7] =	wrdreg s18  }
0x12: {  	s3 =	simm.s32 $0x200;
	s10 =	sadd.s32 s4, s22;
	[dreg:$0x8] =	wrdreg s19  }
0x13: {  	s23 =	sadd.s32 $0x810, s16;
	s24 =	sadd.s32 $0x820, s16;
	[dreg:$0xb] =	wrdreg s10  }
0x14: {  	s25 =	sadd.s32 s5, s22;
	s31 =	sadd.s32 $0x830, s16;
	[dreg:$0xc] =	wrdreg s23  }
.Ltmp0:
0x15: {  	s14 =	simm.s32 $0x380;
	[dreg:$0xd] =	wrdreg s24;
	(pc) =	sbr.rel .LBB2_1-.Ltmp0, $4  }
0x16: {  	s16 =	simm.s32 $0xC00;
	s17 =	simm.s32 $0x3;
	[dreg:$0xe] =	wrdreg s25  }
0x17: {  	s26 =	simm.s32 $0x4;
	s8 =	sadd.s32 s6, s22;
	[dreg:$0x12] =	wrdreg s31  }
0x18: {  	v0 =	vlaneseq.u32;
	s18 =	simm.s32 $0x2;
	s19 =	simm.s32 $0x2C00;
	s23 =	simm.s32 $0x4000  }
0x19: {  	v0 =	vmul.u32 $0x10, v0;
	s10 =	simm.s32 $0x0;
	[dreg:$0xf] =	wrdreg s8;
	s8 =	simm.s32 $0x300  }
.LBB2_17:
0x1a: {  	s9 =	simm.s32 $0x6  }
0x1b: {  	_ =	swait.ge [sflag:s9], $0x2000  }
0x1c: {  	s10 =	rddreg [dreg:$0x13]  }
0x1d: {  	s0 =	rddreg [dreg:$0x11];
	s10 =	sadd.s32 $0x1, s10  }
0x1e: {  	p0 =	sne.s32 s10, s0  }
.Ltmp1:
0x1f: {  	_ = 	snop;
	(pc) =	sbr.rel @!p0 .LBB2_18-.Ltmp1, $3  }
0x20: {  	_ =	sdelay $0x1  }
0x21: {  	[sflag:s9] =	ssyncset.done $0x0  }
0x22: {  	[sflag:s9] =	ssyncadd.s32 $0xFFFFE000  }
.LBB2_1:
0x23: {  	[dreg:$0x13] =	wrdreg s10  }
0x24: {  	s0 =	rddreg [dreg:$0x3];
	s9 =	simm.s32 $0x8C00;
	s10 =	simm.s32 $0x7  }
0x25: {  	[tilespmem:s9], [sflag:$0x7] =	stream.linear.gather [hbm4b:s0+s2], $0x120, $0x38;
	[tilespmem:$0x8D20] =	vst v63  }
0x26: {  	_ =	swait.ge [sflag:s10], $0x120  }
0x27: {  	[sflag:s10] =	ssyncset.done $0x0  }
0x28: {  	[sflag:s10] =	ssyncadd.s32 $0xFFFFFEE0  }
0x29: {  	v1 =	vld [tilespmem:$0x8C00]  }
0x2a: {  	v2 =	vld [tilespmem:$0x8C30]  }
0x2b: {  	v3 =	vld [tilespmem:$0x8C60]  }
0x2c: {  	v4 =	vld [tilespmem:$0x8C90]  }
0x2d: {  	v5 =	vld [tilespmem:$0x8CC0]  }
0x2e: {  	v6 =	vld [tilespmem:$0x8CF0]  }
0x2f: {  	v7 =	vld [tilespmem:$0x8C10]  }
0x30: {  	v8 =	vld [tilespmem:$0x8C40]  }
0x31: {  	v9 =	vld [tilespmem:$0x8C70]  }
0x32: {  	v10 =	vld [tilespmem:$0x8CA0]  }
0x33: {  	v11 =	vld [tilespmem:$0x8CD0]  }
0x34: {  	v12 =	vld [tilespmem:$0x8D00]  }
0x35: {  	v13 =	vld [tilespmem:$0x8C20]  }
0x36: {  	v14 =	vld [tilespmem:$0x8C50]  }
0x37: {  	v15 =	vld [tilespmem:$0x8C80]  }
0x38: {  	v16 =	vld [tilespmem:$0x8CB0]  }
0x39: {  	s15 =	rddreg [dreg:$0x5];
	v17 =	vld [tilespmem:$0x8CE0]  }
0x3a: {  	v18 =	vld [tilespmem:$0x8D10];
	[tilespmem:s2], [sflag:$0x1] =	stream.linear.gather [hbm4b:s15+s2], $0x80, $0x38  }
0x3b: {  	s20 =	rddreg [dreg:$0x6]  }
0x3c: {  	[tilespmem:s30], [sflag:$0x1] =	stream.linear.gather [hbm4b:s20+s2], $0x80, $0x38;
	[tilespmem:$0x8D20] =	vst v63  }
0x3d: {  	s9 =	simm.s32 $0x100;
	s21 =	rddreg [dreg:$0x7]  }
0x3e: {  	[tilespmem:s9], [sflag:$0x1] =	stream.linear.gather [hbm4b:s21+s2], $0x80, $0x38;
	[tilespmem:$0x8D20] =	vst v63  }
0x3f: {  	s22 =	rddreg [dreg:$0x8];
	s10 =	simm.s32 $0x180  }
0x40: {  	[tilespmem:s10], [sflag:$0x1] =	stream.linear.gather [hbm4b:s22+s2], $0x80, $0x38;
	[tilespmem:$0x8D20] =	vst v63  }
0x41: {  	s24 =	rddreg [dreg:$0x9];
	s15 =	simm.s32 $0x400  }
0x42: {  	[tilespmem:s15], [sflag:$0x1] =	stream.linear.gather [hbm4b:s24+s2], $0x200, $0x38;
	[tilespmem:$0x8D20] =	vst v63  }
0x43: {  	s31 =	simm.s32 $0x800;
	s25 =	rddreg [dreg:$0xa]  }
0x44: {  	[tilespmem:s31], [sflag:$0x1] =	stream.linear.gather [hbm4b:s25+s2], $0x200, $0x38;
	[tilespmem:$0x8D20] =	vst v63  }
0x45: {  	s20 =	rddreg [dreg:$0xb]  }
0x46: {  	[tilespmem:s3], [sflag:$0x2] =	stream.linear.gather [hbm4b:s20+s2], $0x80, $0x38;
	[tilespmem:$0x8D20] =	vst v63  }
0x47: {  	s21 =	rddreg [dreg:$0xc]  }
0x48: {  	[tilespmem:s28], [sflag:$0x2] =	stream.linear.gather [hbm4b:s21+s2], $0x80, $0x38;
	[tilespmem:$0x8D20] =	vst v63  }
0x49: {  	s22 =	rddreg [dreg:$0xd]  }
0x4a: {  	[tilespmem:s8], [sflag:$0x2] =	stream.linear.gather [hbm4b:s22+s2], $0x80, $0x38;
	[tilespmem:$0x8D20] =	vst v63  }
0x4b: {  	s24 =	rddreg [dreg:$0x12]  }
0x4c: {  	[tilespmem:s14], [sflag:$0x2] =	stream.linear.gather [hbm4b:s24+s2], $0x80, $0x38;
	[tilespmem:$0x8D20] =	vst v63  }
0x4d: {  	s25 =	rddreg [dreg:$0xe];
	s31 =	simm.s32 $0x600  }
0x4e: {  	[tilespmem:s31], [sflag:$0x2] =	stream.linear.gather [hbm4b:s25+s2], $0x200, $0x38;
	[tilespmem:$0x8D20] =	vst v63  }
0x4f: {  	s20 =	rddreg [dreg:$0xf];
	s21 =	simm.s32 $0xA00;
	s22 =	simm.s32 $0x1  }
0x50: {  	[tilespmem:s21], [sflag:$0x2] =	stream.linear.gather [hbm4b:s20+s2], $0x200, $0x38;
	[tilespmem:$0x8D20] =	vst v63  }
0x51: {  	_ =	swait.ge [sflag:s22], $0x80  }
0x52: {  	[sflag:s22] =	ssyncset.done $0x0  }
0x53: {  	[sflag:s22] =	ssyncadd.s32 $0xFFFFFF80  }
0x54: {  	_ =	swait.ge [sflag:s22], $0x80  }
0x55: {  	[sflag:s22] =	ssyncset.done $0x0  }
0x56: {  	[sflag:s22] =	ssyncadd.s32 $0xFFFFFF80  }
0x57: {  	_ =	swait.ge [sflag:s22], $0x80  }
0x58: {  	[sflag:s22] =	ssyncset.done $0x0  }
0x59: {  	[sflag:s22] =	ssyncadd.s32 $0xFFFFFF80  }
0x5a: {  	_ =	swait.ge [sflag:s22], $0x80  }
0x5b: {  	[sflag:s22] =	ssyncset.done $0x0  }
0x5c: {  	[sflag:s22] =	ssyncadd.s32 $0xFFFFFF80  }
0x5d: {  	_ =	swait.ge [sflag:s22], $0x200  }
0x5e: {  	[sflag:s22] =	ssyncset.done $0x0  }
0x5f: {  	[sflag:s22] =	ssyncadd.s32 $0xFFFFFE00  }
0x60: {  	_ =	swait.ge [sflag:s22], $0x200  }
0x61: {  	[sflag:s22] =	ssyncset.done $0x0  }
0x62: {  	[sflag:s22] =	ssyncadd.s32 $0xFFFFFE00  }
0x63: {  	[tilespmem:s16], [sflag:$0x3] =	stream.indirect.gather [hbm4b:s1+s30], $0x10, s2, s30, $0xb8;
	[tilespmem:$0x8D20] =	vst v63  }
0x64: {  	s24 =	simm.s32 $0x1400  }
0x65: {  	[tilespmem:s24], [sflag:$0x3] =	stream.indirect.gather [hbm4b:s1+s30], $0x10, s30, s30, $0xb8;
	[tilespmem:$0x8D20] =	vst v63  }
0x66: {  	s25 =	simm.s32 $0x1C00  }
0x67: {  	[tilespmem:s25], [sflag:$0x3] =	stream.indirect.gather [hbm4b:s1+s30], $0x10, s9, s30, $0xb8;
	[tilespmem:$0x8D20] =	vst v63  }
0x68: {  	s15 =	simm.s32 $0x0;
	s31 =	simm.s32 $0x2400  }
0x69: {  	[tilespmem:s31], [sflag:$0x3] =	stream.indirect.gather [hbm4b:s1+s30], $0x10, s10, s30, $0xb8;
	[tilespmem:$0x8D20] =	vst v63  }
0x6a: {  	v20 =	vld [tilespmem:s15+$0x400]  }
0x6b: {  	v22 =	vld [tilespmem:s15+$0x800];
	_ =	sdelay $0x3  }
0x6c: {  	v19 =	vmul.f32 v20, v1  }
0x6d: {  	v21 =	vmul.f32 v20, v6;
	v23 =	vmul.f32 v22, v12  }
0x6e: {  	v24 =	vmul.f32 v20, v2;
	v25 =	vmul.f32 v22, v7  }
0x6f: {  	v26 =	vmul.f32 v22, v8;
	v27 =	vmul.f32 v20, v3  }
0x70: {  	s0 =	simm.s32 $0x10;
	v28 =	vmul.f32 v22, v9;
	v29 =	vmul.f32 v20, v4  }
0x71: {  	v30 =	vmul.f32 v22, v10;
	v20 =	vmul.f32 v20, v5;
	v23 =	vadd.f32 v23, v21;
	v21 =	vld [tilespmem:s0+$0x400]  }
0x72: {  	v22 =	vmul.f32 v22, v11;
	v25 =	vadd.f32 v25, v19;
	v19 =	vld [tilespmem:s0+$0x800];
	v24 =	vadd.f32 v26, v24  }
0x73: {  	v26 =	vadd.f32 v28, v27;
	v27 =	vadd.f32 v30, v29  }
0x74: {  	v20 =	vadd.f32 v22, v20;
	v23 =	vadd.f32 v23, v18  }
0x75: {  	v25 =	vadd.f32 v25, v13;
	v26 =	vadd.f32 v26, v15  }
0x76: {  	v31 =	vadd.f32 v27, v16;
	[tilespmem:s15+$0x5600] =	vst v23;
	v28 =	vmul.f32 v21, v1;
	v22 =	vmul.f32 v21, v2  }
0x77: {  	v23 =	vadd.f32 v24, v14;
	[tilespmem:s15+$0x4C00] =	vst v25;
	v29 =	vmul.f32 v21, v6;
	v30 =	vmul.f32 v19, v12  }
0x78: {  	v24 =	vadd.f32 v20, v17;
	[tilespmem:s15+$0x5000] =	vst v26;
	v27 =	vmul.f32 v19, v7;
	v25 =	vmul.f32 v21, v3  }
0x79: {  	s20 =	simm.s32 $0x20;
	v26 =	vmul.f32 v19, v9;
	[tilespmem:s15+$0x4E00] =	vst v23;
	v23 =	vmul.f32 v19, v8;
	v29 =	vadd.f32 v30, v29  }
0x7a: {  	s21 =	simm.s32 $0xC0;
	v20 =	vld [tilespmem:s20+$0x400];
	v27 =	vadd.f32 v27, v28;
	v28 =	vmul.f32 v21, v4;
	v30 =	vmul.f32 v19, v10;
	[tilespmem:s15+$0x5200] =	vst v31  }
.LBB2_2:
0x7b: {  	p0 =	sne.s32 s21, $0x7C0;
	v21 =	vmul.f32 v21, v5;
	v31 =	vmul.f32 v19, v11;
	v19 =	vld [tilespmem:s20+$0x800];
	v29 =	vadd.f32 v29, v18;
	[tilespmem:s15+$0x5400] =	vst v24;
	s15 =	smov.u32 s0;
	s0 =	smov.u32 s20  }
0x7c: {  	v22 =	vadd.f32 v23, v22;
	v23 =	vadd.f32 v26, v25  }
0x7d: {  	v24 =	vadd.f32 v30, v28;
	v25 =	vadd.f32 v31, v21;
	[tilespmem:s15+$0x5600] =	vst v29  }
0x7e: {  	v26 =	vadd.f32 v27, v13;
	v27 =	vadd.f32 v22, v14  }
.Ltmp2:
0x7f: {  	v30 =	vadd.f32 v23, v15;
	v28 =	vmul.f32 v20, v1;
	v22 =	vmul.f32 v20, v2;
	v21 =	vmovc v20;
	(pc) =	sbr.rel @p0 .LBB2_2-.Ltmp2, $4  }
0x80: {  	v31 =	vadd.f32 v24, v16;
	v20 =	vmul.f32 v21, v6;
	v29 =	vmul.f32 v19, v12;
	[tilespmem:s15+$0x4C00] =	vst v26  }
0x81: {  	v24 =	vadd.f32 v25, v17;
	v32 =	vmul.f32 v19, v7;
	v23 =	vmul.f32 v19, v8;
	[tilespmem:s15+$0x4E00] =	vst v27  }
0x82: {  	s20 =	sshra.s32 s21, $0x2;
	v25 =	vmul.f32 v21, v3;
	v26 =	vmul.f32 v19, v9;
	v29 =	vadd.f32 v29, v20;
	[tilespmem:s15+$0x5000] =	vst v30  }
0x83: {  	s21 =	sadd.s32 $0x40, s21;
	v27 =	vadd.f32 v32, v28;
	v28 =	vmul.f32 v21, v4;
	v30 =	vmul.f32 v19, v10;
	v20 =	vld [tilespmem:s20+$0x400];
	[tilespmem:s15+$0x5200] =	vst v31  }
0x84: {  	v31 =	vld [tilespmem:s20+$0x800];
	v21 =	vmul.f32 v21, v5;
	v29 =	vadd.f32 v29, v18  }
0x85: {  	v19 =	vmul.f32 v19, v11;
	v22 =	vadd.f32 v23, v22;
	v46 =	vadd.f32 v26, v25  }
0x86: {  	v47 =	vadd.f32 v30, v28;
	v48 =	vadd.f32 v27, v13  }
0x87: {  	v19 =	vadd.f32 v19, v21;
	v22 =	vadd.f32 v22, v14  }
0x88: {  	[tilespmem:s15+$0x5400] =	vst v24;
	v23 =	vadd.f32 v46, v15;
	v49 =	vmul.f32 v20, v1;
	v50 =	vmul.f32 v20, v2  }
0x89: {  	[tilespmem:s0+$0x5600] =	vst v29;
	v25 =	vadd.f32 v47, v16;
	v51 =	vmul.f32 v20, v6;
	v52 =	vmul.f32 v31, v12  }
0x8a: {  	[tilespmem:s0+$0x4C00] =	vst v48;
	v19 =	vadd.f32 v19, v17;
	v55 =	vmul.f32 v20, v3;
	v53 =	vmul.f32 v31, v7  }
0x8b: {  	[tilespmem:s0+$0x4E00] =	vst v22;
	v57 =	vmul.f32 v20, v4;
	v54 =	vmul.f32 v31, v8;
	v27 =	vadd.f32 v52, v51  }
0x8c: {  	[tilespmem:s0+$0x5000] =	vst v23;
	v20 =	vmul.f32 v20, v5;
	v56 =	vmul.f32 v31, v9;
	v21 =	vadd.f32 v53, v49  }
0x8d: {  	v58 =	vmul.f32 v31, v10;
	[tilespmem:s0+$0x5200] =	vst v25;
	v26 =	vadd.f32 v54, v50;
	v59 =	vadd.f32 v27, v18  }
0x8e: {  	v60 =	vmul.f32 v31, v11;
	[tilespmem:s0+$0x5400] =	vst v19;
	v19 =	vadd.f32 v56, v55;
	v21 =	vadd.f32 v21, v13  }
0x8f: {  	v61 =	vadd.f32 v58, v57;
	v62 =	vadd.f32 v26, v14;
	[tilespmem:s20+$0x5600] =	vst v59  }
0x90: {  	v20 =	vadd.f32 v60, v20;
	v19 =	vadd.f32 v19, v15;
	[tilespmem:s20+$0x4C00] =	vst v21  }
0x91: {  	v63 =	vadd.f32 v61, v16;
	[tilespmem:s20+$0x4E00] =	vst v62  }
0x92: {  	v20 =	vadd.f32 v20, v17;
	[tilespmem:s20+$0x5000] =	vst v19  }
0x93: {  	[tilespmem:s20+$0x5200] =	vst v63  }
0x94: {  	s31 =	simm.s32 $0x0;
	[tilespmem:s20+$0x5400] =	vst v20  }
.LBB2_4:
0x95: {  	_ =	swait.ge [sflag:s17], $0x800  }
0x96: {  	[sflag:s17] =	ssyncset.done $0x0  }
0x97: {  	[sflag:s17] =	ssyncadd.s32 $0xFFFFF800  }
0x98: {  	_ =	swait.ge [sflag:s17], $0x800  }
0x99: {  	[sflag:s17] =	ssyncset.done $0x0  }
0x9a: {  	[sflag:s17] =	ssyncadd.s32 $0xFFFFF800  }
0x9b: {  	_ =	swait.ge [sflag:s17], $0x800  }
0x9c: {  	[sflag:s17] =	ssyncset.done $0x0  }
0x9d: {  	[sflag:s17] =	ssyncadd.s32 $0xFFFFF800  }
0x9e: {  	_ =	swait.ge [sflag:s17], $0x800  }
0x9f: {  	[sflag:s17] =	ssyncset.done $0x0  }
0xa0: {  	[sflag:s17] =	ssyncadd.s32 $0xFFFFF800  }
0xa1: {  	_ =	swait.ge [sflag:s18], $0x80  }
0xa2: {  	[sflag:s18] =	ssyncset.done $0x0  }
0xa3: {  	[sflag:s18] =	ssyncadd.s32 $0xFFFFFF80  }
0xa4: {  	_ =	swait.ge [sflag:s18], $0x80  }
0xa5: {  	[sflag:s18] =	ssyncset.done $0x0  }
0xa6: {  	[sflag:s18] =	ssyncadd.s32 $0xFFFFFF80  }
0xa7: {  	_ =	swait.ge [sflag:s18], $0x80  }
0xa8: {  	[sflag:s18] =	ssyncset.done $0x0  }
0xa9: {  	[sflag:s18] =	ssyncadd.s32 $0xFFFFFF80  }
0xaa: {  	_ =	swait.ge [sflag:s18], $0x80  }
0xab: {  	[sflag:s18] =	ssyncset.done $0x0  }
0xac: {  	[sflag:s18] =	ssyncadd.s32 $0xFFFFFF80  }
0xad: {  	_ =	swait.ge [sflag:s18], $0x200  }
0xae: {  	[sflag:s18] =	ssyncset.done $0x0  }
0xaf: {  	[sflag:s18] =	ssyncadd.s32 $0xFFFFFE00  }
0xb0: {  	_ =	swait.ge [sflag:s18], $0x200  }
0xb1: {  	[sflag:s18] =	ssyncset.done $0x0  }
0xb2: {  	[sflag:s18] =	ssyncadd.s32 $0xFFFFFE00  }
0xb3: {  	[tilespmem:s19], [sflag:$0x4] =	stream.indirect.gather [hbm4b:s1+s30], $0x10, s3, s30, $0xb8;
	[tilespmem:$0x8D20] =	vst v63  }
0xb4: {  	s0 =	simm.s32 $0x3400;
	p1 =	por $0x1, $0x1  }
0xb5: {  	[tilespmem:s0], [sflag:$0x4] =	stream.indirect.gather [hbm4b:s1+s30], $0x10, s28, s30, $0xb8;
	[tilespmem:$0x8D20] =	vst v63  }
.Ltmp3:
0xb6: {  	_ = 	snop;
	(pc) =	sbr.rel @!p1 .LBB2_5-.Ltmp3, $4  }
0xb7: {  	s22 =	simm.s32 $0x3C00;
	s24 =	simm.s32 $0x4400;
	s15 =	simm.s32 $0x5C00  }
0xb8: {  	[tilespmem:s22], [sflag:$0x4] =	stream.indirect.gather [hbm4b:s1+s30], $0x10, s8, s30, $0xb8;
	[tilespmem:$0x8D20] =	vst v63  }
0xb9: {  	s25 =	simm.s32 $0x0;
	s10 =	simm.s32 $0x10;
	p0 =	por $0x0, $0x0  }
0xba: {  	v20 =	vmov s25;
	[tilespmem:s24], [sflag:$0x4] =	stream.indirect.gather [hbm4b:s1+s30], $0x10, s14, s30, $0xb8;
	[tilespmem:$0x8D20] =	vst v63  }
0xbb: {  	v19 =	vshll.u32 v20, $0x4  }
0xbc: {  	v19 =	vor.u32 v0, v19  }
0xbd: {  	v20 =	vor.u32 $0x6, v19;
	_ =	sdelay $0x4  }
0xbe: {  	v20 =	vld.idx.msk [tilespmem:v20+s16+$0x0], $0xffff  }
0xbf: {  	v21 =	vor.u32 $0x7, v19;
	_ =	sdelay $0x3  }
0xc0: {  	[tilespmem:s15+$0xFFFFFC00] =	vst v20  }
0xc1: {  	v20 =	vld.idx.msk [tilespmem:v21+s16+$0x0], $0xffff  }
0xc2: {  	v21 =	vor.u32 $0x8, v19;
	_ =	sdelay $0x3  }
0xc3: {  	[tilespmem:s15+$0xFFFFFE00] =	vst v20  }
0xc4: {  	v20 =	vld.idx.msk [tilespmem:v21+s16+$0x0], $0xffff  }
0xc5: {  	v21 =	vor.u32 $0x9, v19;
	_ =	sdelay $0x3  }
0xc6: {  	[tilespmem:s15+$0x0] =	vst v20  }
0xc7: {  	v20 =	vld.idx.msk [tilespmem:v21+s16+$0x0], $0xffff  }
0xc8: {  	v21 =	vor.u32 $0xA, v19;
	_ =	sdelay $0x3  }
0xc9: {  	[tilespmem:s15+$0x200] =	vst v20  }
0xca: {  	v20 =	vld.idx.msk [tilespmem:v21+s16+$0x0], $0xffff  }
0xcb: {  	v21 =	vor.u32 $0xB, v19;
	_ =	sdelay $0x3  }
0xcc: {  	[tilespmem:s15+$0x400] =	vst v20  }
0xcd: {  	v20 =	vld.idx.msk [tilespmem:v21+s16+$0x0], $0xffff  }
0xce: {  	v21 =	vor.u32 $0xC, v19;
	_ =	sdelay $0x3  }
0xcf: {  	[tilespmem:s15+$0x600] =	vst v20  }
0xd0: {  	v20 =	vld.idx.msk [tilespmem:v21+s16+$0x0], $0xffff  }
0xd1: {  	v21 =	vor.u32 $0xD, v19;
	_ =	sdelay $0x3  }
0xd2: {  	[tilespmem:s15+$0x800] =	vst v20  }
0xd3: {  	v20 =	vld.idx.msk [tilespmem:v21+s16+$0x0], $0xffff  }
0xd4: {  	v21 =	vor.u32 $0xE, v19;
	_ =	sdelay $0x3  }
0xd5: {  	[tilespmem:s15+$0xA00] =	vst v20  }
0xd6: {  	p1 =	por $0x1, $0x1;
	v21 =	vld.idx.msk [tilespmem:v21+s16+$0x0], $0xffff  }
.Ltmp4:
0xd7: {  	v19 =	vor.u32 $0xF, v19;
	(pc) =	sbr.rel @!p1 .LBB2_7-.Ltmp4, $2  }
0xd8: {  	_ =	sdelay $0x2  }
0xd9: {  	s21 =	simm.s32 $0x20;
	p0 =	por $0x1, $0x1;
	s20 =	simm.s32 $0x5C00;
	v20 =	vmov s10;
	[tilespmem:s15+$0xC00] =	vst v21  }
.LBB2_8:
0xda: {  	p1 =	sne.s32 s21, $0x1F0;
	v20 =	vshll.u32 v20, $0x4;
	v19 =	vld.idx.msk [tilespmem:v19+s16+$0x0], $0xffff  }
0xdb: {  	v20 =	vor.u32 v0, v20  }
0xdc: {  	v21 =	vor.u32 $0x6, v20;
	_ =	sdelay $0x3  }
0xdd: {  	[tilespmem:s20+$0xE00] =	vst v19  }
0xde: {  	v19 =	vld.idx.msk [tilespmem:v21+s16+$0x0], $0xffff;
	_ =	sdelay $0x1  }
0xdf: {  	v21 =	vor.u32 $0x7, v20;
	_ =	sdelay $0x2  }
0xe0: {  	s20 =	sadd.s32 $0x10, s20  }
0xe1: {  	[tilespmem:s20+$0xFFFFFC00] =	vst v19  }
0xe2: {  	v19 =	vld.idx.msk [tilespmem:v21+s16+$0x0], $0xffff;
	_ =	sdelay $0x1  }
0xe3: {  	v21 =	vor.u32 $0x8, v20;
	_ =	sdelay $0x3  }
0xe4: {  	[tilespmem:s20+$0xFFFFFE00] =	vst v19  }
0xe5: {  	v19 =	vld.idx.msk [tilespmem:v21+s16+$0x0], $0xffff;
	_ =	sdelay $0x1  }
0xe6: {  	v21 =	vor.u32 $0x9, v20;
	_ =	sdelay $0x3  }
0xe7: {  	[tilespmem:s20+$0x0] =	vst v19  }
0xe8: {  	v19 =	vld.idx.msk [tilespmem:v21+s16+$0x0], $0xffff;
	_ =	sdelay $0x1  }
0xe9: {  	v21 =	vor.u32 $0xA, v20;
	_ =	sdelay $0x3  }
0xea: {  	[tilespmem:s20+$0x200] =	vst v19  }
0xeb: {  	v19 =	vld.idx.msk [tilespmem:v21+s16+$0x0], $0xffff;
	_ =	sdelay $0x1  }
0xec: {  	v21 =	vor.u32 $0xB, v20;
	_ =	sdelay $0x3  }
0xed: {  	[tilespmem:s20+$0x400] =	vst v19  }
0xee: {  	v19 =	vld.idx.msk [tilespmem:v21+s16+$0x0], $0xffff;
	_ =	sdelay $0x1  }
0xef: {  	v21 =	vor.u32 $0xC, v20;
	_ =	sdelay $0x3  }
0xf0: {  	[tilespmem:s20+$0x600] =	vst v19  }
0xf1: {  	v19 =	vld.idx.msk [tilespmem:v21+s16+$0x0], $0xffff;
	_ =	sdelay $0x1  }
0xf2: {  	v21 =	vor.u32 $0xD, v20;
	_ =	sdelay $0x3  }
0xf3: {  	[tilespmem:s20+$0x800] =	vst v19  }
0xf4: {  	v19 =	vld.idx.msk [tilespmem:v21+s16+$0x0], $0xffff;
	_ =	sdelay $0x1  }
0xf5: {  	v21 =	vor.u32 $0xE, v20;
	_ =	sdelay $0x3  }
0xf6: {  	[tilespmem:s20+$0xA00] =	vst v19  }
0xf7: {  	v21 =	vld.idx.msk [tilespmem:v21+s16+$0x0], $0xffff;
	_ =	sdelay $0x1  }
.Ltmp5:
0xf8: {  	v19 =	vor.u32 $0xF, v20;
	(pc) =	sbr.rel @p1 .LBB2_8-.Ltmp5, $2  }
0xf9: {  	_ =	sdelay $0x2  }
0xfa: {  	v20 =	vmov s21;
	s21 =	sadd.s32 $0x10, s21;
	[tilespmem:s20+$0xC00] =	vst v21  }
.LBB2_9:
0xfb: {  	_ =	sdelay $0x2  }
0xfc: {  	v20 =	vshll.u32 v20, $0x4  }
0xfd: {  	v19 =	vld.idx.msk @p0 [tilespmem:v19+s16+$0x0], $0xffff;
	v20 =	vor.u32 v0, v20  }
0xfe: {  	v21 =	vor.u32 $0x6, v20;
	_ =	sdelay $0x3  }
0xff: {  	[tilespmem:s20+$0xE00] =	vst @p0 v19  }
0x100: {  	v19 =	vld.idx.msk [tilespmem:v21+s16+$0x0], $0xffff  }
0x101: {  	v21 =	vor.u32 $0x7, v20;
	_ =	sdelay $0x1  }
0x102: {  	s10 =	sadd.s32 @p0 $0x10, s20  }
0x103: {  	s15 =	smov.u32 @p0 s10  }
0x104: {  	[tilespmem:s15+$0xFFFFFC00] =	vst v19  }
0x105: {  	v19 =	vld.idx.msk [tilespmem:v21+s16+$0x0], $0xffff  }
0x106: {  	v21 =	vor.u32 $0x8, v20;
	_ =	sdelay $0x3  }
0x107: {  	[tilespmem:s15+$0xFFFFFE00] =	vst v19  }
0x108: {  	v19 =	vld.idx.msk [tilespmem:v21+s16+$0x0], $0xffff  }
0x109: {  	v21 =	vor.u32 $0x9, v20;
	_ =	sdelay $0x3  }
0x10a: {  	[tilespmem:s15+$0x0] =	vst v19  }
0x10b: {  	v19 =	vld.idx.msk [tilespmem:v21+s16+$0x0], $0xffff  }
0x10c: {  	v21 =	vor.u32 $0xA, v20;
	_ =	sdelay $0x3  }
0x10d: {  	[tilespmem:s15+$0x200] =	vst v19  }
0x10e: {  	v19 =	vld.idx.msk [tilespmem:v21+s16+$0x0], $0xffff  }
0x10f: {  	v21 =	vor.u32 $0xB, v20;
	_ =	sdelay $0x3  }
0x110: {  	[tilespmem:s15+$0x400] =	vst v19  }
0x111: {  	v19 =	vld.idx.msk [tilespmem:v21+s16+$0x0], $0xffff  }
0x112: {  	v21 =	vor.u32 $0xC, v20;
	_ =	sdelay $0x3  }
0x113: {  	[tilespmem:s15+$0x600] =	vst v19  }
0x114: {  	v19 =	vld.idx.msk [tilespmem:v21+s16+$0x0], $0xffff  }
0x115: {  	v21 =	vor.u32 $0xD, v20;
	_ =	sdelay $0x3  }
0x116: {  	[tilespmem:s15+$0x800] =	vst v19  }
0x117: {  	v19 =	vld.idx.msk [tilespmem:v21+s16+$0x0], $0xffff  }
0x118: {  	v21 =	vor.u32 $0xE, v20;
	_ =	sdelay $0x3  }
0x119: {  	[tilespmem:s15+$0xA00] =	vst v19  }
0x11a: {  	v19 =	vld.idx.msk [tilespmem:v21+s16+$0x0], $0xffff  }
0x11b: {  	v20 =	vor.u32 $0xF, v20;
	_ =	sdelay $0x3  }
0x11c: {  	[tilespmem:s15+$0xC00] =	vst v19  }
0x11d: {  	v19 =	vld.idx.msk [tilespmem:v20+s16+$0x0], $0xffff;
	_ =	sdelay $0x1  }
0x11e: {  	s24 =	sshll.u32 s31, $0x13  }
0x11f: {  	s10 =	sor.u32 s7, s24  }
0x120: {  	s0 =	rddreg [dreg:$0x4];
	s20 =	sshrl.u32 s10, $0x3  }
0x121: {  	s25 =	simm.s32 $0x4C00;
	p0 =	seq.s32 s31, $0x0;
	s10 =	sadd.s32 s0, s20;
	[tilespmem:s15+$0xE00] =	vst v19  }
0x122: {  	[hbm4b:s10+s3] =	stream.strided.scatter [tilespmem:s25], [sflag:$0x5], $0x2000, s23, s3, $0x38;
	[tilespmem:$0x8D20] =	vst v63  }
0x123: {  	s10 =	simm.s32 @!p0 $0x6  }
0x124: {  	_ =	swait.ge @!p0 [sflag:s10], $0x2000  }
0x125: {  	[sflag:s10] =	ssyncset.done @!p0 $0x0  }
0x126: {  	s22 =	simm.s32 $0x0;
	[sflag:s10] =	ssyncadd.s32 @!p0 $0xFFFFE000  }
0x127: {  	v20 =	vld [tilespmem:s22+$0x600]  }
0x128: {  	v22 =	vld [tilespmem:s22+$0xA00];
	_ =	sdelay $0x3  }
0x129: {  	v19 =	vmul.f32 v20, v1  }
0x12a: {  	v21 =	vmul.f32 v20, v6;
	v23 =	vmul.f32 v22, v12  }
0x12b: {  	v24 =	vmul.f32 v20, v2;
	v25 =	vmul.f32 v22, v7  }
0x12c: {  	v26 =	vmul.f32 v22, v8;
	v27 =	vmul.f32 v20, v3  }
0x12d: {  	s21 =	simm.s32 $0x10;
	v28 =	vmul.f32 v22, v9;
	v29 =	vmul.f32 v20, v4  }
0x12e: {  	v30 =	vmul.f32 v22, v10;
	v20 =	vmul.f32 v20, v5;
	v23 =	vadd.f32 v23, v21;
	v21 =	vld [tilespmem:s21+$0x600]  }
0x12f: {  	v22 =	vmul.f32 v22, v11;
	v25 =	vadd.f32 v25, v19;
	v19 =	vld [tilespmem:s21+$0xA00];
	v24 =	vadd.f32 v26, v24  }
0x130: {  	v26 =	vadd.f32 v28, v27;
	v27 =	vadd.f32 v30, v29  }
0x131: {  	v20 =	vadd.f32 v22, v20;
	v23 =	vadd.f32 v23, v18  }
0x132: {  	v25 =	vadd.f32 v25, v13;
	v26 =	vadd.f32 v26, v15  }
0x133: {  	v31 =	vadd.f32 v27, v16;
	[tilespmem:s22+$0x7600] =	vst v23;
	v29 =	vmul.f32 v21, v1;
	v22 =	vmul.f32 v21, v2  }
0x134: {  	v23 =	vadd.f32 v24, v14;
	[tilespmem:s22+$0x6C00] =	vst v25;
	v28 =	vmul.f32 v21, v6;
	v30 =	vmul.f32 v19, v12  }
0x135: {  	v24 =	vadd.f32 v20, v17;
	[tilespmem:s22+$0x7000] =	vst v26;
	v27 =	vmul.f32 v19, v7;
	v25 =	vmul.f32 v21, v3  }
0x136: {  	s25 =	simm.s32 $0x20;
	v26 =	vmul.f32 v19, v9;
	[tilespmem:s22+$0x6E00] =	vst v23;
	v23 =	vmul.f32 v19, v8;
	v28 =	vadd.f32 v30, v28  }
0x137: {  	s15 =	sshll.u32 s31, $0xF;
	s10 =	simm.s32 $0xC0;
	v20 =	vld [tilespmem:s25+$0x600];
	v27 =	vadd.f32 v27, v29;
	v29 =	vmul.f32 v21, v4;
	v30 =	vmul.f32 v19, v10;
	[tilespmem:s22+$0x7200] =	vst v31  }
.LBB2_10:
0x138: {  	p0 =	sne.s32 s10, $0x7C0;
	v21 =	vmul.f32 v21, v5;
	v31 =	vmul.f32 v19, v11;
	v19 =	vld [tilespmem:s25+$0xA00];
	v28 =	vadd.f32 v28, v18;
	[tilespmem:s22+$0x7400] =	vst v24;
	s22 =	smov.u32 s21;
	s21 =	smov.u32 s25  }
0x139: {  	v22 =	vadd.f32 v23, v22;
	v23 =	vadd.f32 v26, v25  }
0x13a: {  	v24 =	vadd.f32 v30, v29;
	v25 =	vadd.f32 v31, v21;
	[tilespmem:s22+$0x7600] =	vst v28  }
0x13b: {  	v26 =	vadd.f32 v27, v13;
	v27 =	vadd.f32 v22, v14  }
.Ltmp6:
0x13c: {  	v30 =	vadd.f32 v23, v15;
	v29 =	vmul.f32 v20, v1;
	v22 =	vmul.f32 v20, v2;
	v21 =	vmovc v20;
	(pc) =	sbr.rel @p0 .LBB2_10-.Ltmp6, $4  }
0x13d: {  	v31 =	vadd.f32 v24, v16;
	v20 =	vmul.f32 v21, v6;
	v28 =	vmul.f32 v19, v12;
	[tilespmem:s22+$0x6C00] =	vst v26  }
0x13e: {  	v24 =	vadd.f32 v25, v17;
	v32 =	vmul.f32 v19, v7;
	v23 =	vmul.f32 v19, v8;
	[tilespmem:s22+$0x6E00] =	vst v27  }
0x13f: {  	s25 =	sshra.s32 s10, $0x2;
	v25 =	vmul.f32 v21, v3;
	v26 =	vmul.f32 v19, v9;
	v28 =	vadd.f32 v28, v20;
	[tilespmem:s22+$0x7000] =	vst v30  }
0x140: {  	s10 =	sadd.s32 $0x40, s10;
	v27 =	vadd.f32 v32, v29;
	v29 =	vmul.f32 v21, v4;
	v30 =	vmul.f32 v19, v10;
	v20 =	vld [tilespmem:s25+$0x600];
	[tilespmem:s22+$0x7200] =	vst v31  }
0x141: {  	v21 =	vmul.f32 v21, v5  }
0x142: {  	v31 =	vld [tilespmem:s25+$0xA00];
	v19 =	vmul.f32 v19, v11;
	v28 =	vadd.f32 v28, v18;
	v22 =	vadd.f32 v23, v22  }
0x143: {  	v23 =	vadd.f32 v26, v25;
	v54 =	vadd.f32 v30, v29  }
0x144: {  	v19 =	vadd.f32 v19, v21;
	v22 =	vadd.f32 v22, v14  }
0x145: {  	[tilespmem:s22+$0x7400] =	vst v24;
	v23 =	vadd.f32 v23, v15;
	v55 =	vmul.f32 v20, v1;
	v56 =	vmul.f32 v20, v2  }
0x146: {  	v21 =	vadd.f32 v27, v13;
	v57 =	vmul.f32 v20, v6;
	[tilespmem:s21+$0x6E00] =	vst v22;
	v22 =	vmul.f32 v20, v3  }
0x147: {  	v25 =	vadd.f32 v54, v16;
	[tilespmem:s21+$0x7000] =	vst v23;
	v23 =	vmul.f32 v20, v4;
	v58 =	vmul.f32 v31, v12  }
0x148: {  	[tilespmem:s21+$0x6C00] =	vst v21;
	v19 =	vadd.f32 v19, v17;
	v21 =	vmul.f32 v31, v7;
	v59 =	vmul.f32 v31, v8  }
0x149: {  	v20 =	vmul.f32 v20, v5;
	v60 =	vmul.f32 v31, v9;
	v27 =	vadd.f32 v58, v57  }
0x14a: {  	[tilespmem:s21+$0x7600] =	vst v28;
	v61 =	vmul.f32 v31, v10;
	v21 =	vadd.f32 v21, v55;
	v26 =	vadd.f32 v59, v56  }
0x14b: {  	v63 =	vmul.f32 v31, v11;
	[tilespmem:s21+$0x7400] =	vst v19;
	v19 =	vadd.f32 v60, v22;
	v62 =	vadd.f32 v27, v18  }
0x14c: {  	[tilespmem:s21+$0x7200] =	vst v25;
	v22 =	vadd.f32 v61, v23;
	v21 =	vadd.f32 v21, v13  }
0x14d: {  	v20 =	vadd.f32 v63, v20;
	v23 =	vadd.f32 v26, v14;
	[tilespmem:s25+$0x7600] =	vst v62  }
0x14e: {  	p0 =	seq.s32 s31, $0x63;
	v19 =	vadd.f32 v19, v15;
	[tilespmem:s25+$0x6C00] =	vst v21  }
0x14f: {  	s10 =	sadd.s32 @!p0 $0x8000, s15;
	v20 =	vadd.f32 v20, v17;
	[tilespmem:s25+$0x6E00] =	vst v23  }
0x150: {  	s21 =	sor.u32 @!p0 s7, s10;
	v21 =	vadd.f32 v22, v16;
	[tilespmem:s25+$0x7000] =	vst v19  }
0x151: {  	s21 =	sshrl.u32 @!p0 s21, $0x3;
	[tilespmem:s25+$0x7400] =	vst v20  }
0x152: {  	s22 =	sadd.s32 @!p0 s4, s21;
	[tilespmem:s25+$0x7200] =	vst v21;
	s25 =	simm.s32 @!p0 $0x0  }
0x153: {  	[tilespmem:s25], [sflag:$0x1] =	stream.linear.gather @!p0 [hbm4b:s22+s25], $0x80, $0x38;
	[tilespmem:$0x8D20] =	vst v63  }
0x154: {  	s22 =	sor.u32 @!p0 s11, s10  }
0x155: {  	s22 =	sshrl.u32 @!p0 s22, $0x3  }
0x156: {  	s0 =	simm.s32 @!p0 $0x80;
	s22 =	sadd.s32 @!p0 s4, s22  }
0x157: {  	[tilespmem:s0], [sflag:$0x1] =	stream.linear.gather @!p0 [hbm4b:s22+s25], $0x80, $0x38;
	[tilespmem:$0x8D20] =	vst v63  }
0x158: {  	s22 =	sor.u32 @!p0 s12, s10  }
0x159: {  	s10 =	sor.u32 @!p0 s13, s10;
	s22 =	sshrl.u32 @!p0 s22, $0x3  }
0x15a: {  	s9 =	simm.s32 @!p0 $0x100;
	s10 =	sshrl.u32 @!p0 s10, $0x3;
	s22 =	sadd.s32 @!p0 s4, s22  }
0x15b: {  	[tilespmem:s9], [sflag:$0x1] =	stream.linear.gather @!p0 [hbm4b:s22+s25], $0x80, $0x38;
	[tilespmem:$0x8D20] =	vst v63  }
0x15c: {  	s10 =	sadd.s32 @!p0 s4, s10;
	s22 =	simm.s32 @!p0 $0x180  }
0x15d: {  	[tilespmem:s22], [sflag:$0x1] =	stream.linear.gather @!p0 [hbm4b:s10+s25], $0x80, $0x38;
	[tilespmem:$0x8D20] =	vst v63  }
0x15e: {  	s24 =	simm.s32 @!p0 $0x400;
	s10 =	sadd.s32 @!p0 s5, s21  }
0x15f: {  	[tilespmem:s24], [sflag:$0x1] =	stream.linear.gather @!p0 [hbm4b:s10+s25], $0x200, $0x38;
	[tilespmem:$0x8D20] =	vst v63  }
0x160: {  	s10 =	sadd.s32 @!p0 s6, s21;
	s21 =	simm.s32 @!p0 $0x800  }
0x161: {  	[tilespmem:s21], [sflag:$0x1] =	stream.linear.gather @!p0 [hbm4b:s10+s25], $0x200, $0x38;
	[tilespmem:$0x8D20] =	vst v63  }
0x162: {  	_ =	swait.ge [sflag:s26], $0x800  }
0x163: {  	[sflag:s26] =	ssyncset.done $0x0  }
0x164: {  	[sflag:s26] =	ssyncadd.s32 $0xFFFFF800  }
0x165: {  	_ =	swait.ge [sflag:s26], $0x800  }
0x166: {  	[sflag:s26] =	ssyncset.done $0x0  }
0x167: {  	[sflag:s26] =	ssyncadd.s32 $0xFFFFF800  }
0x168: {  	_ =	swait.ge [sflag:s26], $0x800  }
0x169: {  	[sflag:s26] =	ssyncset.done $0x0  }
0x16a: {  	[sflag:s26] =	ssyncadd.s32 $0xFFFFF800  }
0x16b: {  	_ =	swait.ge [sflag:s26], $0x800  }
0x16c: {  	[sflag:s26] =	ssyncset.done $0x0  }
0x16d: {  	s10 =	simm.s32 @!p0 $0x1;
	[sflag:s26] =	ssyncadd.s32 $0xFFFFF800  }
0x16e: {  	_ =	swait.ge @!p0 [sflag:s10], $0x80  }
0x16f: {  	[sflag:s10] =	ssyncset.done @!p0 $0x0  }
0x170: {  	[sflag:s10] =	ssyncadd.s32 @!p0 $0xFFFFFF80  }
0x171: {  	_ =	swait.ge @!p0 [sflag:s10], $0x80  }
0x172: {  	[sflag:s10] =	ssyncset.done @!p0 $0x0  }
0x173: {  	[sflag:s10] =	ssyncadd.s32 @!p0 $0xFFFFFF80  }
0x174: {  	_ =	swait.ge @!p0 [sflag:s10], $0x80  }
0x175: {  	[sflag:s10] =	ssyncset.done @!p0 $0x0  }
0x176: {  	[sflag:s10] =	ssyncadd.s32 @!p0 $0xFFFFFF80  }
0x177: {  	_ =	swait.ge @!p0 [sflag:s10], $0x80  }
0x178: {  	[sflag:s10] =	ssyncset.done @!p0 $0x0  }
0x179: {  	[sflag:s10] =	ssyncadd.s32 @!p0 $0xFFFFFF80  }
0x17a: {  	_ =	swait.ge @!p0 [sflag:s10], $0x200  }
0x17b: {  	[sflag:s10] =	ssyncset.done @!p0 $0x0  }
0x17c: {  	[sflag:s10] =	ssyncadd.s32 @!p0 $0xFFFFFE00  }
0x17d: {  	_ =	swait.ge @!p0 [sflag:s10], $0x200  }
0x17e: {  	s24 =	simm.s32 $0x0;
	[sflag:s10] =	ssyncset.done @!p0 $0x0  }
0x17f: {  	v19 =	vmov s24;
	[sflag:s10] =	ssyncadd.s32 @!p0 $0xFFFFFE00;
	s10 =	simm.s32 @!p0 $0xC00  }
0x180: {  	v19 =	vshll.u32 v19, $0x4;
	[tilespmem:s10], [sflag:$0x3] =	stream.indirect.gather @!p0 [hbm4b:s1+s0], $0x10, s25, s0, $0xb8;
	[tilespmem:$0x8D20] =	vst v63  }
0x181: {  	v19 =	vor.u32 v0, v19;
	s10 =	simm.s32 @!p0 $0x1400  }
0x182: {  	v20 =	vor.u32 $0x6, v19;
	[tilespmem:s10], [sflag:$0x3] =	stream.indirect.gather @!p0 [hbm4b:s1+s0], $0x10, s0, s0, $0xb8;
	[tilespmem:$0x8D20] =	vst v63  }
0x183: {  	s10 =	simm.s32 @!p0 $0x1C00  }
0x184: {  	[tilespmem:s10], [sflag:$0x3] =	stream.indirect.gather @!p0 [hbm4b:s1+s0], $0x10, s9, s0, $0xb8;
	[tilespmem:$0x8D20] =	vst v63  }
0x185: {  	s9 =	simm.s32 @!p0 $0x2400  }
0x186: {  	[tilespmem:s9], [sflag:$0x3] =	stream.indirect.gather @!p0 [hbm4b:s1+s0], $0x10, s22, s0, $0xb8;
	[tilespmem:$0x8D20] =	vst v63  }
0x187: {  	v20 =	vld.idx.msk [tilespmem:v20+s19+$0x0], $0xffff  }
0x188: {  	v21 =	vor.u32 $0x7, v19;
	_ =	sdelay $0x2  }
0x189: {  	s21 =	simm.s32 $0x8A00  }
0x18a: {  	[tilespmem:s21+$0xFFFFEE00] =	vst v20  }
0x18b: {  	v20 =	vld.idx.msk [tilespmem:v21+s19+$0x0], $0xffff  }
0x18c: {  	v21 =	vor.u32 $0x8, v19;
	_ =	sdelay $0x3  }
0x18d: {  	[tilespmem:s21+$0xFFFFF000] =	vst v20  }
0x18e: {  	v20 =	vld.idx.msk [tilespmem:v21+s19+$0x0], $0xffff  }
0x18f: {  	v21 =	vor.u32 $0x9, v19;
	_ =	sdelay $0x3  }
0x190: {  	[tilespmem:s21+$0xFFFFF200] =	vst v20  }
0x191: {  	v20 =	vld.idx.msk [tilespmem:v21+s19+$0x0], $0xffff  }
0x192: {  	v21 =	vor.u32 $0xA, v19;
	_ =	sdelay $0x3  }
0x193: {  	[tilespmem:s21+$0xFFFFF400] =	vst v20  }
0x194: {  	v20 =	vld.idx.msk [tilespmem:v21+s19+$0x0], $0xffff  }
0x195: {  	v21 =	vor.u32 $0xB, v19;
	_ =	sdelay $0x3  }
0x196: {  	[tilespmem:s21+$0xFFFFF600] =	vst v20  }
0x197: {  	v20 =	vld.idx.msk [tilespmem:v21+s19+$0x0], $0xffff  }
0x198: {  	v21 =	vor.u32 $0xC, v19;
	_ =	sdelay $0x3  }
0x199: {  	[tilespmem:s21+$0xFFFFF800] =	vst v20  }
0x19a: {  	v20 =	vld.idx.msk [tilespmem:v21+s19+$0x0], $0xffff  }
0x19b: {  	v21 =	vor.u32 $0xD, v19;
	_ =	sdelay $0x3  }
0x19c: {  	[tilespmem:s21+$0xFFFFFA00] =	vst v20  }
0x19d: {  	v20 =	vld.idx.msk [tilespmem:v21+s19+$0x0], $0xffff  }
0x19e: {  	v21 =	vor.u32 $0xE, v19;
	_ =	sdelay $0x3  }
0x19f: {  	[tilespmem:s21+$0xFFFFFC00] =	vst v20  }
0x1a0: {  	v21 =	vld.idx.msk [tilespmem:v21+s19+$0x0], $0xffff  }
0x1a1: {  	v19 =	vor.u32 $0xF, v19;
	_ =	sdelay $0x2  }
0x1a2: {  	s25 =	simm.s32 $0x10  }
0x1a3: {  	s22 =	simm.s32 $0x20;
	v20 =	vmov s25;
	[tilespmem:s21+$0xFFFFFE00] =	vst v21  }
.LBB2_12:
0x1a4: {  	p1 =	sne.s32 s22, $0x1F0;
	v20 =	vshll.u32 v20, $0x4;
	v19 =	vld.idx.msk [tilespmem:v19+s19+$0x0], $0xffff  }
0x1a5: {  	v20 =	vor.u32 v0, v20  }
0x1a6: {  	v21 =	vor.u32 $0x6, v20;
	_ =	sdelay $0x3  }
0x1a7: {  	[tilespmem:s21+$0x0] =	vst v19  }
0x1a8: {  	v19 =	vld.idx.msk [tilespmem:v21+s19+$0x0], $0xffff;
	_ =	sdelay $0x1  }
0x1a9: {  	v21 =	vor.u32 $0x7, v20;
	_ =	sdelay $0x2  }
0x1aa: {  	s21 =	sadd.s32 $0x10, s21  }
0x1ab: {  	[tilespmem:s21+$0xFFFFEE00] =	vst v19  }
0x1ac: {  	v19 =	vld.idx.msk [tilespmem:v21+s19+$0x0], $0xffff;
	_ =	sdelay $0x1  }
0x1ad: {  	v21 =	vor.u32 $0x8, v20;
	_ =	sdelay $0x3  }
0x1ae: {  	[tilespmem:s21+$0xFFFFF000] =	vst v19  }
0x1af: {  	v19 =	vld.idx.msk [tilespmem:v21+s19+$0x0], $0xffff;
	_ =	sdelay $0x1  }
0x1b0: {  	v21 =	vor.u32 $0x9, v20;
	_ =	sdelay $0x3  }
0x1b1: {  	[tilespmem:s21+$0xFFFFF200] =	vst v19  }
0x1b2: {  	v19 =	vld.idx.msk [tilespmem:v21+s19+$0x0], $0xffff;
	_ =	sdelay $0x1  }
0x1b3: {  	v21 =	vor.u32 $0xA, v20;
	_ =	sdelay $0x3  }
0x1b4: {  	[tilespmem:s21+$0xFFFFF400] =	vst v19  }
0x1b5: {  	v19 =	vld.idx.msk [tilespmem:v21+s19+$0x0], $0xffff;
	_ =	sdelay $0x1  }
0x1b6: {  	v21 =	vor.u32 $0xB, v20;
	_ =	sdelay $0x3  }
0x1b7: {  	[tilespmem:s21+$0xFFFFF600] =	vst v19  }
0x1b8: {  	v19 =	vld.idx.msk [tilespmem:v21+s19+$0x0], $0xffff;
	_ =	sdelay $0x1  }
0x1b9: {  	v21 =	vor.u32 $0xC, v20;
	_ =	sdelay $0x3  }
0x1ba: {  	[tilespmem:s21+$0xFFFFF800] =	vst v19  }
0x1bb: {  	v19 =	vld.idx.msk [tilespmem:v21+s19+$0x0], $0xffff;
	_ =	sdelay $0x1  }
0x1bc: {  	v21 =	vor.u32 $0xD, v20;
	_ =	sdelay $0x3  }
0x1bd: {  	[tilespmem:s21+$0xFFFFFA00] =	vst v19  }
0x1be: {  	v19 =	vld.idx.msk [tilespmem:v21+s19+$0x0], $0xffff;
	_ =	sdelay $0x1  }
0x1bf: {  	v21 =	vor.u32 $0xE, v20;
	_ =	sdelay $0x3  }
0x1c0: {  	[tilespmem:s21+$0xFFFFFC00] =	vst v19  }
0x1c1: {  	v21 =	vld.idx.msk [tilespmem:v21+s19+$0x0], $0xffff;
	_ =	sdelay $0x1  }
.Ltmp7:
0x1c2: {  	v19 =	vor.u32 $0xF, v20;
	(pc) =	sbr.rel @p1 .LBB2_12-.Ltmp7, $2  }
0x1c3: {  	_ =	sdelay $0x2  }
0x1c4: {  	v20 =	vmov s22;
	s22 =	sadd.s32 $0x10, s22;
	[tilespmem:s21+$0xFFFFFE00] =	vst v21  }
0x1c5: {  	_ =	sdelay $0x2  }
0x1c6: {  	v20 =	vshll.u32 v20, $0x4  }
0x1c7: {  	v19 =	vld.idx.msk [tilespmem:v19+s19+$0x0], $0xffff;
	v20 =	vor.u32 v0, v20  }
0x1c8: {  	v21 =	vor.u32 $0x6, v20;
	_ =	sdelay $0x3  }
0x1c9: {  	[tilespmem:s21+$0x0] =	vst v19  }
0x1ca: {  	v19 =	vld.idx.msk [tilespmem:v21+s19+$0x0], $0xffff  }
0x1cb: {  	v56 =	vor.u32 $0x7, v20;
	_ =	sdelay $0x2  }
0x1cc: {  	s0 =	sadd.s32 $0x10, s21  }
0x1cd: {  	[tilespmem:s0+$0xFFFFEE00] =	vst v19  }
0x1ce: {  	v19 =	vld.idx.msk [tilespmem:v56+s19+$0x0], $0xffff  }
0x1cf: {  	v57 =	vor.u32 $0x8, v20;
	_ =	sdelay $0x3  }
0x1d0: {  	[tilespmem:s0+$0xFFFFF000] =	vst v19  }
0x1d1: {  	v19 =	vld.idx.msk [tilespmem:v57+s19+$0x0], $0xffff  }
0x1d2: {  	v58 =	vor.u32 $0x9, v20;
	_ =	sdelay $0x3  }
0x1d3: {  	[tilespmem:s0+$0xFFFFF200] =	vst v19  }
0x1d4: {  	v19 =	vld.idx.msk [tilespmem:v58+s19+$0x0], $0xffff  }
0x1d5: {  	v59 =	vor.u32 $0xA, v20;
	_ =	sdelay $0x3  }
0x1d6: {  	[tilespmem:s0+$0xFFFFF400] =	vst v19  }
0x1d7: {  	v19 =	vld.idx.msk [tilespmem:v59+s19+$0x0], $0xffff  }
0x1d8: {  	v60 =	vor.u32 $0xB, v20;
	_ =	sdelay $0x3  }
0x1d9: {  	[tilespmem:s0+$0xFFFFF600] =	vst v19  }
0x1da: {  	v19 =	vld.idx.msk [tilespmem:v60+s19+$0x0], $0xffff  }
0x1db: {  	v61 =	vor.u32 $0xC, v20;
	_ =	sdelay $0x3  }
0x1dc: {  	[tilespmem:s0+$0xFFFFF800] =	vst v19  }
0x1dd: {  	v19 =	vld.idx.msk [tilespmem:v61+s19+$0x0], $0xffff  }
0x1de: {  	v62 =	vor.u32 $0xD, v20;
	_ =	sdelay $0x3  }
0x1df: {  	[tilespmem:s0+$0xFFFFFA00] =	vst v19  }
0x1e0: {  	v19 =	vld.idx.msk [tilespmem:v62+s19+$0x0], $0xffff  }
0x1e1: {  	v63 =	vor.u32 $0xE, v20;
	_ =	sdelay $0x3  }
0x1e2: {  	[tilespmem:s0+$0xFFFFFC00] =	vst v19  }
0x1e3: {  	v19 =	vld.idx.msk [tilespmem:v63+s19+$0x0], $0xffff  }
0x1e4: {  	v20 =	vor.u32 $0xF, v20;
	_ =	sdelay $0x3  }
0x1e5: {  	[tilespmem:s0+$0xFFFFFE00] =	vst v19  }
0x1e6: {  	v19 =	vld.idx.msk [tilespmem:v20+s19+$0x0], $0xffff;
	_ =	sdelay $0x3  }
0x1e7: {  	s25 =	rddreg [dreg:$0x10]  }
.Ltmp8:
0x1e8: {  	s9 =	simm.s32 $0x6C00;
	[tilespmem:s0+$0x0] =	vst v19;
	s0 =	sadd.s32 s20, s25;
	(pc) =	sbr.rel @p0 .LBB2_17-.Ltmp8, $4  }
0x1e9: {  	[hbm4b:s0+s3] =	stream.strided.scatter [tilespmem:s9], [sflag:$0x6], $0x2000, s23, s3, $0x38;
	[tilespmem:$0x8D20] =	vst v63  }
0x1ea: {  	_ =	swait.ge [sflag:s29], $0x2000  }
0x1eb: {  	[sflag:s29] =	ssyncset.done $0x0  }
0x1ec: {  	[sflag:s29] =	ssyncadd.s32 $0xFFFFE000  }
0x1ed: {  	s21 =	simm.s32 $0x0  }
0x1ee: {  	v20 =	vld [tilespmem:s21+$0x400]  }
0x1ef: {  	v22 =	vld [tilespmem:s21+$0x800];
	_ =	sdelay $0x3  }
0x1f0: {  	v19 =	vmul.f32 v20, v1  }
0x1f1: {  	v21 =	vmul.f32 v20, v6;
	v23 =	vmul.f32 v22, v12  }
0x1f2: {  	v24 =	vmul.f32 v20, v2;
	v25 =	vmul.f32 v22, v7  }
0x1f3: {  	v26 =	vmul.f32 v22, v8;
	v27 =	vmul.f32 v20, v3  }
0x1f4: {  	s20 =	simm.s32 $0x10;
	v28 =	vmul.f32 v22, v9;
	v29 =	vmul.f32 v20, v4  }
0x1f5: {  	v30 =	vmul.f32 v22, v10;
	v20 =	vmul.f32 v20, v5;
	v23 =	vadd.f32 v23, v21;
	v21 =	vld [tilespmem:s20+$0x400]  }
0x1f6: {  	v22 =	vmul.f32 v22, v11;
	v25 =	vadd.f32 v25, v19;
	v19 =	vld [tilespmem:s20+$0x800];
	v24 =	vadd.f32 v26, v24  }
0x1f7: {  	v26 =	vadd.f32 v28, v27;
	v27 =	vadd.f32 v30, v29  }
0x1f8: {  	v20 =	vadd.f32 v22, v20;
	v23 =	vadd.f32 v23, v18  }
0x1f9: {  	v25 =	vadd.f32 v25, v13;
	v26 =	vadd.f32 v26, v15  }
0x1fa: {  	v31 =	vadd.f32 v27, v16;
	[tilespmem:s21+$0x5600] =	vst v23;
	v28 =	vmul.f32 v21, v1;
	v22 =	vmul.f32 v21, v2  }
0x1fb: {  	v23 =	vadd.f32 v24, v14;
	[tilespmem:s21+$0x4C00] =	vst v25;
	v29 =	vmul.f32 v21, v6;
	v30 =	vmul.f32 v19, v12  }
0x1fc: {  	v24 =	vadd.f32 v20, v17;
	[tilespmem:s21+$0x5000] =	vst v26;
	v27 =	vmul.f32 v19, v7;
	v25 =	vmul.f32 v21, v3  }
0x1fd: {  	s22 =	simm.s32 $0x20;
	v26 =	vmul.f32 v19, v9;
	[tilespmem:s21+$0x4E00] =	vst v23;
	v23 =	vmul.f32 v19, v8;
	v29 =	vadd.f32 v30, v29  }
0x1fe: {  	s10 =	simm.s32 $0xC0;
	v20 =	vld [tilespmem:s22+$0x400];
	v27 =	vadd.f32 v27, v28;
	v28 =	vmul.f32 v21, v4;
	v30 =	vmul.f32 v19, v10;
	[tilespmem:s21+$0x5200] =	vst v31  }
.LBB2_15:
0x1ff: {  	p0 =	sne.s32 s10, $0x7C0;
	v21 =	vmul.f32 v21, v5;
	v31 =	vmul.f32 v19, v11;
	v19 =	vld [tilespmem:s22+$0x800];
	v29 =	vadd.f32 v29, v18;
	[tilespmem:s21+$0x5400] =	vst v24;
	s21 =	smov.u32 s20;
	s20 =	smov.u32 s22  }
0x200: {  	v22 =	vadd.f32 v23, v22;
	v23 =	vadd.f32 v26, v25  }
0x201: {  	v24 =	vadd.f32 v30, v28;
	v25 =	vadd.f32 v31, v21;
	[tilespmem:s21+$0x5600] =	vst v29  }
0x202: {  	v26 =	vadd.f32 v27, v13;
	v27 =	vadd.f32 v22, v14  }
.Ltmp9:
0x203: {  	v30 =	vadd.f32 v23, v15;
	v28 =	vmul.f32 v20, v1;
	v22 =	vmul.f32 v20, v2;
	v21 =	vmovc v20;
	(pc) =	sbr.rel @p0 .LBB2_15-.Ltmp9, $4  }
0x204: {  	v31 =	vadd.f32 v24, v16;
	v20 =	vmul.f32 v21, v6;
	v29 =	vmul.f32 v19, v12;
	[tilespmem:s21+$0x4C00] =	vst v26  }
0x205: {  	v24 =	vadd.f32 v25, v17;
	v32 =	vmul.f32 v19, v7;
	v23 =	vmul.f32 v19, v8;
	[tilespmem:s21+$0x4E00] =	vst v27  }
0x206: {  	s22 =	sshra.s32 s10, $0x2;
	v25 =	vmul.f32 v21, v3;
	v26 =	vmul.f32 v19, v9;
	v29 =	vadd.f32 v29, v20;
	[tilespmem:s21+$0x5000] =	vst v30  }
0x207: {  	s10 =	sadd.s32 $0x40, s10;
	v27 =	vadd.f32 v32, v28;
	v28 =	vmul.f32 v21, v4;
	v30 =	vmul.f32 v19, v10;
	v20 =	vld [tilespmem:s22+$0x400];
	[tilespmem:s21+$0x5200] =	vst v31  }
0x208: {  	v31 =	vld [tilespmem:s22+$0x800];
	v21 =	vmul.f32 v21, v5;
	v29 =	vadd.f32 v29, v18  }
0x209: {  	v19 =	vmul.f32 v19, v11;
	v22 =	vadd.f32 v23, v22;
	v46 =	vadd.f32 v26, v25  }
0x20a: {  	v47 =	vadd.f32 v30, v28;
	v48 =	vadd.f32 v27, v13  }
0x20b: {  	v19 =	vadd.f32 v19, v21;
	v22 =	vadd.f32 v22, v14  }
0x20c: {  	[tilespmem:s21+$0x5400] =	vst v24;
	v23 =	vadd.f32 v46, v15;
	v49 =	vmul.f32 v20, v1;
	v50 =	vmul.f32 v20, v2  }
0x20d: {  	[tilespmem:s20+$0x5600] =	vst v29;
	v25 =	vadd.f32 v47, v16;
	v51 =	vmul.f32 v20, v6;
	v52 =	vmul.f32 v31, v12  }
0x20e: {  	[tilespmem:s20+$0x4C00] =	vst v48;
	v19 =	vadd.f32 v19, v17;
	v55 =	vmul.f32 v20, v3;
	v53 =	vmul.f32 v31, v7  }
0x20f: {  	[tilespmem:s20+$0x4E00] =	vst v22;
	v57 =	vmul.f32 v20, v4;
	v54 =	vmul.f32 v31, v8;
	v27 =	vadd.f32 v52, v51  }
0x210: {  	[tilespmem:s20+$0x5000] =	vst v23;
	v20 =	vmul.f32 v20, v5;
	v56 =	vmul.f32 v31, v9;
	v21 =	vadd.f32 v53, v49  }
0x211: {  	v58 =	vmul.f32 v31, v10;
	[tilespmem:s20+$0x5200] =	vst v25;
	v26 =	vadd.f32 v54, v50;
	v59 =	vadd.f32 v27, v18  }
0x212: {  	v60 =	vmul.f32 v31, v11;
	[tilespmem:s20+$0x5400] =	vst v19;
	v19 =	vadd.f32 v56, v55;
	v21 =	vadd.f32 v21, v13  }
0x213: {  	v61 =	vadd.f32 v58, v57;
	v62 =	vadd.f32 v26, v14;
	[tilespmem:s22+$0x5600] =	vst v59  }
0x214: {  	v20 =	vadd.f32 v60, v20;
	v19 =	vadd.f32 v19, v15;
	[tilespmem:s22+$0x4C00] =	vst v21  }
0x215: {  	s0 =	sadd.s32 $0xC000, s15;
	v63 =	vadd.f32 v61, v16;
	[tilespmem:s22+$0x4E00] =	vst v62  }
0x216: {  	s9 =	sor.u32 s7, s0;
	v20 =	vadd.f32 v20, v17;
	[tilespmem:s22+$0x5000] =	vst v19  }
0x217: {  	s9 =	sshrl.u32 s9, $0x3;
	[tilespmem:s22+$0x5200] =	vst v63  }
0x218: {  	s15 =	sor.u32 s11, s0;
	s10 =	sadd.s32 s4, s9;
	[tilespmem:s22+$0x5400] =	vst v20  }
0x219: {  	[tilespmem:s3], [sflag:$0x2] =	stream.linear.gather [hbm4b:s10+s2], $0x80, $0x38;
	[tilespmem:$0x8D20] =	vst v63  }
0x21a: {  	s10 =	sshrl.u32 s15, $0x3  }
0x21b: {  	s20 =	sor.u32 s12, s0;
	s10 =	sadd.s32 s4, s10  }
0x21c: {  	[tilespmem:s28], [sflag:$0x2] =	stream.linear.gather [hbm4b:s10+s2], $0x80, $0x38;
	[tilespmem:$0x8D20] =	vst v63  }
0x21d: {  	s0 =	sor.u32 s13, s0;
	s10 =	sshrl.u32 s20, $0x3  }
0x21e: {  	s0 =	sshrl.u32 s0, $0x3;
	s10 =	sadd.s32 s4, s10  }
0x21f: {  	[tilespmem:s8], [sflag:$0x2] =	stream.linear.gather [hbm4b:s10+s2], $0x80, $0x38;
	[tilespmem:$0x8D20] =	vst v63  }
0x220: {  	s0 =	sadd.s32 s4, s0  }
0x221: {  	[tilespmem:s14], [sflag:$0x2] =	stream.linear.gather [hbm4b:s0+s2], $0x80, $0x38;
	[tilespmem:$0x8D20] =	vst v63  }
.Ltmp10:
0x222: {  	_ = 	snop;
	(pc) =	sbr.rel .LBB2_4-.Ltmp10, $4  }
0x223: {  	s21 =	sadd.s32 s5, s9;
	s22 =	simm.s32 $0x600  }
0x224: {  	[tilespmem:s22], [sflag:$0x2] =	stream.linear.gather [hbm4b:s21+s2], $0x200, $0x38;
	[tilespmem:$0x8D20] =	vst v63  }
0x225: {  	s25 =	simm.s32 $0xA00;
	s31 =	sadd.s32 $0x1, s31;
	s24 =	sadd.s32 s6, s9  }
0x226: {  	[tilespmem:s25], [sflag:$0x2] =	stream.linear.gather [hbm4b:s24+s2], $0x200, $0x38;
	[tilespmem:$0x8D20] =	vst v63  }
.LBB2_5:
.Ltmp11:
0x227: {  	(pc) =	sbr.rel .LBB2_9-.Ltmp11, $2  }
0x228: {  	_ =	sdelay $0x2  }
0x229: {  	s20 =	simm.s32 $0x5C00  }
.LBB2_7:
.Ltmp12:
0x22a: {  	(pc) =	sbr.rel .LBB2_9-.Ltmp12, $2  }
0x22b: {  	_ =	sdelay $0x2  }
0x22c: {  	s20 =	simm.s32 $0x5C00  }
.LBB2_18:
0x22d: {  	_ =	sfence.sel $0x180000  }
0x22e: {  	[bflag:$0x0] =	sbarrier.arrive $0xFFFF  }
0x22f: {  	_ =	strace $0x90000047  }
0x230: {  	s0 =	stileid.u32;
	[bflag:$0x2] =	sbarrier.arrive $0xFFFF  }
0x231: {  	p0 =	sne.s32 s0, $0x0;
	s0 =	rddreg [dreg:$0x2]  }
0x232: {  	s0 =	sadd.s32 @!p0 $0x100000, s0  }
0x233: {  	[sflag:s0] =	ssyncadd.tile.s32 @!p0 $0x1;
	_ =	shalt  }
.Lfunc_end2:
_tile_overlayer_lowered:
.L_overlay_start_2:
0x234: {  	(tag) =	ssettag $0x2  }
0x235: {  	s0 =	rddreg [dreg:$0x0];
	s2 =	stileid.u32  }
0x236: {  	s1 =	rddreg [dreg:$0x1];
	p0 =	sne.s32 s2, $0x0  }
0x237: {  	s3 =	rddreg [dreg:$0x2];
	[bflag:$0x3] =	sbarrier.arrive $0xFFFF;
	s2 =	simm.s32 @!p0 $0x1C07  }
0x238: {  	[timem:s3], [sflag:s2] =	dma.local @!p0 [hbm:s0], s1  }
0x239: {  	s0 =	simm.s32 @!p0 $0x7  }
0x23a: {  	_ =	swait.ge @!p0 [sflag:s0], s1  }
0x23b: {  	s1 =	ssub.s32 @!p0 $0x0, s1;
	[sflag:s0] =	ssyncset.done @!p0 $0x0  }
0x23c: {  	[sflag:s0] =	ssyncadd.s32 @!p0 s1  }
0x23d: {  	[bflag:$0x3] =	sbarrier.arrive $0xFFFF  }
0x23e: {  	_ =	shalt  }

</sc_bundles>
